<compile_context>
chip_gen: v7x
topology: tpu7x:2x2x1
jax: 0.10.2.dev20260603
libtpu: 0.0.44.dev20260713+nightly
codegen_flags: <defaults>
</compile_context>

<pallas_src>
import dataclasses
import functools

import jax
import jax.numpy as jnp
from jax.experimental import pallas as pl
from jax.experimental.pallas import tpu as pltpu
from jax.experimental.pallas import tpu_sc as plsc

_GROUPS = (
    (0, 1, 2, 8, 25),
    (3, 24),
    (6, 7),
    (4, 9),
    (12, 13, 14, 15),
    (16, 17, 18, 19, 20, 21, 22, 23),
)

_N_COLS = 26
_N_OUT = 6
_LANES = 16
_TILE = 128
_SC_BLOCK_W = 1024
_TC_BLOCK_W = 65536
_TC_N_BLOCKS = 6


def _group_max_body(in_vmem, out_vmem):
    @plsc.parallel_loop(0, in_vmem.shape[1] // _LANES, unroll=8)
    def _(i):
        sl = pl.ds(i * _LANES, _LANES)
        for g, idx in enumerate(_GROUPS):
            m = in_vmem[idx[0], sl]
            for c in idx[1:]:
                m = jnp.maximum(m, in_vmem[c, sl])
            out_vmem[g, sl] = m


def _tc_body(x_ref, o_ref):
    for g, idx in enumerate(_GROUPS):
        m = x_ref[idx[0], :]
        for c in idx[1:]:
            m = jnp.maximum(m, x_ref[c, :])
        o_ref[g, :] = m


def _stitch_body(sc_ref, tc_ref, o_ref):
    del sc_ref
    o_ref[...] = tc_ref[...]


def _sc_run(act_t, n_rows, split):
    n_tiles = -(-n_rows // _TILE)
    sc_lanes = (n_tiles - split // _TILE) * _TILE
    sc_t0 = split // _TILE
    n_main = sc_lanes // _SC_BLOCK_W
    tail_t0 = sc_t0 + n_main * (_SC_BLOCK_W // _TILE)
    n_tail = n_tiles - tail_t0

    mesh = plsc.VectorSubcoreMesh(core_axis_name="c", subcore_axis_name="s")
    cp = pltpu.CompilerParams()
    if "needs_layout_passes" in pltpu.CompilerParams.__dataclass_fields__:
        cp = dataclasses.replace(cp, needs_layout_passes=False)
    if "use_tc_tiling_on_sc" in pltpu.CompilerParams.__dataclass_fields__:
        cp = dataclasses.replace(cp, use_tc_tiling_on_sc=True)

    blk_off = sc_t0 // (_SC_BLOCK_W // _TILE)

    @functools.partial(
        pl.kernel,
        out_type=jax.ShapeDtypeStruct((_N_OUT, n_rows), jnp.float32),
        mesh=mesh,
        compiler_params=cp,
    )
    def run(in_hbm, out_hbm):
        pltpu.emit_pipeline(
            _group_max_body,
            grid=(n_main,),
            in_specs=[
                pl.BlockSpec(
                    (_N_COLS, _SC_BLOCK_W), lambda i: (0, i + blk_off)
                )
            ],
            out_specs=[
                pl.BlockSpec(
                    (_N_OUT, _SC_BLOCK_W), lambda i: (0, i + blk_off)
                )
            ],
            core_axis_name=("c", "s"),
            dimension_semantics=(pltpu.PARALLEL,),
        )(in_hbm, out_hbm)
        if n_tail:
            pltpu.emit_pipeline(
                _group_max_body,
                grid=(n_tail,),
                in_specs=[
                    pl.BlockSpec((_N_COLS, _TILE), lambda i: (0, i + tail_t0))
                ],
                out_specs=[
                    pl.BlockSpec((_N_OUT, _TILE), lambda i: (0, i + tail_t0))
                ],
                core_axis_name=("c", "s"),
                dimension_semantics=(pltpu.PARALLEL,),
            )(in_hbm, out_hbm)

    return run(act_t)


def kernel(activation):
    n_rows = activation.shape[0]
    act_t = activation.T
    split = _TC_N_BLOCKS * _TC_BLOCK_W

    sc_out = _sc_run(act_t, n_rows, split)

    tc_out = pl.pallas_call(
        _tc_body,
        grid=(_TC_N_BLOCKS,),
        in_specs=[pl.BlockSpec((_N_COLS, _TC_BLOCK_W), lambda i: (0, i))],
        out_specs=pl.BlockSpec((_N_OUT, _TC_BLOCK_W), lambda i: (0, i)),
        out_shape=jax.ShapeDtypeStruct((_N_OUT, split), jnp.float32),
    )(act_t)

    out_t = pl.pallas_call(
        _stitch_body,
        grid=(_TC_N_BLOCKS,),
        in_specs=[
            pl.BlockSpec((_N_OUT, _TC_BLOCK_W), lambda i: (0, i)),
            pl.BlockSpec((_N_OUT, _TC_BLOCK_W), lambda i: (0, i)),
        ],
        out_specs=pl.BlockSpec((_N_OUT, _TC_BLOCK_W), lambda i: (0, i)),
        out_shape=jax.ShapeDtypeStruct((_N_OUT, n_rows), jnp.float32),
        input_output_aliases={0: 0},
    )(sc_out, tc_out)

    return out_t.T

# --- scband reference (transcript-rebuilt; emitter-appended) ---
"""Pipeline reference for scband-pathway-score-layer-37804302139639 (READ-ONLY COPY).

The authoritative reference and input builder live on the scoring server;
editing this copy changes nothing except your own understanding.
"""

import jax, jax.numpy as jnp
import numpy as np

_PATHWAY_DEF = [
    ('exclusive_lysogenic', [0, 1, 2, 8, 25]),
    ('lysogeny_regulatory', [3, 24]),
    ('plasmid_lysogenic', [6, 7]),
    ('lytic_regulatory', [4, 9]),
    ('shared_lysis', [12, 13, 14, 15]),
    ('shared_structural', [16, 17, 18, 19, 20, 21, 22, 23]),
]
N_FAMILIES = 26
_IDX = [jnp.array([i for i in idx if i < N_FAMILIES], dtype=jnp.int32) for _, idx in _PATHWAY_DEF]


def setup_inputs(seed: int = 0) -> dict:
    key = jax.random.key(seed)
    activation = jax.random.normal(key, (1000000, 26), dtype=jnp.float32)
    return {"activation": activation}


def reference(activation):
    scores = []
    for idx in _IDX:
        if idx.shape[0] > 0:
            # gather columns then max-reduce over the pathway's family group
            score = jnp.max(jnp.take(activation, idx, axis=1), axis=1)
        else:
            score = jnp.zeros((activation.shape[0],), dtype=activation.dtype)
        scores.append(score)
    return jnp.stack(scores, axis=1)

if __name__ == "__main__":
    import jax
    _d = setup_inputs()
    print(jax.jit(kernel)(*tuple(_d.values())))

</pallas_src>

<mosaic_0001>
#map = affine_map<(d0, d1) -> (0, 0)>
module attributes {stable_mosaic.version = 14 : i64} {
  func.func @run(%arg0: i32, %arg1: i32, %arg2: memref<26x1000000xf32, #tpu.memory_space<hbm>>, %arg3: memref<6x1000000xf32, #tpu.memory_space<hbm>>) attributes {dimension_semantics = [#tpu.dimension_semantics<core_parallel>, #tpu.dimension_semantics<subcore_parallel>], iteration_bounds = array<i64: 2, 16>, scalar_prefetch = 0 : i64, scratch_operands = 0 : i64, tpu.core_type = #tpu.core_type<sc_vector_subcore>, window_params = [{transform_indices = #map}, {transform_indices = #map}]} {
    %mul3A = arith.constant 1 : i32
    %mul3A_0 = arith.muli %arg1, %mul3A : i32
    %add3A = arith.constant 0 : i32
    %add3A_1 = arith.addi %add3A, %mul3A_0 : i32
    %mul3A_2 = arith.constant 16 : i32
    %mul3A_3 = arith.muli %arg0, %mul3A_2 : i32
    %add3A_4 = arith.addi %add3A_1, %mul3A_3 : i32
    %lt3A = arith.constant 16 : i32
    %lt3A_5 = arith.cmpi slt, %add3A_4, %lt3A : i32
    %jit3A = arith.constant 19 : i32
    %jit3A_6 = arith.constant 18 : i32
    %select_n3A = arith.select %lt3A_5, %jit3A, %jit3A_6 : i32
    %lt3A_7 = arith.constant 16 : i32
    %lt3A_8 = arith.cmpi slt, %add3A_4, %lt3A_7 : i32
    %mul3A_9 = arith.muli %add3A_4, %select_n3A : i32
    %mul3A_10 = arith.constant 18 : i32
    %mul3A_11 = arith.muli %add3A_4, %mul3A_10 : i32
    %add3A_12 = arith.constant 16 : i32
    %add3A_13 = arith.addi %mul3A_11, %add3A_12 : i32
    %select_n3A_14 = arith.select %lt3A_8, %mul3A_9, %add3A_13 : i32
    %mul3A_15 = arith.constant 1 : i32
    %mul3A_16 = arith.muli %mul3A_15, %select_n3A : i32
    "tpu.region"() ({
      %run_scoped3A = memref.alloca() : memref<2x26x1024xf32, #tpu.memory_space<vmem>>
      %run_scoped3A_39 = tpu.sem_alloc : memref<2x!tpu.dma_semaphore, #tpu.memory_space<semaphore_mem>>
      %run_scoped3A_40 = memref.alloca() : memref<2x6x1024xf32, #tpu.memory_space<vmem>>
      %run_scoped3A_41 = tpu.sem_alloc : memref<2x!tpu.dma_semaphore, #tpu.memory_space<semaphore_mem>>
      %gt3A = arith.constant 0 : i32
      %gt3A_42 = arith.cmpi sgt, %mul3A_16, %gt3A : i32
      %convert_element_type3A = arith.extui %gt3A_42 : i1 to i32
      %cond3A = arith.constant 0 : i32
      %cond3A_43 = arith.cmpi ne, %convert_element_type3A, %cond3A : i32
      scf.if %cond3A_43 {
        %mul3A_44 = arith.constant 1 : i32
        %mul3A_45 = arith.muli %mul3A_44, %select_n3A : i32
        %sub3A = arith.constant 1 : i32
        %sub3A_46 = arith.subi %mul3A_45, %sub3A : i32
        %eq3A = arith.constant 0 : i32
        %eq3A_47 = arith.cmpi eq, %sub3A_46, %eq3A : i32
        %add3A_48 = arith.constant 0 : i32
        %add3A_49 = arith.addi %add3A_48, %select_n3A_14 : i32
        %select_n3A_50 = arith.constant true
        %select_n3A_51 = arith.constant 0 : i32
        %select_n3A_52 = arith.constant -1 : i32
        %select_n3A_53 = arith.select %select_n3A_50, %select_n3A_52, %select_n3A_51 : i32
        %eq3A_54 = arith.constant -1 : i32
        %eq3A_55 = arith.cmpi eq, %select_n3A_53, %eq3A_54 : i32
        %sub3A_56 = arith.constant 1 : i32
        %sub3A_57 = arith.subi %select_n3A, %sub3A_56 : i32
        %select_n3A_58 = arith.select %eq3A_55, %sub3A_57, %select_n3A_53 : i32
        %add3A_59 = arith.addi %select_n3A_58, %select_n3A_14 : i32
        %select_n3A_60 = arith.constant true
        %select_n3A_61 = arith.constant 0 : i32
        %select_n3A_62 = arith.constant 1 : i32
        %select_n3A_63 = arith.select %select_n3A_60, %select_n3A_62, %select_n3A_61 : i32
        %eq3A_64 = arith.cmpi eq, %select_n3A_63, %select_n3A : i32
        %select_n3A_65 = arith.constant 0 : i32
        %select_n3A_66 = arith.select %eq3A_64, %select_n3A_65, %select_n3A_63 : i32
        %add3A_67 = arith.addi %select_n3A_66, %select_n3A_14 : i32
        %add3A_68 = arith.constant 1 : i32
        %add3A_69 = arith.addi %select_n3A_66, %add3A_68 : i32
        %select_n3A_70 = arith.constant true
        %select_n3A_71 = arith.select %select_n3A_70, %add3A_69, %select_n3A_66 : i32
        %eq3A_72 = arith.cmpi eq, %select_n3A_71, %select_n3A : i32
        %select_n3A_73 = arith.constant 0 : i32
        %select_n3A_74 = arith.select %eq3A_72, %select_n3A_73, %select_n3A_71 : i32
        %add3A_75 = arith.addi %select_n3A_74, %select_n3A_14 : i32
        "tpu.trace_start"() <{level = 10 : i32, message = "ep_initialize_0"}> : () -> ()
        %rem3A = arith.constant 0 : i32
        %rem3A_76 = arith.constant 2 : i32
        %rem3A_77 = arith.remui %rem3A, %rem3A_76 : i32
        %add3A_78 = arith.constant 384 : i32
        %add3A_79 = arith.addi %add3A_49, %add3A_78 : i32
        %mul3A_80 = arith.constant 1024 : i32
        %mul3A_81 = arith.muli %mul3A_80, %add3A_79 : i32
        %eq3A_82 = arith.constant 976 : i32
        %eq3A_83 = arith.cmpi eq, %add3A_79, %eq3A_82 : i32
        %jit3A_84 = arith.constant 640 : i32
        %jit3A_85 = arith.constant 1024 : i32
        %select_n3A_86 = arith.select %eq3A_83, %jit3A_84, %jit3A_85 : i32
        %multiple_of3A = tpu.assume_multiple %select_n3A_86, 128 : i32
        %mul3A_87 = arith.constant 1024 : i32
        %mul3A_88 = arith.muli %add3A_79, %mul3A_87 : i32
        %dma_start3A = arith.constant 0 : i32
        %dma_start3A_89 = arith.constant 0 : i32
        %dma_start3A_90 = tpu.memref_slice %run_scoped3A[%rem3A_77, %dma_start3A, %dma_start3A_89] <%multiple_of3A> : memref<2x26x1024xf32, #tpu.memory_space<vmem>> -> memref<1x26x?xf32, #tpu.memory_space<vmem>>
        %dma_start3A_91 = tpu.memref_squeeze %dma_start3A_90 : memref<1x26x?xf32, #tpu.memory_space<vmem>> -> memref<26x?xf32, #tpu.memory_space<vmem>>
        %dma_start3A_92 = arith.constant 0 : i32
        %dma_start3A_93 = tpu.memref_slice %arg2[%dma_start3A_92, %mul3A_88] <%multiple_of3A> : memref<26x1000000xf32, #tpu.memory_space<hbm>> -> memref<26x?xf32, #tpu.memory_space<hbm>>
        %dma_start3A_94 = tpu.memref_slice %run_scoped3A_39[%rem3A_77] : memref<2x!tpu.dma_semaphore, #tpu.memory_space<semaphore_mem>> -> memref<1x!tpu.dma_semaphore, #tpu.memory_space<semaphore_mem>>
        %dma_start3A_95 = tpu.memref_squeeze %dma_start3A_94 : memref<1x!tpu.dma_semaphore, #tpu.memory_space<semaphore_mem>> -> memref<!tpu.dma_semaphore, #tpu.memory_space<semaphore_mem>>
        %dma_start3A_96 = arith.constant 0 : i32
        %dma_start3A_97 = arith.constant 0 : i32
        %dma_start3A_98 = tpu.memref_slice %run_scoped3A[%rem3A_77, %dma_start3A_96, %dma_start3A_97] <%multiple_of3A> : memref<2x26x1024xf32, #tpu.memory_space<vmem>> -> memref<1x26x?xf32, #tpu.memory_space<vmem>>
        %dma_start3A_99 = tpu.memref_squeeze %dma_start3A_98 : memref<1x26x?xf32, #tpu.memory_space<vmem>> -> memref<26x?xf32, #tpu.memory_space<vmem>>
        %dma_start3A_100 = arith.constant 0 : i32
        %dma_start3A_101 = tpu.memref_slice %arg2[%dma_start3A_100, %mul3A_88] <%multiple_of3A> : memref<26x1000000xf32, #tpu.memory_space<hbm>> -> memref<26x?xf32, #tpu.memory_space<hbm>>
        tpu.enqueue_dma source(%dma_start3A_101 : memref<26x?xf32, #tpu.memory_space<hbm>>) target(%dma_start3A_99 : memref<26x?xf32, #tpu.memory_space<vmem>>) target_semaphore(%dma_start3A_95 : memref<!tpu.dma_semaphore, #tpu.memory_space<semaphore_mem>>)
        %add3A_102 = arith.constant 0 : i32
        %add3A_103 = arith.constant 1 : i32
        %add3A_104 = arith.addi %add3A_102, %add3A_103 : i32
        %select_n3A_105 = arith.constant true
        %select_n3A_106 = arith.constant 0 : i32
        %select_n3A_107 = arith.select %select_n3A_105, %add3A_104, %select_n3A_106 : i32
        %while3A = arith.constant 0 : i32
        %while3A_108 = arith.constant 0 : i32
        %while3A_109 = arith.constant 0 : i32
        %while3A_110 = arith.constant 0 : i32
        %while3A_111 = arith.constant 0 : i32
        "tpu.trace_stop"() : () -> ()
        %while3A_112 = arith.subi %mul3A_16, %while3A : i32
        %while3A_113 = arith.addi %while3A, %while3A_112 : i32
        %while3A_114 = arith.constant 1 : i32
        %while3A_115 = arith.divsi %while3A_112, %while3A_114 : i32
        %while3A_116 = arith.muli %while3A_115, %while3A_114 : i32
        %while3A_117 = arith.addi %while3A, %while3A_116 : i32
        %while3A_118 = arith.constant 1 : i32
        %while3A_119:5 = scf.for %while3A_173 = %while3A to %while3A_117 step %while3A_118 iter_args(%while3A_174 = %select_n3A_107, %while3A_175 = %while3A_108, %while3A_176 = %while3A_109, %while3A_177 = %while3A_110, %while3A_178 = %while3A_111) -> (i32, i32, i32, i32, i32)  : i32 {
          %mul3A_179 = arith.constant 1 : i32
          %mul3A_180 = arith.muli %mul3A_179, %select_n3A : i32
          %eq3A_181 = arith.constant 0 : i32
          %eq3A_182 = arith.cmpi eq, %while3A_173, %eq3A_181 : i32
          %sub3A_183 = arith.constant 1 : i32
          %sub3A_184 = arith.subi %mul3A_180, %sub3A_183 : i32
          %eq3A_185 = arith.cmpi eq, %while3A_173, %sub3A_184 : i32
          %add3A_186 = arith.addi %while3A_178, %select_n3A_14 : i32
          %sub3A_187 = arith.constant 1 : i32
          %sub3A_188 = arith.subi %while3A_178, %sub3A_187 : i32
          %select_n3A_189 = arith.constant true
          %select_n3A_190 = arith.select %select_n3A_189, %sub3A_188, %while3A_178 : i32
          %eq3A_191 = arith.constant -1 : i32
          %eq3A_192 = arith.cmpi eq, %select_n3A_190, %eq3A_191 : i32
          %sub3A_193 = arith.constant 1 : i32
          %sub3A_194 = arith.subi %select_n3A, %sub3A_193 : i32
          %select_n3A_195 = arith.select %eq3A_192, %sub3A_194, %select_n3A_190 : i32
          %add3A_196 = arith.addi %select_n3A_195, %select_n3A_14 : i32
          %add3A_197 = arith.constant 1 : i32
          %add3A_198 = arith.addi %while3A_178, %add3A_197 : i32
          %select_n3A_199 = arith.constant true
          %select_n3A_200 = arith.select %select_n3A_199, %add3A_198, %while3A_178 : i32
          %eq3A_201 = arith.cmpi eq, %select_n3A_200, %select_n3A : i32
          %select_n3A_202 = arith.constant 0 : i32
          %select_n3A_203 = arith.select %eq3A_201, %select_n3A_202, %select_n3A_200 : i32
          %add3A_204 = arith.addi %select_n3A_203, %select_n3A_14 : i32
          %add3A_205 = arith.constant 1 : i32
          %add3A_206 = arith.addi %select_n3A_203, %add3A_205 : i32
          %select_n3A_207 = arith.constant true
          %select_n3A_208 = arith.select %select_n3A_207, %add3A_206, %select_n3A_203 : i32
          %eq3A_209 = arith.cmpi eq, %select_n3A_208, %select_n3A : i32
          %select_n3A_210 = arith.constant 0 : i32
          %select_n3A_211 = arith.select %eq3A_209, %select_n3A_210, %select_n3A_208 : i32
          %add3A_212 = arith.addi %select_n3A_211, %select_n3A_14 : i32
          %add3A_213 = arith.constant 384 : i32
          %add3A_214 = arith.addi %add3A_186, %add3A_213 : i32
          %add3A_215 = arith.constant 384 : i32
          %add3A_216 = arith.addi %add3A_204, %add3A_215 : i32
          %ne3A = arith.cmpi ne, %add3A_214, %add3A_216 : i32
          %or3A = arith.constant false
          %or3A_217 = arith.ori %or3A, %ne3A : i1
          %sub3A_218 = arith.constant 2 : i32
          %sub3A_219 = arith.subi %mul3A_180, %sub3A_218 : i32
          %add3A_220 = arith.constant 1 : i32
          %add3A_221 = arith.addi %sub3A_219, %add3A_220 : i32
          %ge3A = arith.cmpi sge, %while3A_173, %add3A_221 : i32
          %not3A = arith.constant true
          %not3A_222 = arith.xori %ge3A, %not3A : i1
          %and3A = arith.andi %or3A_217, %not3A_222 : i1
          %convert_element_type3A_223 = arith.extui %and3A : i1 to i32
          %cond3A_224 = arith.constant 0 : i32
          %cond3A_225 = arith.cmpi ne, %convert_element_type3A_223, %cond3A_224 : i32
          scf.if %cond3A_225 {
            "tpu.trace_start"() <{level = 10 : i32, message = "ep_copy_in"}> : () -> ()
            %rem3A_354 = arith.constant 2 : i32
            %rem3A_355 = arith.remui %while3A_174, %rem3A_354 : i32
            %add3A_356 = arith.constant 384 : i32
            %add3A_357 = arith.addi %add3A_204, %add3A_356 : i32
            %mul3A_358 = arith.constant 1024 : i32
            %mul3A_359 = arith.muli %mul3A_358, %add3A_357 : i32
            %eq3A_360 = arith.constant 976 : i32
            %eq3A_361 = arith.cmpi eq, %add3A_357, %eq3A_360 : i32
            %jit3A_362 = arith.constant 640 : i32
            %jit3A_363 = arith.constant 1024 : i32
            %select_n3A_364 = arith.select %eq3A_361, %jit3A_362, %jit3A_363 : i32
            %multiple_of3A_365 = tpu.assume_multiple %select_n3A_364, 128 : i32
            %mul3A_366 = arith.constant 1024 : i32
            %mul3A_367 = arith.muli %add3A_357, %mul3A_366 : i32
            %dma_start3A_368 = arith.constant 0 : i32
            %dma_start3A_369 = arith.constant 0 : i32
            %dma_start3A_370 = tpu.memref_slice %run_scoped3A[%rem3A_355, %dma_start3A_368, %dma_start3A_369] <%multiple_of3A_365> : memref<2x26x1024xf32, #tpu.memory_space<vmem>> -> memref<1x26x?xf32, #tpu.memory_space<vmem>>
            %dma_start3A_371 = tpu.memref_squeeze %dma_start3A_370 : memref<1x26x?xf32, #tpu.memory_space<vmem>> -> memref<26x?xf32, #tpu.memory_space<vmem>>
            %dma_start3A_372 = arith.constant 0 : i32
            %dma_start3A_373 = tpu.memref_slice %arg2[%dma_start3A_372, %mul3A_367] <%multiple_of3A_365> : memref<26x1000000xf32, #tpu.memory_space<hbm>> -> memref<26x?xf32, #tpu.memory_space<hbm>>
            %dma_start3A_374 = tpu.memref_slice %run_scoped3A_39[%rem3A_355] : memref<2x!tpu.dma_semaphore, #tpu.memory_space<semaphore_mem>> -> memref<1x!tpu.dma_semaphore, #tpu.memory_space<semaphore_mem>>
            %dma_start3A_375 = tpu.memref_squeeze %dma_start3A_374 : memref<1x!tpu.dma_semaphore, #tpu.memory_space<semaphore_mem>> -> memref<!tpu.dma_semaphore, #tpu.memory_space<semaphore_mem>>
            %dma_start3A_376 = arith.constant 0 : i32
            %dma_start3A_377 = arith.constant 0 : i32
            %dma_start3A_378 = tpu.memref_slice %run_scoped3A[%rem3A_355, %dma_start3A_376, %dma_start3A_377] <%multiple_of3A_365> : memref<2x26x1024xf32, #tpu.memory_space<vmem>> -> memref<1x26x?xf32, #tpu.memory_space<vmem>>
            %dma_start3A_379 = tpu.memref_squeeze %dma_start3A_378 : memref<1x26x?xf32, #tpu.memory_space<vmem>> -> memref<26x?xf32, #tpu.memory_space<vmem>>
            %dma_start3A_380 = arith.constant 0 : i32
            %dma_start3A_381 = tpu.memref_slice %arg2[%dma_start3A_380, %mul3A_367] <%multiple_of3A_365> : memref<26x1000000xf32, #tpu.memory_space<hbm>> -> memref<26x?xf32, #tpu.memory_space<hbm>>
            tpu.enqueue_dma source(%dma_start3A_381 : memref<26x?xf32, #tpu.memory_space<hbm>>) target(%dma_start3A_379 : memref<26x?xf32, #tpu.memory_space<vmem>>) target_semaphore(%dma_start3A_375 : memref<!tpu.dma_semaphore, #tpu.memory_space<semaphore_mem>>)
            "tpu.trace_stop"() : () -> ()
          } else {
          }
          %and3A_226 = arith.constant true
          %and3A_227 = arith.andi %and3A, %and3A_226 : i1
          %add3A_228 = arith.constant 1 : i32
          %add3A_229 = arith.addi %while3A_174, %add3A_228 : i32
          %select_n3A_230 = arith.select %and3A_227, %add3A_229, %while3A_174 : i32
          %add3A_231 = arith.constant 384 : i32
          %add3A_232 = arith.addi %add3A_186, %add3A_231 : i32
          %add3A_233 = arith.constant 384 : i32
          %add3A_234 = arith.addi %add3A_204, %add3A_233 : i32
          %ne3A_235 = arith.cmpi ne, %add3A_232, %add3A_234 : i32
          %or3A_236 = arith.constant false
          %or3A_237 = arith.ori %or3A_236, %ne3A_235 : i1
          %sub3A_238 = arith.constant 2 : i32
          %sub3A_239 = arith.subi %mul3A_180, %sub3A_238 : i32
          %add3A_240 = arith.constant 1 : i32
          %add3A_241 = arith.addi %sub3A_239, %add3A_240 : i32
          %ge3A_242 = arith.cmpi sge, %while3A_173, %add3A_241 : i32
          %not3A_243 = arith.constant true
          %not3A_244 = arith.xori %ge3A_242, %not3A_243 : i1
          %and3A_245 = arith.andi %or3A_237, %not3A_244 : i1
          %add3A_246 = arith.constant 384 : i32
          %add3A_247 = arith.addi %add3A_186, %add3A_246 : i32
          %add3A_248 = arith.constant 384 : i32
          %add3A_249 = arith.addi %add3A_196, %add3A_248 : i32
          %ne3A_250 = arith.cmpi ne, %add3A_247, %add3A_249 : i32
          %or3A_251 = arith.constant false
          %or3A_252 = arith.ori %or3A_251, %ne3A_250 : i1
          %or3A_253 = arith.ori %or3A_252, %eq3A_182 : i1
          %convert_element_type3A_254 = arith.extui %or3A_253 : i1 to i32
          %cond3A_255 = arith.constant 0 : i32
          %cond3A_256 = arith.cmpi ne, %convert_element_type3A_254, %cond3A_255 : i32
          scf.if %cond3A_256 {
            "tpu.trace_start"() <{level = 10 : i32, message = "ep_wait_in"}> : () -> ()
            %add3A_354 = arith.constant 384 : i32
            %add3A_355 = arith.addi %add3A_186, %add3A_354 : i32
            %mul3A_356 = arith.constant 1024 : i32
            %mul3A_357 = arith.muli %mul3A_356, %add3A_355 : i32
            %eq3A_358 = arith.constant 976 : i32
            %eq3A_359 = arith.cmpi eq, %add3A_355, %eq3A_358 : i32
            %jit3A_360 = arith.constant 640 : i32
            %jit3A_361 = arith.constant 1024 : i32
            %select_n3A_362 = arith.select %eq3A_359, %jit3A_360, %jit3A_361 : i32
            %multiple_of3A_363 = tpu.assume_multiple %select_n3A_362, 128 : i32
            %mul3A_364 = arith.constant 1024 : i32
            %mul3A_365 = arith.muli %add3A_355, %mul3A_364 : i32
            %rem3A_366 = arith.constant 2 : i32
            %rem3A_367 = arith.remui %while3A_175, %rem3A_366 : i32
            %dma_wait3A = arith.constant 0 : i32
            %dma_wait3A_368 = arith.constant 0 : i32
            %dma_wait3A_369 = tpu.memref_slice %run_scoped3A[%rem3A_367, %dma_wait3A, %dma_wait3A_368] <%multiple_of3A_363> : memref<2x26x1024xf32, #tpu.memory_space<vmem>> -> memref<1x26x?xf32, #tpu.memory_space<vmem>>
            %dma_wait3A_370 = tpu.memref_squeeze %dma_wait3A_369 : memref<1x26x?xf32, #tpu.memory_space<vmem>> -> memref<26x?xf32, #tpu.memory_space<vmem>>
            %dma_wait3A_371 = arith.constant 0 : i32
            %dma_wait3A_372 = tpu.memref_slice %arg2[%dma_wait3A_371, %mul3A_365] <%multiple_of3A_363> : memref<26x1000000xf32, #tpu.memory_space<hbm>> -> memref<26x?xf32, #tpu.memory_space<hbm>>
            %dma_wait3A_373 = tpu.memref_slice %run_scoped3A_39[%rem3A_367] : memref<2x!tpu.dma_semaphore, #tpu.memory_space<semaphore_mem>> -> memref<1x!tpu.dma_semaphore, #tpu.memory_space<semaphore_mem>>
            %dma_wait3A_374 = tpu.memref_squeeze %dma_wait3A_373 : memref<1x!tpu.dma_semaphore, #tpu.memory_space<semaphore_mem>> -> memref<!tpu.dma_semaphore, #tpu.memory_space<semaphore_mem>>
            %dma_wait3A_375 = arith.constant 0 : i32
            %dma_wait3A_376 = arith.constant 0 : i32
            %dma_wait3A_377 = tpu.memref_slice %run_scoped3A[%rem3A_367, %dma_wait3A_375, %dma_wait3A_376] <%multiple_of3A_363> : memref<2x26x1024xf32, #tpu.memory_space<vmem>> -> memref<1x26x?xf32, #tpu.memory_space<vmem>>
            %dma_wait3A_378 = tpu.memref_squeeze %dma_wait3A_377 : memref<1x26x?xf32, #tpu.memory_space<vmem>> -> memref<26x?xf32, #tpu.memory_space<vmem>>
            %dma_wait3A_379 = arith.constant 0 : i32
            %dma_wait3A_380 = tpu.memref_slice %arg2[%dma_wait3A_379, %mul3A_365] <%multiple_of3A_363> : memref<26x1000000xf32, #tpu.memory_space<hbm>> -> memref<26x?xf32, #tpu.memory_space<hbm>>
            tpu.wait_dma2 semaphore(%dma_wait3A_374 : memref<!tpu.dma_semaphore, #tpu.memory_space<semaphore_mem>>) src(%dma_wait3A_380 : memref<26x?xf32, #tpu.memory_space<hbm>>) dst(%dma_wait3A_378 : memref<26x?xf32, #tpu.memory_space<vmem>>)
            "tpu.trace_stop"() : () -> ()
          } else {
          }
          %add3A_257 = arith.constant 384 : i32
          %add3A_258 = arith.addi %add3A_186, %add3A_257 : i32
          %add3A_259 = arith.constant 384 : i32
          %add3A_260 = arith.addi %add3A_196, %add3A_259 : i32
          %ne3A_261 = arith.cmpi ne, %add3A_258, %add3A_260 : i32
          %or3A_262 = arith.constant false
          %or3A_263 = arith.ori %or3A_262, %ne3A_261 : i1
          %or3A_264 = arith.ori %or3A_263, %eq3A_182 : i1
          %convert_element_type3A_265 = arith.extui %or3A_264 : i1 to i32
          %cond3A_266 = arith.constant 0 : i32
          %cond3A_267 = arith.cmpi ne, %convert_element_type3A_265, %cond3A_266 : i32
          scf.if %cond3A_267 {
          } else {
          }
          %rem3A_268 = arith.constant 2 : i32
          %rem3A_269 = arith.remui %while3A_175, %rem3A_268 : i32
          %rem3A_270 = arith.constant 2 : i32
          %rem3A_271 = arith.remui %while3A_176, %rem3A_270 : i32
          %parallel_loop3A = arith.constant 0 : i32
          %parallel_loop3A_272 = arith.constant 64 : i32
          %parallel_loop3A_273 = arith.constant 1 : i32
          "tpu.trace_start"() <{level = 10 : i32, message = "ep_run_kernel"}> : () -> ()
          scf.for %parallel_loop3A_354 = %parallel_loop3A to %parallel_loop3A_272 step %parallel_loop3A_273  : i32 {
            %parallel_loop3A_355 = arith.constant 16 : i32
            %parallel_loop3A_356 = arith.muli %parallel_loop3A_354, %parallel_loop3A_355 : i32
            %parallel_loop3A_357 = arith.constant 0 : i32
            %parallel_loop3A_358 = arith.constant 0 : i32
            %parallel_loop3A_359 = arith.constant 0 : i32
            %parallel_loop3A_360 = tpu.memref_slice %run_scoped3A[%rem3A_269, %parallel_loop3A_358, %parallel_loop3A_359] : memref<2x26x1024xf32, #tpu.memory_space<vmem>> -> memref<1x26x1024xf32, #tpu.memory_space<vmem>>
            %parallel_loop3A_361 = tpu.memref_squeeze %parallel_loop3A_360 : memref<1x26x1024xf32, #tpu.memory_space<vmem>> -> memref<26x1024xf32, #tpu.memory_space<vmem>>
            %parallel_loop3A_362 = arith.index_cast %parallel_loop3A_357 : i32 to index
            %parallel_loop3A_363 = arith.index_cast %parallel_loop3A_356 : i32 to index
            %parallel_loop3A_364 = tpu.vector_load %parallel_loop3A_361[%parallel_loop3A_362, %parallel_loop3A_363] {strides = array<i32>} : memref<26x1024xf32, #tpu.memory_space<vmem>>, vector<16xf32>,
            %parallel_loop3A_365 = arith.constant 1 : i32
            %parallel_loop3A_366 = arith.constant 0 : i32
            %parallel_loop3A_367 = arith.constant 0 : i32
            %parallel_loop3A_368 = tpu.memref_slice %run_scoped3A[%rem3A_269, %parallel_loop3A_366, %parallel_loop3A_367] : memref<2x26x1024xf32, #tpu.memory_space<vmem>> -> memref<1x26x1024xf32, #tpu.memory_space<vmem>>
            %parallel_loop3A_369 = tpu.memref_squeeze %parallel_loop3A_368 : memref<1x26x1024xf32, #tpu.memory_space<vmem>> -> memref<26x1024xf32, #tpu.memory_space<vmem>>
            %parallel_loop3A_370 = arith.index_cast %parallel_loop3A_365 : i32 to index
            %parallel_loop3A_371 = arith.index_cast %parallel_loop3A_356 : i32 to index
            %parallel_loop3A_372 = tpu.vector_load %parallel_loop3A_369[%parallel_loop3A_370, %parallel_loop3A_371] {strides = array<i32>} : memref<26x1024xf32, #tpu.memory_space<vmem>>, vector<16xf32>,
            %parallel_loop3A_373 = arith.maximumf %parallel_loop3A_364, %parallel_loop3A_372 : vector<16xf32>
            %parallel_loop3A_374 = arith.constant 2 : i32
            %parallel_loop3A_375 = arith.constant 0 : i32
            %parallel_loop3A_376 = arith.constant 0 : i32
            %parallel_loop3A_377 = tpu.memref_slice %run_scoped3A[%rem3A_269, %parallel_loop3A_375, %parallel_loop3A_376] : memref<2x26x1024xf32, #tpu.memory_space<vmem>> -> memref<1x26x1024xf32, #tpu.memory_space<vmem>>
            %parallel_loop3A_378 = tpu.memref_squeeze %parallel_loop3A_377 : memref<1x26x1024xf32, #tpu.memory_space<vmem>> -> memref<26x1024xf32, #tpu.memory_space<vmem>>
            %parallel_loop3A_379 = arith.index_cast %parallel_loop3A_374 : i32 to index
            %parallel_loop3A_380 = arith.index_cast %parallel_loop3A_356 : i32 to index
            %parallel_loop3A_381 = tpu.vector_load %parallel_loop3A_378[%parallel_loop3A_379, %parallel_loop3A_380] {strides = array<i32>} : memref<26x1024xf32, #tpu.memory_space<vmem>>, vector<16xf32>,
            %parallel_loop3A_382 = arith.maximumf %parallel_loop3A_373, %parallel_loop3A_381 : vector<16xf32>
            %parallel_loop3A_383 = arith.constant 8 : i32
            %parallel_loop3A_384 = arith.constant 0 : i32
            %parallel_loop3A_385 = arith.constant 0 : i32
            %parallel_loop3A_386 = tpu.memref_slice %run_scoped3A[%rem3A_269, %parallel_loop3A_384, %parallel_loop3A_385] : memref<2x26x1024xf32, #tpu.memory_space<vmem>> -> memref<1x26x1024xf32, #tpu.memory_space<vmem>>
            %parallel_loop3A_387 = tpu.memref_squeeze %parallel_loop3A_386 : memref<1x26x1024xf32, #tpu.memory_space<vmem>> -> memref<26x1024xf32, #tpu.memory_space<vmem>>
            %parallel_loop3A_388 = arith.index_cast %parallel_loop3A_383 : i32 to index
            %parallel_loop3A_389 = arith.index_cast %parallel_loop3A_356 : i32 to index
            %parallel_loop3A_390 = tpu.vector_load %parallel_loop3A_387[%parallel_loop3A_388, %parallel_loop3A_389] {strides = array<i32>} : memref<26x1024xf32, #tpu.memory_space<vmem>>, vector<16xf32>,
            %parallel_loop3A_391 = arith.maximumf %parallel_loop3A_382, %parallel_loop3A_390 : vector<16xf32>
            %parallel_loop3A_392 = arith.constant 25 : i32
            %parallel_loop3A_393 = arith.constant 0 : i32
            %parallel_loop3A_394 = arith.constant 0 : i32
            %parallel_loop3A_395 = tpu.memref_slice %run_scoped3A[%rem3A_269, %parallel_loop3A_393, %parallel_loop3A_394] : memref<2x26x1024xf32, #tpu.memory_space<vmem>> -> memref<1x26x1024xf32, #tpu.memory_space<vmem>>
            %parallel_loop3A_396 = tpu.memref_squeeze %parallel_loop3A_395 : memref<1x26x1024xf32, #tpu.memory_space<vmem>> -> memref<26x1024xf32, #tpu.memory_space<vmem>>
            %parallel_loop3A_397 = arith.index_cast %parallel_loop3A_392 : i32 to index
            %parallel_loop3A_398 = arith.index_cast %parallel_loop3A_356 : i32 to index
            %parallel_loop3A_399 = tpu.vector_load %parallel_loop3A_396[%parallel_loop3A_397, %parallel_loop3A_398] {strides = array<i32>} : memref<26x1024xf32, #tpu.memory_space<vmem>>, vector<16xf32>,
            %parallel_loop3A_400 = arith.maximumf %parallel_loop3A_391, %parallel_loop3A_399 : vector<16xf32>
            %parallel_loop3A_401 = arith.constant 0 : i32
            %parallel_loop3A_402 = arith.constant 0 : i32
            %parallel_loop3A_403 = arith.constant 0 : i32
            %parallel_loop3A_404 = tpu.memref_slice %run_scoped3A_40[%rem3A_271, %parallel_loop3A_402, %parallel_loop3A_403] : memref<2x6x1024xf32, #tpu.memory_space<vmem>> -> memref<1x6x1024xf32, #tpu.memory_space<vmem>>
            %parallel_loop3A_405 = tpu.memref_squeeze %parallel_loop3A_404 : memref<1x6x1024xf32, #tpu.memory_space<vmem>> -> memref<6x1024xf32, #tpu.memory_space<vmem>>
            %parallel_loop3A_406 = arith.index_cast %parallel_loop3A_401 : i32 to index
            %parallel_loop3A_407 = arith.index_cast %parallel_loop3A_356 : i32 to index
            %parallel_loop3A_408 = tpu.vector_load %parallel_loop3A_405[%parallel_loop3A_406, %parallel_loop3A_407] {strides = array<i32>} : memref<6x1024xf32, #tpu.memory_space<vmem>>, vector<16xf32>,
            tpu.vector_store %parallel_loop3A_405[%parallel_loop3A_406, %parallel_loop3A_407], %parallel_loop3A_400 {strides = array<i32>} : memref<6x1024xf32, #tpu.memory_space<vmem>>, vector<16xf32>,
            %parallel_loop3A_409 = arith.constant 3 : i32
            %parallel_loop3A_410 = arith.constant 0 : i32
            %parallel_loop3A_411 = arith.constant 0 : i32
            %parallel_loop3A_412 = tpu.memref_slice %run_scoped3A[%rem3A_269, %parallel_loop3A_410, %parallel_loop3A_411] : memref<2x26x1024xf32, #tpu.memory_space<vmem>> -> memref<1x26x1024xf32, #tpu.memory_space<vmem>>
            %parallel_loop3A_413 = tpu.memref_squeeze %parallel_loop3A_412 : memref<1x26x1024xf32, #tpu.memory_space<vmem>> -> memref<26x1024xf32, #tpu.memory_space<vmem>>
            %parallel_loop3A_414 = arith.index_cast %parallel_loop3A_409 : i32 to index
            %parallel_loop3A_415 = arith.index_cast %parallel_loop3A_356 : i32 to index
            %parallel_loop3A_416 = tpu.vector_load %parallel_loop3A_413[%parallel_loop3A_414, %parallel_loop3A_415] {strides = array<i32>} : memref<26x1024xf32, #tpu.memory_space<vmem>>, vector<16xf32>,
            %parallel_loop3A_417 = arith.constant 24 : i32
            %parallel_loop3A_418 = arith.constant 0 : i32
            %parallel_loop3A_419 = arith.constant 0 : i32
            %parallel_loop3A_420 = tpu.memref_slice %run_scoped3A[%rem3A_269, %parallel_loop3A_418, %parallel_loop3A_419] : memref<2x26x1024xf32, #tpu.memory_space<vmem>> -> memref<1x26x1024xf32, #tpu.memory_space<vmem>>
            %parallel_loop3A_421 = tpu.memref_squeeze %parallel_loop3A_420 : memref<1x26x1024xf32, #tpu.memory_space<vmem>> -> memref<26x1024xf32, #tpu.memory_space<vmem>>
            %parallel_loop3A_422 = arith.index_cast %parallel_loop3A_417 : i32 to index
            %parallel_loop3A_423 = arith.index_cast %parallel_loop3A_356 : i32 to index
            %parallel_loop3A_424 = tpu.vector_load %parallel_loop3A_421[%parallel_loop3A_422, %parallel_loop3A_423] {strides = array<i32>} : memref<26x1024xf32, #tpu.memory_space<vmem>>, vector<16xf32>,
            %parallel_loop3A_425 = arith.maximumf %parallel_loop3A_416, %parallel_loop3A_424 : vector<16xf32>
            %parallel_loop3A_426 = arith.constant 1 : i32
            %parallel_loop3A_427 = arith.constant 0 : i32
            %parallel_loop3A_428 = arith.constant 0 : i32
            %parallel_loop3A_429 = tpu.memref_slice %run_scoped3A_40[%rem3A_271, %parallel_loop3A_427, %parallel_loop3A_428] : memref<2x6x1024xf32, #tpu.memory_space<vmem>> -> memref<1x6x1024xf32, #tpu.memory_space<vmem>>
            %parallel_loop3A_430 = tpu.memref_squeeze %parallel_loop3A_429 : memref<1x6x1024xf32, #tpu.memory_space<vmem>> -> memref<6x1024xf32, #tpu.memory_space<vmem>>
            %parallel_loop3A_431 = arith.index_cast %parallel_loop3A_426 : i32 to index
            %parallel_loop3A_432 = arith.index_cast %parallel_loop3A_356 : i32 to index
            %parallel_loop3A_433 = tpu.vector_load %parallel_loop3A_430[%parallel_loop3A_431, %parallel_loop3A_432] {strides = array<i32>} : memref<6x1024xf32, #tpu.memory_space<vmem>>, vector<16xf32>,
            tpu.vector_store %parallel_loop3A_430[%parallel_loop3A_431, %parallel_loop3A_432], %parallel_loop3A_425 {strides = array<i32>} : memref<6x1024xf32, #tpu.memory_space<vmem>>, vector<16xf32>,
            %parallel_loop3A_434 = arith.constant 6 : i32
            %parallel_loop3A_435 = arith.constant 0 : i32
            %parallel_loop3A_436 = arith.constant 0 : i32
            %parallel_loop3A_437 = tpu.memref_slice %run_scoped3A[%rem3A_269, %parallel_loop3A_435, %parallel_loop3A_436] : memref<2x26x1024xf32, #tpu.memory_space<vmem>> -> memref<1x26x1024xf32, #tpu.memory_space<vmem>>
            %parallel_loop3A_438 = tpu.memref_squeeze %parallel_loop3A_437 : memref<1x26x1024xf32, #tpu.memory_space<vmem>> -> memref<26x1024xf32, #tpu.memory_space<vmem>>
            %parallel_loop3A_439 = arith.index_cast %parallel_loop3A_434 : i32 to index
            %parallel_loop3A_440 = arith.index_cast %parallel_loop3A_356 : i32 to index
            %parallel_loop3A_441 = tpu.vector_load %parallel_loop3A_438[%parallel_loop3A_439, %parallel_loop3A_440] {strides = array<i32>} : memref<26x1024xf32, #tpu.memory_space<vmem>>, vector<16xf32>,
            %parallel_loop3A_442 = arith.constant 7 : i32
            %parallel_loop3A_443 = arith.constant 0 : i32
            %parallel_loop3A_444 = arith.constant 0 : i32
            %parallel_loop3A_445 = tpu.memref_slice %run_scoped3A[%rem3A_269, %parallel_loop3A_443, %parallel_loop3A_444] : memref<2x26x1024xf32, #tpu.memory_space<vmem>> -> memref<1x26x1024xf32, #tpu.memory_space<vmem>>
            %parallel_loop3A_446 = tpu.memref_squeeze %parallel_loop3A_445 : memref<1x26x1024xf32, #tpu.memory_space<vmem>> -> memref<26x1024xf32, #tpu.memory_space<vmem>>
            %parallel_loop3A_447 = arith.index_cast %parallel_loop3A_442 : i32 to index
            %parallel_loop3A_448 = arith.index_cast %parallel_loop3A_356 : i32 to index
            %parallel_loop3A_449 = tpu.vector_load %parallel_loop3A_446[%parallel_loop3A_447, %parallel_loop3A_448] {strides = array<i32>} : memref<26x1024xf32, #tpu.memory_space<vmem>>, vector<16xf32>,
            %parallel_loop3A_450 = arith.maximumf %parallel_loop3A_441, %parallel_loop3A_449 : vector<16xf32>
            %parallel_loop3A_451 = arith.constant 2 : i32
            %parallel_loop3A_452 = arith.constant 0 : i32
            %parallel_loop3A_453 = arith.constant 0 : i32
            %parallel_loop3A_454 = tpu.memref_slice %run_scoped3A_40[%rem3A_271, %parallel_loop3A_452, %parallel_loop3A_453] : memref<2x6x1024xf32, #tpu.memory_space<vmem>> -> memref<1x6x1024xf32, #tpu.memory_space<vmem>>
            %parallel_loop3A_455 = tpu.memref_squeeze %parallel_loop3A_454 : memref<1x6x1024xf32, #tpu.memory_space<vmem>> -> memref<6x1024xf32, #tpu.memory_space<vmem>>
            %parallel_loop3A_456 = arith.index_cast %parallel_loop3A_451 : i32 to index
            %parallel_loop3A_457 = arith.index_cast %parallel_loop3A_356 : i32 to index
            %parallel_loop3A_458 = tpu.vector_load %parallel_loop3A_455[%parallel_loop3A_456, %parallel_loop3A_457] {strides = array<i32>} : memref<6x1024xf32, #tpu.memory_space<vmem>>, vector<16xf32>,
            tpu.vector_store %parallel_loop3A_455[%parallel_loop3A_456, %parallel_loop3A_457], %parallel_loop3A_450 {strides = array<i32>} : memref<6x1024xf32, #tpu.memory_space<vmem>>, vector<16xf32>,
            %parallel_loop3A_459 = arith.constant 4 : i32
            %parallel_loop3A_460 = arith.constant 0 : i32
            %parallel_loop3A_461 = arith.constant 0 : i32
            %parallel_loop3A_462 = tpu.memref_slice %run_scoped3A[%rem3A_269, %parallel_loop3A_460, %parallel_loop3A_461] : memref<2x26x1024xf32, #tpu.memory_space<vmem>> -> memref<1x26x1024xf32, #tpu.memory_space<vmem>>
            %parallel_loop3A_463 = tpu.memref_squeeze %parallel_loop3A_462 : memref<1x26x1024xf32, #tpu.memory_space<vmem>> -> memref<26x1024xf32, #tpu.memory_space<vmem>>
            %parallel_loop3A_464 = arith.index_cast %parallel_loop3A_459 : i32 to index
            %parallel_loop3A_465 = arith.index_cast %parallel_loop3A_356 : i32 to index
            %parallel_loop3A_466 = tpu.vector_load %parallel_loop3A_463[%parallel_loop3A_464, %parallel_loop3A_465] {strides = array<i32>} : memref<26x1024xf32, #tpu.memory_space<vmem>>, vector<16xf32>,
            %parallel_loop3A_467 = arith.constant 9 : i32
            %parallel_loop3A_468 = arith.constant 0 : i32
            %parallel_loop3A_469 = arith.constant 0 : i32
            %parallel_loop3A_470 = tpu.memref_slice %run_scoped3A[%rem3A_269, %parallel_loop3A_468, %parallel_loop3A_469] : memref<2x26x1024xf32, #tpu.memory_space<vmem>> -> memref<1x26x1024xf32, #tpu.memory_space<vmem>>
            %parallel_loop3A_471 = tpu.memref_squeeze %parallel_loop3A_470 : memref<1x26x1024xf32, #tpu.memory_space<vmem>> -> memref<26x1024xf32, #tpu.memory_space<vmem>>
            %parallel_loop3A_472 = arith.index_cast %parallel_loop3A_467 : i32 to index
            %parallel_loop3A_473 = arith.index_cast %parallel_loop3A_356 : i32 to index
            %parallel_loop3A_474 = tpu.vector_load %parallel_loop3A_471[%parallel_loop3A_472, %parallel_loop3A_473] {strides = array<i32>} : memref<26x1024xf32, #tpu.memory_space<vmem>>, vector<16xf32>,
            %parallel_loop3A_475 = arith.maximumf %parallel_loop3A_466, %parallel_loop3A_474 : vector<16xf32>
            %parallel_loop3A_476 = arith.constant 3 : i32
            %parallel_loop3A_477 = arith.constant 0 : i32
            %parallel_loop3A_478 = arith.constant 0 : i32
            %parallel_loop3A_479 = tpu.memref_slice %run_scoped3A_40[%rem3A_271, %parallel_loop3A_477, %parallel_loop3A_478] : memref<2x6x1024xf32, #tpu.memory_space<vmem>> -> memref<1x6x1024xf32, #tpu.memory_space<vmem>>
            %parallel_loop3A_480 = tpu.memref_squeeze %parallel_loop3A_479 : memref<1x6x1024xf32, #tpu.memory_space<vmem>> -> memref<6x1024xf32, #tpu.memory_space<vmem>>
            %parallel_loop3A_481 = arith.index_cast %parallel_loop3A_476 : i32 to index
            %parallel_loop3A_482 = arith.index_cast %parallel_loop3A_356 : i32 to index
            %parallel_loop3A_483 = tpu.vector_load %parallel_loop3A_480[%parallel_loop3A_481, %parallel_loop3A_482] {strides = array<i32>} : memref<6x1024xf32, #tpu.memory_space<vmem>>, vector<16xf32>,
            tpu.vector_store %parallel_loop3A_480[%parallel_loop3A_481, %parallel_loop3A_482], %parallel_loop3A_475 {strides = array<i32>} : memref<6x1024xf32, #tpu.memory_space<vmem>>, vector<16xf32>,
            %parallel_loop3A_484 = arith.constant 12 : i32
            %parallel_loop3A_485 = arith.constant 0 : i32
            %parallel_loop3A_486 = arith.constant 0 : i32
            %parallel_loop3A_487 = tpu.memref_slice %run_scoped3A[%rem3A_269, %parallel_loop3A_485, %parallel_loop3A_486] : memref<2x26x1024xf32, #tpu.memory_space<vmem>> -> memref<1x26x1024xf32, #tpu.memory_space<vmem>>
            %parallel_loop3A_488 = tpu.memref_squeeze %parallel_loop3A_487 : memref<1x26x1024xf32, #tpu.memory_space<vmem>> -> memref<26x1024xf32, #tpu.memory_space<vmem>>
            %parallel_loop3A_489 = arith.index_cast %parallel_loop3A_484 : i32 to index
            %parallel_loop3A_490 = arith.index_cast %parallel_loop3A_356 : i32 to index
            %parallel_loop3A_491 = tpu.vector_load %parallel_loop3A_488[%parallel_loop3A_489, %parallel_loop3A_490] {strides = array<i32>} : memref<26x1024xf32, #tpu.memory_space<vmem>>, vector<16xf32>,
            %parallel_loop3A_492 = arith.constant 13 : i32
            %parallel_loop3A_493 = arith.constant 0 : i32
            %parallel_loop3A_494 = arith.constant 0 : i32
            %parallel_loop3A_495 = tpu.memref_slice %run_scoped3A[%rem3A_269, %parallel_loop3A_493, %parallel_loop3A_494] : memref<2x26x1024xf32, #tpu.memory_space<vmem>> -> memref<1x26x1024xf32, #tpu.memory_space<vmem>>
            %parallel_loop3A_496 = tpu.memref_squeeze %parallel_loop3A_495 : memref<1x26x1024xf32, #tpu.memory_space<vmem>> -> memref<26x1024xf32, #tpu.memory_space<vmem>>
            %parallel_loop3A_497 = arith.index_cast %parallel_loop3A_492 : i32 to index
            %parallel_loop3A_498 = arith.index_cast %parallel_loop3A_356 : i32 to index
            %parallel_loop3A_499 = tpu.vector_load %parallel_loop3A_496[%parallel_loop3A_497, %parallel_loop3A_498] {strides = array<i32>} : memref<26x1024xf32, #tpu.memory_space<vmem>>, vector<16xf32>,
            %parallel_loop3A_500 = arith.maximumf %parallel_loop3A_491, %parallel_loop3A_499 : vector<16xf32>
            %parallel_loop3A_501 = arith.constant 14 : i32
            %parallel_loop3A_502 = arith.constant 0 : i32
            %parallel_loop3A_503 = arith.constant 0 : i32
            %parallel_loop3A_504 = tpu.memref_slice %run_scoped3A[%rem3A_269, %parallel_loop3A_502, %parallel_loop3A_503] : memref<2x26x1024xf32, #tpu.memory_space<vmem>> -> memref<1x26x1024xf32, #tpu.memory_space<vmem>>
            %parallel_loop3A_505 = tpu.memref_squeeze %parallel_loop3A_504 : memref<1x26x1024xf32, #tpu.memory_space<vmem>> -> memref<26x1024xf32, #tpu.memory_space<vmem>>
            %parallel_loop3A_506 = arith.index_cast %parallel_loop3A_501 : i32 to index
            %parallel_loop3A_507 = arith.index_cast %parallel_loop3A_356 : i32 to index
            %parallel_loop3A_508 = tpu.vector_load %parallel_loop3A_505[%parallel_loop3A_506, %parallel_loop3A_507] {strides = array<i32>} : memref<26x1024xf32, #tpu.memory_space<vmem>>, vector<16xf32>,
            %parallel_loop3A_509 = arith.maximumf %parallel_loop3A_500, %parallel_loop3A_508 : vector<16xf32>
            %parallel_loop3A_510 = arith.constant 15 : i32
            %parallel_loop3A_511 = arith.constant 0 : i32
            %parallel_loop3A_512 = arith.constant 0 : i32
            %parallel_loop3A_513 = tpu.memref_slice %run_scoped3A[%rem3A_269, %parallel_loop3A_511, %parallel_loop3A_512] : memref<2x26x1024xf32, #tpu.memory_space<vmem>> -> memref<1x26x1024xf32, #tpu.memory_space<vmem>>
            %parallel_loop3A_514 = tpu.memref_squeeze %parallel_loop3A_513 : memref<1x26x1024xf32, #tpu.memory_space<vmem>> -> memref<26x1024xf32, #tpu.memory_space<vmem>>
            %parallel_loop3A_515 = arith.index_cast %parallel_loop3A_510 : i32 to index
            %parallel_loop3A_516 = arith.index_cast %parallel_loop3A_356 : i32 to index
            %parallel_loop3A_517 = tpu.vector_load %parallel_loop3A_514[%parallel_loop3A_515, %parallel_loop3A_516] {strides = array<i32>} : memref<26x1024xf32, #tpu.memory_space<vmem>>, vector<16xf32>,
            %parallel_loop3A_518 = arith.maximumf %parallel_loop3A_509, %parallel_loop3A_517 : vector<16xf32>
            %parallel_loop3A_519 = arith.constant 4 : i32
            %parallel_loop3A_520 = arith.constant 0 : i32
            %parallel_loop3A_521 = arith.constant 0 : i32
            %parallel_loop3A_522 = tpu.memref_slice %run_scoped3A_40[%rem3A_271, %parallel_loop3A_520, %parallel_loop3A_521] : memref<2x6x1024xf32, #tpu.memory_space<vmem>> -> memref<1x6x1024xf32, #tpu.memory_space<vmem>>
            %parallel_loop3A_523 = tpu.memref_squeeze %parallel_loop3A_522 : memref<1x6x1024xf32, #tpu.memory_space<vmem>> -> memref<6x1024xf32, #tpu.memory_space<vmem>>
            %parallel_loop3A_524 = arith.index_cast %parallel_loop3A_519 : i32 to index
            %parallel_loop3A_525 = arith.index_cast %parallel_loop3A_356 : i32 to index
            %parallel_loop3A_526 = tpu.vector_load %parallel_loop3A_523[%parallel_loop3A_524, %parallel_loop3A_525] {strides = array<i32>} : memref<6x1024xf32, #tpu.memory_space<vmem>>, vector<16xf32>,
            tpu.vector_store %parallel_loop3A_523[%parallel_loop3A_524, %parallel_loop3A_525], %parallel_loop3A_518 {strides = array<i32>} : memref<6x1024xf32, #tpu.memory_space<vmem>>, vector<16xf32>,
            %parallel_loop3A_527 = arith.constant 16 : i32
            %parallel_loop3A_528 = arith.constant 0 : i32
            %parallel_loop3A_529 = arith.constant 0 : i32
            %parallel_loop3A_530 = tpu.memref_slice %run_scoped3A[%rem3A_269, %parallel_loop3A_528, %parallel_loop3A_529] : memref<2x26x1024xf32, #tpu.memory_space<vmem>> -> memref<1x26x1024xf32, #tpu.memory_space<vmem>>
            %parallel_loop3A_531 = tpu.memref_squeeze %parallel_loop3A_530 : memref<1x26x1024xf32, #tpu.memory_space<vmem>> -> memref<26x1024xf32, #tpu.memory_space<vmem>>
            %parallel_loop3A_532 = arith.index_cast %parallel_loop3A_527 : i32 to index
            %parallel_loop3A_533 = arith.index_cast %parallel_loop3A_356 : i32 to index
            %parallel_loop3A_534 = tpu.vector_load %parallel_loop3A_531[%parallel_loop3A_532, %parallel_loop3A_533] {strides = array<i32>} : memref<26x1024xf32, #tpu.memory_space<vmem>>, vector<16xf32>,
            %parallel_loop3A_535 = arith.constant 17 : i32
            %parallel_loop3A_536 = arith.constant 0 : i32
            %parallel_loop3A_537 = arith.constant 0 : i32
            %parallel_loop3A_538 = tpu.memref_slice %run_scoped3A[%rem3A_269, %parallel_loop3A_536, %parallel_loop3A_537] : memref<2x26x1024xf32, #tpu.memory_space<vmem>> -> memref<1x26x1024xf32, #tpu.memory_space<vmem>>
            %parallel_loop3A_539 = tpu.memref_squeeze %parallel_loop3A_538 : memref<1x26x1024xf32, #tpu.memory_space<vmem>> -> memref<26x1024xf32, #tpu.memory_space<vmem>>
            %parallel_loop3A_540 = arith.index_cast %parallel_loop3A_535 : i32 to index
            %parallel_loop3A_541 = arith.index_cast %parallel_loop3A_356 : i32 to index
            %parallel_loop3A_542 = tpu.vector_load %parallel_loop3A_539[%parallel_loop3A_540, %parallel_loop3A_541] {strides = array<i32>} : memref<26x1024xf32, #tpu.memory_space<vmem>>, vector<16xf32>,
            %parallel_loop3A_543 = arith.maximumf %parallel_loop3A_534, %parallel_loop3A_542 : vector<16xf32>
            %parallel_loop3A_544 = arith.constant 18 : i32
            %parallel_loop3A_545 = arith.constant 0 : i32
            %parallel_loop3A_546 = arith.constant 0 : i32
            %parallel_loop3A_547 = tpu.memref_slice %run_scoped3A[%rem3A_269, %parallel_loop3A_545, %parallel_loop3A_546] : memref<2x26x1024xf32, #tpu.memory_space<vmem>> -> memref<1x26x1024xf32, #tpu.memory_space<vmem>>
            %parallel_loop3A_548 = tpu.memref_squeeze %parallel_loop3A_547 : memref<1x26x1024xf32, #tpu.memory_space<vmem>> -> memref<26x1024xf32, #tpu.memory_space<vmem>>
            %parallel_loop3A_549 = arith.index_cast %parallel_loop3A_544 : i32 to index
            %parallel_loop3A_550 = arith.index_cast %parallel_loop3A_356 : i32 to index
            %parallel_loop3A_551 = tpu.vector_load %parallel_loop3A_548[%parallel_loop3A_549, %parallel_loop3A_550] {strides = array<i32>} : memref<26x1024xf32, #tpu.memory_space<vmem>>, vector<16xf32>,
            %parallel_loop3A_552 = arith.maximumf %parallel_loop3A_543, %parallel_loop3A_551 : vector<16xf32>
            %parallel_loop3A_553 = arith.constant 19 : i32
            %parallel_loop3A_554 = arith.constant 0 : i32
            %parallel_loop3A_555 = arith.constant 0 : i32
            %parallel_loop3A_556 = tpu.memref_slice %run_scoped3A[%rem3A_269, %parallel_loop3A_554, %parallel_loop3A_555] : memref<2x26x1024xf32, #tpu.memory_space<vmem>> -> memref<1x26x1024xf32, #tpu.memory_space<vmem>>
            %parallel_loop3A_557 = tpu.memref_squeeze %parallel_loop3A_556 : memref<1x26x1024xf32, #tpu.memory_space<vmem>> -> memref<26x1024xf32, #tpu.memory_space<vmem>>
            %parallel_loop3A_558 = arith.index_cast %parallel_loop3A_553 : i32 to index
            %parallel_loop3A_559 = arith.index_cast %parallel_loop3A_356 : i32 to index
            %parallel_loop3A_560 = tpu.vector_load %parallel_loop3A_557[%parallel_loop3A_558, %parallel_loop3A_559] {strides = array<i32>} : memref<26x1024xf32, #tpu.memory_space<vmem>>, vector<16xf32>,
            %parallel_loop3A_561 = arith.maximumf %parallel_loop3A_552, %parallel_loop3A_560 : vector<16xf32>
            %parallel_loop3A_562 = arith.constant 20 : i32
            %parallel_loop3A_563 = arith.constant 0 : i32
            %parallel_loop3A_564 = arith.constant 0 : i32
            %parallel_loop3A_565 = tpu.memref_slice %run_scoped3A[%rem3A_269, %parallel_loop3A_563, %parallel_loop3A_564] : memref<2x26x1024xf32, #tpu.memory_space<vmem>> -> memref<1x26x1024xf32, #tpu.memory_space<vmem>>
            %parallel_loop3A_566 = tpu.memref_squeeze %parallel_loop3A_565 : memref<1x26x1024xf32, #tpu.memory_space<vmem>> -> memref<26x1024xf32, #tpu.memory_space<vmem>>
            %parallel_loop3A_567 = arith.index_cast %parallel_loop3A_562 : i32 to index
            %parallel_loop3A_568 = arith.index_cast %parallel_loop3A_356 : i32 to index
            %parallel_loop3A_569 = tpu.vector_load %parallel_loop3A_566[%parallel_loop3A_567, %parallel_loop3A_568] {strides = array<i32>} : memref<26x1024xf32, #tpu.memory_space<vmem>>, vector<16xf32>,
            %parallel_loop3A_570 = arith.maximumf %parallel_loop3A_561, %parallel_loop3A_569 : vector<16xf32>
            %parallel_loop3A_571 = arith.constant 21 : i32
            %parallel_loop3A_572 = arith.constant 0 : i32
            %parallel_loop3A_573 = arith.constant 0 : i32
            %parallel_loop3A_574 = tpu.memref_slice %run_scoped3A[%rem3A_269, %parallel_loop3A_572, %parallel_loop3A_573] : memref<2x26x1024xf32, #tpu.memory_space<vmem>> -> memref<1x26x1024xf32, #tpu.memory_space<vmem>>
            %parallel_loop3A_575 = tpu.memref_squeeze %parallel_loop3A_574 : memref<1x26x1024xf32, #tpu.memory_space<vmem>> -> memref<26x1024xf32, #tpu.memory_space<vmem>>
            %parallel_loop3A_576 = arith.index_cast %parallel_loop3A_571 : i32 to index
            %parallel_loop3A_577 = arith.index_cast %parallel_loop3A_356 : i32 to index
            %parallel_loop3A_578 = tpu.vector_load %parallel_loop3A_575[%parallel_loop3A_576, %parallel_loop3A_577] {strides = array<i32>} : memref<26x1024xf32, #tpu.memory_space<vmem>>, vector<16xf32>,
            %parallel_loop3A_579 = arith.maximumf %parallel_loop3A_570, %parallel_loop3A_578 : vector<16xf32>
            %parallel_loop3A_580 = arith.constant 22 : i32
            %parallel_loop3A_581 = arith.constant 0 : i32
            %parallel_loop3A_582 = arith.constant 0 : i32
            %parallel_loop3A_583 = tpu.memref_slice %run_scoped3A[%rem3A_269, %parallel_loop3A_581, %parallel_loop3A_582] : memref<2x26x1024xf32, #tpu.memory_space<vmem>> -> memref<1x26x1024xf32, #tpu.memory_space<vmem>>
            %parallel_loop3A_584 = tpu.memref_squeeze %parallel_loop3A_583 : memref<1x26x1024xf32, #tpu.memory_space<vmem>> -> memref<26x1024xf32, #tpu.memory_space<vmem>>
            %parallel_loop3A_585 = arith.index_cast %parallel_loop3A_580 : i32 to index
            %parallel_loop3A_586 = arith.index_cast %parallel_loop3A_356 : i32 to index
            %parallel_loop3A_587 = tpu.vector_load %parallel_loop3A_584[%parallel_loop3A_585, %parallel_loop3A_586] {strides = array<i32>} : memref<26x1024xf32, #tpu.memory_space<vmem>>, vector<16xf32>,
            %parallel_loop3A_588 = arith.maximumf %parallel_loop3A_579, %parallel_loop3A_587 : vector<16xf32>
            %parallel_loop3A_589 = arith.constant 23 : i32
            %parallel_loop3A_590 = arith.constant 0 : i32
            %parallel_loop3A_591 = arith.constant 0 : i32
            %parallel_loop3A_592 = tpu.memref_slice %run_scoped3A[%rem3A_269, %parallel_loop3A_590, %parallel_loop3A_591] : memref<2x26x1024xf32, #tpu.memory_space<vmem>> -> memref<1x26x1024xf32, #tpu.memory_space<vmem>>
            %parallel_loop3A_593 = tpu.memref_squeeze %parallel_loop3A_592 : memref<1x26x1024xf32, #tpu.memory_space<vmem>> -> memref<26x1024xf32, #tpu.memory_space<vmem>>
            %parallel_loop3A_594 = arith.index_cast %parallel_loop3A_589 : i32 to index
            %parallel_loop3A_595 = arith.index_cast %parallel_loop3A_356 : i32 to index
            %parallel_loop3A_596 = tpu.vector_load %parallel_loop3A_593[%parallel_loop3A_594, %parallel_loop3A_595] {strides = array<i32>} : memref<26x1024xf32, #tpu.memory_space<vmem>>, vector<16xf32>,
            %parallel_loop3A_597 = arith.maximumf %parallel_loop3A_588, %parallel_loop3A_596 : vector<16xf32>
            %parallel_loop3A_598 = arith.constant 5 : i32
            %parallel_loop3A_599 = arith.constant 0 : i32
            %parallel_loop3A_600 = arith.constant 0 : i32
            %parallel_loop3A_601 = tpu.memref_slice %run_scoped3A_40[%rem3A_271, %parallel_loop3A_599, %parallel_loop3A_600] : memref<2x6x1024xf32, #tpu.memory_space<vmem>> -> memref<1x6x1024xf32, #tpu.memory_space<vmem>>
            %parallel_loop3A_602 = tpu.memref_squeeze %parallel_loop3A_601 : memref<1x6x1024xf32, #tpu.memory_space<vmem>> -> memref<6x1024xf32, #tpu.memory_space<vmem>>
            %parallel_loop3A_603 = arith.index_cast %parallel_loop3A_598 : i32 to index
            %parallel_loop3A_604 = arith.index_cast %parallel_loop3A_356 : i32 to index
            %parallel_loop3A_605 = tpu.vector_load %parallel_loop3A_602[%parallel_loop3A_603, %parallel_loop3A_604] {strides = array<i32>} : memref<6x1024xf32, #tpu.memory_space<vmem>>, vector<16xf32>,
            tpu.vector_store %parallel_loop3A_602[%parallel_loop3A_603, %parallel_loop3A_604], %parallel_loop3A_597 {strides = array<i32>} : memref<6x1024xf32, #tpu.memory_space<vmem>>, vector<16xf32>,
          } {sc.loop_unroll_factor = 8 : i64, sc.parallel_access}
          "tpu.trace_stop"() : () -> ()
          %add3A_274 = arith.constant 384 : i32
          %add3A_275 = arith.addi %add3A_186, %add3A_274 : i32
          %add3A_276 = arith.constant 384 : i32
          %add3A_277 = arith.addi %add3A_204, %add3A_276 : i32
          %ne3A_278 = arith.cmpi ne, %add3A_275, %add3A_277 : i32
          %or3A_279 = arith.constant false
          %or3A_280 = arith.ori %or3A_279, %ne3A_278 : i1
          %or3A_281 = arith.ori %or3A_280, %eq3A_185 : i1
          %convert_element_type3A_282 = arith.extui %or3A_281 : i1 to i32
          %cond3A_283 = arith.constant 0 : i32
          %cond3A_284 = arith.cmpi ne, %convert_element_type3A_282, %cond3A_283 : i32
          scf.if %cond3A_284 {
          } else {
          }
          %and3A_285 = arith.constant false
          %and3A_286 = arith.andi %or3A_281, %and3A_285 : i1
          %add3A_287 = arith.constant 384 : i32
          %add3A_288 = arith.addi %add3A_186, %add3A_287 : i32
          %add3A_289 = arith.constant 384 : i32
          %add3A_290 = arith.addi %add3A_204, %add3A_289 : i32
          %ne3A_291 = arith.cmpi ne, %add3A_288, %add3A_290 : i32
          %or3A_292 = arith.constant false
          %or3A_293 = arith.ori %or3A_292, %ne3A_291 : i1
          %or3A_294 = arith.ori %or3A_293, %eq3A_185 : i1
          %convert_element_type3A_295 = arith.extui %or3A_294 : i1 to i32
          %cond3A_296 = arith.constant 0 : i32
          %cond3A_297 = arith.cmpi ne, %convert_element_type3A_295, %cond3A_296 : i32
          scf.if %cond3A_297 {
            "tpu.trace_start"() <{level = 10 : i32, message = "ep_copy_out"}> : () -> ()
            %rem3A_354 = arith.constant 2 : i32
            %rem3A_355 = arith.remui %while3A_176, %rem3A_354 : i32
            %add3A_356 = arith.constant 384 : i32
            %add3A_357 = arith.addi %add3A_186, %add3A_356 : i32
            %mul3A_358 = arith.constant 1024 : i32
            %mul3A_359 = arith.muli %mul3A_358, %add3A_357 : i32
            %eq3A_360 = arith.constant 976 : i32
            %eq3A_361 = arith.cmpi eq, %add3A_357, %eq3A_360 : i32
            %jit3A_362 = arith.constant 640 : i32
            %jit3A_363 = arith.constant 1024 : i32
            %select_n3A_364 = arith.select %eq3A_361, %jit3A_362, %jit3A_363 : i32
            %multiple_of3A_365 = tpu.assume_multiple %select_n3A_364, 128 : i32
            %mul3A_366 = arith.constant 1024 : i32
            %mul3A_367 = arith.muli %add3A_357, %mul3A_366 : i32
            %dma_start3A_368 = arith.constant 0 : i32
            %dma_start3A_369 = arith.constant 0 : i32
            %dma_start3A_370 = tpu.memref_slice %run_scoped3A_40[%rem3A_355, %dma_start3A_368, %dma_start3A_369] <%multiple_of3A_365> : memref<2x6x1024xf32, #tpu.memory_space<vmem>> -> memref<1x6x?xf32, #tpu.memory_space<vmem>>
            %dma_start3A_371 = tpu.memref_squeeze %dma_start3A_370 : memref<1x6x?xf32, #tpu.memory_space<vmem>> -> memref<6x?xf32, #tpu.memory_space<vmem>>
            %dma_start3A_372 = arith.constant 0 : i32
            %dma_start3A_373 = tpu.memref_slice %arg3[%dma_start3A_372, %mul3A_367] <%multiple_of3A_365> : memref<6x1000000xf32, #tpu.memory_space<hbm>> -> memref<6x?xf32, #tpu.memory_space<hbm>>
            %dma_start3A_374 = tpu.memref_slice %run_scoped3A_41[%rem3A_355] : memref<2x!tpu.dma_semaphore, #tpu.memory_space<semaphore_mem>> -> memref<1x!tpu.dma_semaphore, #tpu.memory_space<semaphore_mem>>
            %dma_start3A_375 = tpu.memref_squeeze %dma_start3A_374 : memref<1x!tpu.dma_semaphore, #tpu.memory_space<semaphore_mem>> -> memref<!tpu.dma_semaphore, #tpu.memory_space<semaphore_mem>>
            %dma_start3A_376 = arith.constant 0 : i32
            %dma_start3A_377 = tpu.memref_slice %arg3[%dma_start3A_376, %mul3A_367] <%multiple_of3A_365> : memref<6x1000000xf32, #tpu.memory_space<hbm>> -> memref<6x?xf32, #tpu.memory_space<hbm>>
            %dma_start3A_378 = arith.constant 0 : i32
            %dma_start3A_379 = arith.constant 0 : i32
            %dma_start3A_380 = tpu.memref_slice %run_scoped3A_40[%rem3A_355, %dma_start3A_378, %dma_start3A_379] <%multiple_of3A_365> : memref<2x6x1024xf32, #tpu.memory_space<vmem>> -> memref<1x6x?xf32, #tpu.memory_space<vmem>>
            %dma_start3A_381 = tpu.memref_squeeze %dma_start3A_380 : memref<1x6x?xf32, #tpu.memory_space<vmem>> -> memref<6x?xf32, #tpu.memory_space<vmem>>
            tpu.enqueue_dma source(%dma_start3A_381 : memref<6x?xf32, #tpu.memory_space<vmem>>) target(%dma_start3A_377 : memref<6x?xf32, #tpu.memory_space<hbm>>) target_semaphore(%dma_start3A_375 : memref<!tpu.dma_semaphore, #tpu.memory_space<semaphore_mem>>)
            "tpu.trace_stop"() : () -> ()
          } else {
          }
          %and3A_298 = arith.constant true
          %and3A_299 = arith.andi %or3A_294, %and3A_298 : i1
          %add3A_300 = arith.constant 1 : i32
          %add3A_301 = arith.addi %while3A_176, %add3A_300 : i32
          %select_n3A_302 = arith.select %and3A_299, %add3A_301, %while3A_176 : i32
          %add3A_303 = arith.constant 384 : i32
          %add3A_304 = arith.addi %add3A_186, %add3A_303 : i32
          %add3A_305 = arith.constant 384 : i32
          %add3A_306 = arith.addi %add3A_196, %add3A_305 : i32
          %ne3A_307 = arith.cmpi ne, %add3A_304, %add3A_306 : i32
          %or3A_308 = arith.constant false
          %or3A_309 = arith.ori %or3A_308, %ne3A_307 : i1
          %not3A_310 = arith.constant true
          %not3A_311 = arith.xori %eq3A_182, %not3A_310 : i1
          %and3A_312 = arith.andi %or3A_309, %not3A_311 : i1
          %convert_element_type3A_313 = arith.extui %and3A_312 : i1 to i32
          %cond3A_314 = arith.constant 0 : i32
          %cond3A_315 = arith.cmpi ne, %convert_element_type3A_313, %cond3A_314 : i32
          scf.if %cond3A_315 {
          } else {
          }
          %and3A_316 = arith.constant false
          %and3A_317 = arith.andi %and3A_312, %and3A_316 : i1
          %add3A_318 = arith.constant 384 : i32
          %add3A_319 = arith.addi %add3A_186, %add3A_318 : i32
          %add3A_320 = arith.constant 384 : i32
          %add3A_321 = arith.addi %add3A_196, %add3A_320 : i32
          %ne3A_322 = arith.cmpi ne, %add3A_319, %add3A_321 : i32
          %or3A_323 = arith.constant false
          %or3A_324 = arith.ori %or3A_323, %ne3A_322 : i1
          %not3A_325 = arith.constant true
          %not3A_326 = arith.xori %eq3A_182, %not3A_325 : i1
          %and3A_327 = arith.andi %or3A_324, %not3A_326 : i1
          %convert_element_type3A_328 = arith.extui %and3A_327 : i1 to i32
          %cond3A_329 = arith.constant 0 : i32
          %cond3A_330 = arith.cmpi ne, %convert_element_type3A_328, %cond3A_329 : i32
          scf.if %cond3A_330 {
            "tpu.trace_start"() <{level = 10 : i32, message = "ep_wait_out"}> : () -> ()
            %rem3A_354 = arith.constant 2 : i32
            %rem3A_355 = arith.remui %while3A_177, %rem3A_354 : i32
            %add3A_356 = arith.constant 384 : i32
            %add3A_357 = arith.addi %add3A_196, %add3A_356 : i32
            %mul3A_358 = arith.constant 1024 : i32
            %mul3A_359 = arith.muli %mul3A_358, %add3A_357 : i32
            %eq3A_360 = arith.constant 976 : i32
            %eq3A_361 = arith.cmpi eq, %add3A_357, %eq3A_360 : i32
            %jit3A_362 = arith.constant 640 : i32
            %jit3A_363 = arith.constant 1024 : i32
            %select_n3A_364 = arith.select %eq3A_361, %jit3A_362, %jit3A_363 : i32
            %multiple_of3A_365 = tpu.assume_multiple %select_n3A_364, 128 : i32
            %mul3A_366 = arith.constant 1024 : i32
            %mul3A_367 = arith.muli %add3A_357, %mul3A_366 : i32
            %dma_wait3A = arith.constant 0 : i32
            %dma_wait3A_368 = arith.constant 0 : i32
            %dma_wait3A_369 = tpu.memref_slice %run_scoped3A_40[%rem3A_355, %dma_wait3A, %dma_wait3A_368] <%multiple_of3A_365> : memref<2x6x1024xf32, #tpu.memory_space<vmem>> -> memref<1x6x?xf32, #tpu.memory_space<vmem>>
            %dma_wait3A_370 = tpu.memref_squeeze %dma_wait3A_369 : memref<1x6x?xf32, #tpu.memory_space<vmem>> -> memref<6x?xf32, #tpu.memory_space<vmem>>
            %dma_wait3A_371 = arith.constant 0 : i32
            %dma_wait3A_372 = tpu.memref_slice %arg3[%dma_wait3A_371, %mul3A_367] <%multiple_of3A_365> : memref<6x1000000xf32, #tpu.memory_space<hbm>> -> memref<6x?xf32, #tpu.memory_space<hbm>>
            %dma_wait3A_373 = tpu.memref_slice %run_scoped3A_41[%rem3A_355] : memref<2x!tpu.dma_semaphore, #tpu.memory_space<semaphore_mem>> -> memref<1x!tpu.dma_semaphore, #tpu.memory_space<semaphore_mem>>
            %dma_wait3A_374 = tpu.memref_squeeze %dma_wait3A_373 : memref<1x!tpu.dma_semaphore, #tpu.memory_space<semaphore_mem>> -> memref<!tpu.dma_semaphore, #tpu.memory_space<semaphore_mem>>
            %dma_wait3A_375 = arith.constant 0 : i32
            %dma_wait3A_376 = tpu.memref_slice %arg3[%dma_wait3A_375, %mul3A_367] <%multiple_of3A_365> : memref<6x1000000xf32, #tpu.memory_space<hbm>> -> memref<6x?xf32, #tpu.memory_space<hbm>>
            %dma_wait3A_377 = arith.constant 0 : i32
            %dma_wait3A_378 = arith.constant 0 : i32
            %dma_wait3A_379 = tpu.memref_slice %run_scoped3A_40[%rem3A_355, %dma_wait3A_377, %dma_wait3A_378] <%multiple_of3A_365> : memref<2x6x1024xf32, #tpu.memory_space<vmem>> -> memref<1x6x?xf32, #tpu.memory_space<vmem>>
            %dma_wait3A_380 = tpu.memref_squeeze %dma_wait3A_379 : memref<1x6x?xf32, #tpu.memory_space<vmem>> -> memref<6x?xf32, #tpu.memory_space<vmem>>
            tpu.wait_dma2 semaphore(%dma_wait3A_374 : memref<!tpu.dma_semaphore, #tpu.memory_space<semaphore_mem>>) src(%dma_wait3A_380 : memref<6x?xf32, #tpu.memory_space<vmem>>) dst(%dma_wait3A_376 : memref<6x?xf32, #tpu.memory_space<hbm>>)
            "tpu.trace_stop"() : () -> ()
          } else {
          }
          %and3A_331 = arith.constant true
          %and3A_332 = arith.andi %and3A_327, %and3A_331 : i1
          %add3A_333 = arith.constant 1 : i32
          %add3A_334 = arith.addi %while3A_177, %add3A_333 : i32
          %select_n3A_335 = arith.select %and3A_332, %add3A_334, %while3A_177 : i32
          %add3A_336 = arith.constant 384 : i32
          %add3A_337 = arith.addi %add3A_186, %add3A_336 : i32
          %add3A_338 = arith.constant 384 : i32
          %add3A_339 = arith.addi %add3A_204, %add3A_338 : i32
          %ne3A_340 = arith.cmpi ne, %add3A_337, %add3A_339 : i32
          %or3A_341 = arith.constant false
          %or3A_342 = arith.ori %or3A_341, %ne3A_340 : i1
          %or3A_343 = arith.ori %or3A_342, %eq3A_185 : i1
          %add3A_344 = arith.constant 1 : i32
          %add3A_345 = arith.addi %while3A_175, %add3A_344 : i32
          %select_n3A_346 = arith.select %or3A_343, %add3A_345, %while3A_175 : i32
          %add3A_347 = arith.constant 1 : i32
          %add3A_348 = arith.addi %while3A_178, %add3A_347 : i32
          %select_n3A_349 = arith.constant true
          %select_n3A_350 = arith.select %select_n3A_349, %add3A_348, %while3A_178 : i32
          %eq3A_351 = arith.cmpi eq, %select_n3A_350, %select_n3A : i32
          %select_n3A_352 = arith.constant 0 : i32
          %select_n3A_353 = arith.select %eq3A_351, %select_n3A_352, %select_n3A_350 : i32
          scf.yield %select_n3A_230, %select_n3A_346, %select_n3A_302, %select_n3A_335, %select_n3A_353 : i32, i32, i32, i32, i32
        }
        %while3A_120 = arith.constant 1 : i32
        %while3A_121:5 = scf.for %while3A_173 = %while3A_117 to %while3A_113 step %while3A_120 iter_args(%while3A_174 = %while3A_119#0, %while3A_175 = %while3A_119#1, %while3A_176 = %while3A_119#2, %while3A_177 = %while3A_119#3, %while3A_178 = %while3A_119#4) -> (i32, i32, i32, i32, i32)  : i32 {
          %mul3A_179 = arith.constant 1 : i32
          %mul3A_180 = arith.muli %mul3A_179, %select_n3A : i32
          %eq3A_181 = arith.constant 0 : i32
          %eq3A_182 = arith.cmpi eq, %while3A_173, %eq3A_181 : i32
          %sub3A_183 = arith.constant 1 : i32
          %sub3A_184 = arith.subi %mul3A_180, %sub3A_183 : i32
          %eq3A_185 = arith.cmpi eq, %while3A_173, %sub3A_184 : i32
          %add3A_186 = arith.addi %while3A_178, %select_n3A_14 : i32
          %sub3A_187 = arith.constant 1 : i32
          %sub3A_188 = arith.subi %while3A_178, %sub3A_187 : i32
          %select_n3A_189 = arith.constant true
          %select_n3A_190 = arith.select %select_n3A_189, %sub3A_188, %while3A_178 : i32
          %eq3A_191 = arith.constant -1 : i32
          %eq3A_192 = arith.cmpi eq, %select_n3A_190, %eq3A_191 : i32
          %sub3A_193 = arith.constant 1 : i32
          %sub3A_194 = arith.subi %select_n3A, %sub3A_193 : i32
          %select_n3A_195 = arith.select %eq3A_192, %sub3A_194, %select_n3A_190 : i32
          %add3A_196 = arith.addi %select_n3A_195, %select_n3A_14 : i32
          %add3A_197 = arith.constant 1 : i32
          %add3A_198 = arith.addi %while3A_178, %add3A_197 : i32
          %select_n3A_199 = arith.constant true
          %select_n3A_200 = arith.select %select_n3A_199, %add3A_198, %while3A_178 : i32
          %eq3A_201 = arith.cmpi eq, %select_n3A_200, %select_n3A : i32
          %select_n3A_202 = arith.constant 0 : i32
          %select_n3A_203 = arith.select %eq3A_201, %select_n3A_202, %select_n3A_200 : i32
          %add3A_204 = arith.addi %select_n3A_203, %select_n3A_14 : i32
          %add3A_205 = arith.constant 1 : i32
          %add3A_206 = arith.addi %select_n3A_203, %add3A_205 : i32
          %select_n3A_207 = arith.constant true
          %select_n3A_208 = arith.select %select_n3A_207, %add3A_206, %select_n3A_203 : i32
          %eq3A_209 = arith.cmpi eq, %select_n3A_208, %select_n3A : i32
          %select_n3A_210 = arith.constant 0 : i32
          %select_n3A_211 = arith.select %eq3A_209, %select_n3A_210, %select_n3A_208 : i32
          %add3A_212 = arith.addi %select_n3A_211, %select_n3A_14 : i32
          %add3A_213 = arith.constant 384 : i32
          %add3A_214 = arith.addi %add3A_186, %add3A_213 : i32
          %add3A_215 = arith.constant 384 : i32
          %add3A_216 = arith.addi %add3A_204, %add3A_215 : i32
          %ne3A = arith.cmpi ne, %add3A_214, %add3A_216 : i32
          %or3A = arith.constant false
          %or3A_217 = arith.ori %or3A, %ne3A : i1
          %sub3A_218 = arith.constant 2 : i32
          %sub3A_219 = arith.subi %mul3A_180, %sub3A_218 : i32
          %add3A_220 = arith.constant 1 : i32
          %add3A_221 = arith.addi %sub3A_219, %add3A_220 : i32
          %ge3A = arith.cmpi sge, %while3A_173, %add3A_221 : i32
          %not3A = arith.constant true
          %not3A_222 = arith.xori %ge3A, %not3A : i1
          %and3A = arith.andi %or3A_217, %not3A_222 : i1
          %convert_element_type3A_223 = arith.extui %and3A : i1 to i32
          %cond3A_224 = arith.constant 0 : i32
          %cond3A_225 = arith.cmpi ne, %convert_element_type3A_223, %cond3A_224 : i32
          scf.if %cond3A_225 {
            "tpu.trace_start"() <{level = 10 : i32, message = "ep_copy_in"}> : () -> ()
            %rem3A_354 = arith.constant 2 : i32
            %rem3A_355 = arith.remui %while3A_174, %rem3A_354 : i32
            %add3A_356 = arith.constant 384 : i32
            %add3A_357 = arith.addi %add3A_204, %add3A_356 : i32
            %mul3A_358 = arith.constant 1024 : i32
            %mul3A_359 = arith.muli %mul3A_358, %add3A_357 : i32
            %eq3A_360 = arith.constant 976 : i32
            %eq3A_361 = arith.cmpi eq, %add3A_357, %eq3A_360 : i32
            %jit3A_362 = arith.constant 640 : i32
            %jit3A_363 = arith.constant 1024 : i32
            %select_n3A_364 = arith.select %eq3A_361, %jit3A_362, %jit3A_363 : i32
            %multiple_of3A_365 = tpu.assume_multiple %select_n3A_364, 128 : i32
            %mul3A_366 = arith.constant 1024 : i32
            %mul3A_367 = arith.muli %add3A_357, %mul3A_366 : i32
            %dma_start3A_368 = arith.constant 0 : i32
            %dma_start3A_369 = arith.constant 0 : i32
            %dma_start3A_370 = tpu.memref_slice %run_scoped3A[%rem3A_355, %dma_start3A_368, %dma_start3A_369] <%multiple_of3A_365> : memref<2x26x1024xf32, #tpu.memory_space<vmem>> -> memref<1x26x?xf32, #tpu.memory_space<vmem>>
            %dma_start3A_371 = tpu.memref_squeeze %dma_start3A_370 : memref<1x26x?xf32, #tpu.memory_space<vmem>> -> memref<26x?xf32, #tpu.memory_space<vmem>>
            %dma_start3A_372 = arith.constant 0 : i32
            %dma_start3A_373 = tpu.memref_slice %arg2[%dma_start3A_372, %mul3A_367] <%multiple_of3A_365> : memref<26x1000000xf32, #tpu.memory_space<hbm>> -> memref<26x?xf32, #tpu.memory_space<hbm>>
            %dma_start3A_374 = tpu.memref_slice %run_scoped3A_39[%rem3A_355] : memref<2x!tpu.dma_semaphore, #tpu.memory_space<semaphore_mem>> -> memref<1x!tpu.dma_semaphore, #tpu.memory_space<semaphore_mem>>
            %dma_start3A_375 = tpu.memref_squeeze %dma_start3A_374 : memref<1x!tpu.dma_semaphore, #tpu.memory_space<semaphore_mem>> -> memref<!tpu.dma_semaphore, #tpu.memory_space<semaphore_mem>>
            %dma_start3A_376 = arith.constant 0 : i32
            %dma_start3A_377 = arith.constant 0 : i32
            %dma_start3A_378 = tpu.memref_slice %run_scoped3A[%rem3A_355, %dma_start3A_376, %dma_start3A_377] <%multiple_of3A_365> : memref<2x26x1024xf32, #tpu.memory_space<vmem>> -> memref<1x26x?xf32, #tpu.memory_space<vmem>>
            %dma_start3A_379 = tpu.memref_squeeze %dma_start3A_378 : memref<1x26x?xf32, #tpu.memory_space<vmem>> -> memref<26x?xf32, #tpu.memory_space<vmem>>
            %dma_start3A_380 = arith.constant 0 : i32
            %dma_start3A_381 = tpu.memref_slice %arg2[%dma_start3A_380, %mul3A_367] <%multiple_of3A_365> : memref<26x1000000xf32, #tpu.memory_space<hbm>> -> memref<26x?xf32, #tpu.memory_space<hbm>>
            tpu.enqueue_dma source(%dma_start3A_381 : memref<26x?xf32, #tpu.memory_space<hbm>>) target(%dma_start3A_379 : memref<26x?xf32, #tpu.memory_space<vmem>>) target_semaphore(%dma_start3A_375 : memref<!tpu.dma_semaphore, #tpu.memory_space<semaphore_mem>>)
            "tpu.trace_stop"() : () -> ()
          } else {
          }
          %and3A_226 = arith.constant true
          %and3A_227 = arith.andi %and3A, %and3A_226 : i1
          %add3A_228 = arith.constant 1 : i32
          %add3A_229 = arith.addi %while3A_174, %add3A_228 : i32
          %select_n3A_230 = arith.select %and3A_227, %add3A_229, %while3A_174 : i32
          %add3A_231 = arith.constant 384 : i32
          %add3A_232 = arith.addi %add3A_186, %add3A_231 : i32
          %add3A_233 = arith.constant 384 : i32
          %add3A_234 = arith.addi %add3A_204, %add3A_233 : i32
          %ne3A_235 = arith.cmpi ne, %add3A_232, %add3A_234 : i32
          %or3A_236 = arith.constant false
          %or3A_237 = arith.ori %or3A_236, %ne3A_235 : i1
          %sub3A_238 = arith.constant 2 : i32
          %sub3A_239 = arith.subi %mul3A_180, %sub3A_238 : i32
          %add3A_240 = arith.constant 1 : i32
          %add3A_241 = arith.addi %sub3A_239, %add3A_240 : i32
          %ge3A_242 = arith.cmpi sge, %while3A_173, %add3A_241 : i32
          %not3A_243 = arith.constant true
          %not3A_244 = arith.xori %ge3A_242, %not3A_243 : i1
          %and3A_245 = arith.andi %or3A_237, %not3A_244 : i1
          %add3A_246 = arith.constant 384 : i32
          %add3A_247 = arith.addi %add3A_186, %add3A_246 : i32
          %add3A_248 = arith.constant 384 : i32
          %add3A_249 = arith.addi %add3A_196, %add3A_248 : i32
          %ne3A_250 = arith.cmpi ne, %add3A_247, %add3A_249 : i32
          %or3A_251 = arith.constant false
          %or3A_252 = arith.ori %or3A_251, %ne3A_250 : i1
          %or3A_253 = arith.ori %or3A_252, %eq3A_182 : i1
          %convert_element_type3A_254 = arith.extui %or3A_253 : i1 to i32
          %cond3A_255 = arith.constant 0 : i32
          %cond3A_256 = arith.cmpi ne, %convert_element_type3A_254, %cond3A_255 : i32
          scf.if %cond3A_256 {
            "tpu.trace_start"() <{level = 10 : i32, message = "ep_wait_in"}> : () -> ()
            %add3A_354 = arith.constant 384 : i32
            %add3A_355 = arith.addi %add3A_186, %add3A_354 : i32
            %mul3A_356 = arith.constant 1024 : i32
            %mul3A_357 = arith.muli %mul3A_356, %add3A_355 : i32
            %eq3A_358 = arith.constant 976 : i32
            %eq3A_359 = arith.cmpi eq, %add3A_355, %eq3A_358 : i32
            %jit3A_360 = arith.constant 640 : i32
            %jit3A_361 = arith.constant 1024 : i32
            %select_n3A_362 = arith.select %eq3A_359, %jit3A_360, %jit3A_361 : i32
            %multiple_of3A_363 = tpu.assume_multiple %select_n3A_362, 128 : i32
            %mul3A_364 = arith.constant 1024 : i32
            %mul3A_365 = arith.muli %add3A_355, %mul3A_364 : i32
            %rem3A_366 = arith.constant 2 : i32
            %rem3A_367 = arith.remui %while3A_175, %rem3A_366 : i32
            %dma_wait3A = arith.constant 0 : i32
            %dma_wait3A_368 = arith.constant 0 : i32
            %dma_wait3A_369 = tpu.memref_slice %run_scoped3A[%rem3A_367, %dma_wait3A, %dma_wait3A_368] <%multiple_of3A_363> : memref<2x26x1024xf32, #tpu.memory_space<vmem>> -> memref<1x26x?xf32, #tpu.memory_space<vmem>>
            %dma_wait3A_370 = tpu.memref_squeeze %dma_wait3A_369 : memref<1x26x?xf32, #tpu.memory_space<vmem>> -> memref<26x?xf32, #tpu.memory_space<vmem>>
            %dma_wait3A_371 = arith.constant 0 : i32
            %dma_wait3A_372 = tpu.memref_slice %arg2[%dma_wait3A_371, %mul3A_365] <%multiple_of3A_363> : memref<26x1000000xf32, #tpu.memory_space<hbm>> -> memref<26x?xf32, #tpu.memory_space<hbm>>
            %dma_wait3A_373 = tpu.memref_slice %run_scoped3A_39[%rem3A_367] : memref<2x!tpu.dma_semaphore, #tpu.memory_space<semaphore_mem>> -> memref<1x!tpu.dma_semaphore, #tpu.memory_space<semaphore_mem>>
            %dma_wait3A_374 = tpu.memref_squeeze %dma_wait3A_373 : memref<1x!tpu.dma_semaphore, #tpu.memory_space<semaphore_mem>> -> memref<!tpu.dma_semaphore, #tpu.memory_space<semaphore_mem>>
            %dma_wait3A_375 = arith.constant 0 : i32
            %dma_wait3A_376 = arith.constant 0 : i32
            %dma_wait3A_377 = tpu.memref_slice %run_scoped3A[%rem3A_367, %dma_wait3A_375, %dma_wait3A_376] <%multiple_of3A_363> : memref<2x26x1024xf32, #tpu.memory_space<vmem>> -> memref<1x26x?xf32, #tpu.memory_space<vmem>>
            %dma_wait3A_378 = tpu.memref_squeeze %dma_wait3A_377 : memref<1x26x?xf32, #tpu.memory_space<vmem>> -> memref<26x?xf32, #tpu.memory_space<vmem>>
            %dma_wait3A_379 = arith.constant 0 : i32
            %dma_wait3A_380 = tpu.memref_slice %arg2[%dma_wait3A_379, %mul3A_365] <%multiple_of3A_363> : memref<26x1000000xf32, #tpu.memory_space<hbm>> -> memref<26x?xf32, #tpu.memory_space<hbm>>
            tpu.wait_dma2 semaphore(%dma_wait3A_374 : memref<!tpu.dma_semaphore, #tpu.memory_space<semaphore_mem>>) src(%dma_wait3A_380 : memref<26x?xf32, #tpu.memory_space<hbm>>) dst(%dma_wait3A_378 : memref<26x?xf32, #tpu.memory_space<vmem>>)
            "tpu.trace_stop"() : () -> ()
          } else {
          }
          %add3A_257 = arith.constant 384 : i32
          %add3A_258 = arith.addi %add3A_186, %add3A_257 : i32
          %add3A_259 = arith.constant 384 : i32
          %add3A_260 = arith.addi %add3A_196, %add3A_259 : i32
          %ne3A_261 = arith.cmpi ne, %add3A_258, %add3A_260 : i32
          %or3A_262 = arith.constant false
          %or3A_263 = arith.ori %or3A_262, %ne3A_261 : i1
          %or3A_264 = arith.ori %or3A_263, %eq3A_182 : i1
          %convert_element_type3A_265 = arith.extui %or3A_264 : i1 to i32
          %cond3A_266 = arith.constant 0 : i32
          %cond3A_267 = arith.cmpi ne, %convert_element_type3A_265, %cond3A_266 : i32
          scf.if %cond3A_267 {
          } else {
          }
          %rem3A_268 = arith.constant 2 : i32
          %rem3A_269 = arith.remui %while3A_175, %rem3A_268 : i32
          %rem3A_270 = arith.constant 2 : i32
          %rem3A_271 = arith.remui %while3A_176, %rem3A_270 : i32
          %parallel_loop3A = arith.constant 0 : i32
          %parallel_loop3A_272 = arith.constant 64 : i32
          %parallel_loop3A_273 = arith.constant 1 : i32
          "tpu.trace_start"() <{level = 10 : i32, message = "ep_run_kernel"}> : () -> ()
          scf.for %parallel_loop3A_354 = %parallel_loop3A to %parallel_loop3A_272 step %parallel_loop3A_273  : i32 {
            %parallel_loop3A_355 = arith.constant 16 : i32
            %parallel_loop3A_356 = arith.muli %parallel_loop3A_354, %parallel_loop3A_355 : i32
            %parallel_loop3A_357 = arith.constant 0 : i32
            %parallel_loop3A_358 = arith.constant 0 : i32
            %parallel_loop3A_359 = arith.constant 0 : i32
            %parallel_loop3A_360 = tpu.memref_slice %run_scoped3A[%rem3A_269, %parallel_loop3A_358, %parallel_loop3A_359] : memref<2x26x1024xf32, #tpu.memory_space<vmem>> -> memref<1x26x1024xf32, #tpu.memory_space<vmem>>
            %parallel_loop3A_361 = tpu.memref_squeeze %parallel_loop3A_360 : memref<1x26x1024xf32, #tpu.memory_space<vmem>> -> memref<26x1024xf32, #tpu.memory_space<vmem>>
            %parallel_loop3A_362 = arith.index_cast %parallel_loop3A_357 : i32 to index
            %parallel_loop3A_363 = arith.index_cast %parallel_loop3A_356 : i32 to index
            %parallel_loop3A_364 = tpu.vector_load %parallel_loop3A_361[%parallel_loop3A_362, %parallel_loop3A_363] {strides = array<i32>} : memref<26x1024xf32, #tpu.memory_space<vmem>>, vector<16xf32>,
            %parallel_loop3A_365 = arith.constant 1 : i32
            %parallel_loop3A_366 = arith.constant 0 : i32
            %parallel_loop3A_367 = arith.constant 0 : i32
            %parallel_loop3A_368 = tpu.memref_slice %run_scoped3A[%rem3A_269, %parallel_loop3A_366, %parallel_loop3A_367] : memref<2x26x1024xf32, #tpu.memory_space<vmem>> -> memref<1x26x1024xf32, #tpu.memory_space<vmem>>
            %parallel_loop3A_369 = tpu.memref_squeeze %parallel_loop3A_368 : memref<1x26x1024xf32, #tpu.memory_space<vmem>> -> memref<26x1024xf32, #tpu.memory_space<vmem>>
            %parallel_loop3A_370 = arith.index_cast %parallel_loop3A_365 : i32 to index
            %parallel_loop3A_371 = arith.index_cast %parallel_loop3A_356 : i32 to index
            %parallel_loop3A_372 = tpu.vector_load %parallel_loop3A_369[%parallel_loop3A_370, %parallel_loop3A_371] {strides = array<i32>} : memref<26x1024xf32, #tpu.memory_space<vmem>>, vector<16xf32>,
            %parallel_loop3A_373 = arith.maximumf %parallel_loop3A_364, %parallel_loop3A_372 : vector<16xf32>
            %parallel_loop3A_374 = arith.constant 2 : i32
            %parallel_loop3A_375 = arith.constant 0 : i32
            %parallel_loop3A_376 = arith.constant 0 : i32
            %parallel_loop3A_377 = tpu.memref_slice %run_scoped3A[%rem3A_269, %parallel_loop3A_375, %parallel_loop3A_376] : memref<2x26x1024xf32, #tpu.memory_space<vmem>> -> memref<1x26x1024xf32, #tpu.memory_space<vmem>>
            %parallel_loop3A_378 = tpu.memref_squeeze %parallel_loop3A_377 : memref<1x26x1024xf32, #tpu.memory_space<vmem>> -> memref<26x1024xf32, #tpu.memory_space<vmem>>
            %parallel_loop3A_379 = arith.index_cast %parallel_loop3A_374 : i32 to index
            %parallel_loop3A_380 = arith.index_cast %parallel_loop3A_356 : i32 to index
            %parallel_loop3A_381 = tpu.vector_load %parallel_loop3A_378[%parallel_loop3A_379, %parallel_loop3A_380] {strides = array<i32>} : memref<26x1024xf32, #tpu.memory_space<vmem>>, vector<16xf32>,
            %parallel_loop3A_382 = arith.maximumf %parallel_loop3A_373, %parallel_loop3A_381 : vector<16xf32>
            %parallel_loop3A_383 = arith.constant 8 : i32
            %parallel_loop3A_384 = arith.constant 0 : i32
            %parallel_loop3A_385 = arith.constant 0 : i32
            %parallel_loop3A_386 = tpu.memref_slice %run_scoped3A[%rem3A_269, %parallel_loop3A_384, %parallel_loop3A_385] : memref<2x26x1024xf32, #tpu.memory_space<vmem>> -> memref<1x26x1024xf32, #tpu.memory_space<vmem>>
            %parallel_loop3A_387 = tpu.memref_squeeze %parallel_loop3A_386 : memref<1x26x1024xf32, #tpu.memory_space<vmem>> -> memref<26x1024xf32, #tpu.memory_space<vmem>>
            %parallel_loop3A_388 = arith.index_cast %parallel_loop3A_383 : i32 to index
            %parallel_loop3A_389 = arith.index_cast %parallel_loop3A_356 : i32 to index
            %parallel_loop3A_390 = tpu.vector_load %parallel_loop3A_387[%parallel_loop3A_388, %parallel_loop3A_389] {strides = array<i32>} : memref<26x1024xf32, #tpu.memory_space<vmem>>, vector<16xf32>,
            %parallel_loop3A_391 = arith.maximumf %parallel_loop3A_382, %parallel_loop3A_390 : vector<16xf32>
            %parallel_loop3A_392 = arith.constant 25 : i32
            %parallel_loop3A_393 = arith.constant 0 : i32
            %parallel_loop3A_394 = arith.constant 0 : i32
            %parallel_loop3A_395 = tpu.memref_slice %run_scoped3A[%rem3A_269, %parallel_loop3A_393, %parallel_loop3A_394] : memref<2x26x1024xf32, #tpu.memory_space<vmem>> -> memref<1x26x1024xf32, #tpu.memory_space<vmem>>
            %parallel_loop3A_396 = tpu.memref_squeeze %parallel_loop3A_395 : memref<1x26x1024xf32, #tpu.memory_space<vmem>> -> memref<26x1024xf32, #tpu.memory_space<vmem>>
            %parallel_loop3A_397 = arith.index_cast %parallel_loop3A_392 : i32 to index
            %parallel_loop3A_398 = arith.index_cast %parallel_loop3A_356 : i32 to index
            %parallel_loop3A_399 = tpu.vector_load %parallel_loop3A_396[%parallel_loop3A_397, %parallel_loop3A_398] {strides = array<i32>} : memref<26x1024xf32, #tpu.memory_space<vmem>>, vector<16xf32>,
            %parallel_loop3A_400 = arith.maximumf %parallel_loop3A_391, %parallel_loop3A_399 : vector<16xf32>
            %parallel_loop3A_401 = arith.constant 0 : i32
            %parallel_loop3A_402 = arith.constant 0 : i32
            %parallel_loop3A_403 = arith.constant 0 : i32
            %parallel_loop3A_404 = tpu.memref_slice %run_scoped3A_40[%rem3A_271, %parallel_loop3A_402, %parallel_loop3A_403] : memref<2x6x1024xf32, #tpu.memory_space<vmem>> -> memref<1x6x1024xf32, #tpu.memory_space<vmem>>
            %parallel_loop3A_405 = tpu.memref_squeeze %parallel_loop3A_404 : memref<1x6x1024xf32, #tpu.memory_space<vmem>> -> memref<6x1024xf32, #tpu.memory_space<vmem>>
            %parallel_loop3A_406 = arith.index_cast %parallel_loop3A_401 : i32 to index
            %parallel_loop3A_407 = arith.index_cast %parallel_loop3A_356 : i32 to index
            %parallel_loop3A_408 = tpu.vector_load %parallel_loop3A_405[%parallel_loop3A_406, %parallel_loop3A_407] {strides = array<i32>} : memref<6x1024xf32, #tpu.memory_space<vmem>>, vector<16xf32>,
            tpu.vector_store %parallel_loop3A_405[%parallel_loop3A_406, %parallel_loop3A_407], %parallel_loop3A_400 {strides = array<i32>} : memref<6x1024xf32, #tpu.memory_space<vmem>>, vector<16xf32>,
            %parallel_loop3A_409 = arith.constant 3 : i32
            %parallel_loop3A_410 = arith.constant 0 : i32
            %parallel_loop3A_411 = arith.constant 0 : i32
            %parallel_loop3A_412 = tpu.memref_slice %run_scoped3A[%rem3A_269, %parallel_loop3A_410, %parallel_loop3A_411] : memref<2x26x1024xf32, #tpu.memory_space<vmem>> -> memref<1x26x1024xf32, #tpu.memory_space<vmem>>
            %parallel_loop3A_413 = tpu.memref_squeeze %parallel_loop3A_412 : memref<1x26x1024xf32, #tpu.memory_space<vmem>> -> memref<26x1024xf32, #tpu.memory_space<vmem>>
            %parallel_loop3A_414 = arith.index_cast %parallel_loop3A_409 : i32 to index
            %parallel_loop3A_415 = arith.index_cast %parallel_loop3A_356 : i32 to index
            %parallel_loop3A_416 = tpu.vector_load %parallel_loop3A_413[%parallel_loop3A_414, %parallel_loop3A_415] {strides = array<i32>} : memref<26x1024xf32, #tpu.memory_space<vmem>>, vector<16xf32>,
            %parallel_loop3A_417 = arith.constant 24 : i32
            %parallel_loop3A_418 = arith.constant 0 : i32
            %parallel_loop3A_419 = arith.constant 0 : i32
            %parallel_loop3A_420 = tpu.memref_slice %run_scoped3A[%rem3A_269, %parallel_loop3A_418, %parallel_loop3A_419] : memref<2x26x1024xf32, #tpu.memory_space<vmem>> -> memref<1x26x1024xf32, #tpu.memory_space<vmem>>
            %parallel_loop3A_421 = tpu.memref_squeeze %parallel_loop3A_420 : memref<1x26x1024xf32, #tpu.memory_space<vmem>> -> memref<26x1024xf32, #tpu.memory_space<vmem>>
            %parallel_loop3A_422 = arith.index_cast %parallel_loop3A_417 : i32 to index
            %parallel_loop3A_423 = arith.index_cast %parallel_loop3A_356 : i32 to index
            %parallel_loop3A_424 = tpu.vector_load %parallel_loop3A_421[%parallel_loop3A_422, %parallel_loop3A_423] {strides = array<i32>} : memref<26x1024xf32, #tpu.memory_space<vmem>>, vector<16xf32>,
            %parallel_loop3A_425 = arith.maximumf %parallel_loop3A_416, %parallel_loop3A_424 : vector<16xf32>
            %parallel_loop3A_426 = arith.constant 1 : i32
            %parallel_loop3A_427 = arith.constant 0 : i32
            %parallel_loop3A_428 = arith.constant 0 : i32
            %parallel_loop3A_429 = tpu.memref_slice %run_scoped3A_40[%rem3A_271, %parallel_loop3A_427, %parallel_loop3A_428] : memref<2x6x1024xf32, #tpu.memory_space<vmem>> -> memref<1x6x1024xf32, #tpu.memory_space<vmem>>
            %parallel_loop3A_430 = tpu.memref_squeeze %parallel_loop3A_429 : memref<1x6x1024xf32, #tpu.memory_space<vmem>> -> memref<6x1024xf32, #tpu.memory_space<vmem>>
            %parallel_loop3A_431 = arith.index_cast %parallel_loop3A_426 : i32 to index
            %parallel_loop3A_432 = arith.index_cast %parallel_loop3A_356 : i32 to index
            %parallel_loop3A_433 = tpu.vector_load %parallel_loop3A_430[%parallel_loop3A_431, %parallel_loop3A_432] {strides = array<i32>} : memref<6x1024xf32, #tpu.memory_space<vmem>>, vector<16xf32>,
            tpu.vector_store %parallel_loop3A_430[%parallel_loop3A_431, %parallel_loop3A_432], %parallel_loop3A_425 {strides = array<i32>} : memref<6x1024xf32, #tpu.memory_space<vmem>>, vector<16xf32>,
            %parallel_loop3A_434 = arith.constant 6 : i32
            %parallel_loop3A_435 = arith.constant 0 : i32
            %parallel_loop3A_436 = arith.constant 0 : i32
            %parallel_loop3A_437 = tpu.memref_slice %run_scoped3A[%rem3A_269, %parallel_loop3A_435, %parallel_loop3A_436] : memref<2x26x1024xf32, #tpu.memory_space<vmem>> -> memref<1x26x1024xf32, #tpu.memory_space<vmem>>
            %parallel_loop3A_438 = tpu.memref_squeeze %parallel_loop3A_437 : memref<1x26x1024xf32, #tpu.memory_space<vmem>> -> memref<26x1024xf32, #tpu.memory_space<vmem>>
            %parallel_loop3A_439 = arith.index_cast %parallel_loop3A_434 : i32 to index
            %parallel_loop3A_440 = arith.index_cast %parallel_loop3A_356 : i32 to index
            %parallel_loop3A_441 = tpu.vector_load %parallel_loop3A_438[%parallel_loop3A_439, %parallel_loop3A_440] {strides = array<i32>} : memref<26x1024xf32, #tpu.memory_space<vmem>>, vector<16xf32>,
            %parallel_loop3A_442 = arith.constant 7 : i32
            %parallel_loop3A_443 = arith.constant 0 : i32
            %parallel_loop3A_444 = arith.constant 0 : i32
            %parallel_loop3A_445 = tpu.memref_slice %run_scoped3A[%rem3A_269, %parallel_loop3A_443, %parallel_loop3A_444] : memref<2x26x1024xf32, #tpu.memory_space<vmem>> -> memref<1x26x1024xf32, #tpu.memory_space<vmem>>
            %parallel_loop3A_446 = tpu.memref_squeeze %parallel_loop3A_445 : memref<1x26x1024xf32, #tpu.memory_space<vmem>> -> memref<26x1024xf32, #tpu.memory_space<vmem>>
            %parallel_loop3A_447 = arith.index_cast %parallel_loop3A_442 : i32 to index
            %parallel_loop3A_448 = arith.index_cast %parallel_loop3A_356 : i32 to index
            %parallel_loop3A_449 = tpu.vector_load %parallel_loop3A_446[%parallel_loop3A_447, %parallel_loop3A_448] {strides = array<i32>} : memref<26x1024xf32, #tpu.memory_space<vmem>>, vector<16xf32>,
            %parallel_loop3A_450 = arith.maximumf %parallel_loop3A_441, %parallel_loop3A_449 : vector<16xf32>
            %parallel_loop3A_451 = arith.constant 2 : i32
            %parallel_loop3A_452 = arith.constant 0 : i32
            %parallel_loop3A_453 = arith.constant 0 : i32
            %parallel_loop3A_454 = tpu.memref_slice %run_scoped3A_40[%rem3A_271, %parallel_loop3A_452, %parallel_loop3A_453] : memref<2x6x1024xf32, #tpu.memory_space<vmem>> -> memref<1x6x1024xf32, #tpu.memory_space<vmem>>
            %parallel_loop3A_455 = tpu.memref_squeeze %parallel_loop3A_454 : memref<1x6x1024xf32, #tpu.memory_space<vmem>> -> memref<6x1024xf32, #tpu.memory_space<vmem>>
            %parallel_loop3A_456 = arith.index_cast %parallel_loop3A_451 : i32 to index
            %parallel_loop3A_457 = arith.index_cast %parallel_loop3A_356 : i32 to index
            %parallel_loop3A_458 = tpu.vector_load %parallel_loop3A_455[%parallel_loop3A_456, %parallel_loop3A_457] {strides = array<i32>} : memref<6x1024xf32, #tpu.memory_space<vmem>>, vector<16xf32>,
            tpu.vector_store %parallel_loop3A_455[%parallel_loop3A_456, %parallel_loop3A_457], %parallel_loop3A_450 {strides = array<i32>} : memref<6x1024xf32, #tpu.memory_space<vmem>>, vector<16xf32>,
            %parallel_loop3A_459 = arith.constant 4 : i32
            %parallel_loop3A_460 = arith.constant 0 : i32
            %parallel_loop3A_461 = arith.constant 0 : i32
            %parallel_loop3A_462 = tpu.memref_slice %run_scoped3A[%rem3A_269, %parallel_loop3A_460, %parallel_loop3A_461] : memref<2x26x1024xf32, #tpu.memory_space<vmem>> -> memref<1x26x1024xf32, #tpu.memory_space<vmem>>
            %parallel_loop3A_463 = tpu.memref_squeeze %parallel_loop3A_462 : memref<1x26x1024xf32, #tpu.memory_space<vmem>> -> memref<26x1024xf32, #tpu.memory_space<vmem>>
            %parallel_loop3A_464 = arith.index_cast %parallel_loop3A_459 : i32 to index
            %parallel_loop3A_465 = arith.index_cast %parallel_loop3A_356 : i32 to index
            %parallel_loop3A_466 = tpu.vector_load %parallel_loop3A_463[%parallel_loop3A_464, %parallel_loop3A_465] {strides = array<i32>} : memref<26x1024xf32, #tpu.memory_space<vmem>>, vector<16xf32>,
            %parallel_loop3A_467 = arith.constant 9 : i32
            %parallel_loop3A_468 = arith.constant 0 : i32
            %parallel_loop3A_469 = arith.constant 0 : i32
            %parallel_loop3A_470 = tpu.memref_slice %run_scoped3A[%rem3A_269, %parallel_loop3A_468, %parallel_loop3A_469] : memref<2x26x1024xf32, #tpu.memory_space<vmem>> -> memref<1x26x1024xf32, #tpu.memory_space<vmem>>
            %parallel_loop3A_471 = tpu.memref_squeeze %parallel_loop3A_470 : memref<1x26x1024xf32, #tpu.memory_space<vmem>> -> memref<26x1024xf32, #tpu.memory_space<vmem>>
            %parallel_loop3A_472 = arith.index_cast %parallel_loop3A_467 : i32 to index
            %parallel_loop3A_473 = arith.index_cast %parallel_loop3A_356 : i32 to index
            %parallel_loop3A_474 = tpu.vector_load %parallel_loop3A_471[%parallel_loop3A_472, %parallel_loop3A_473] {strides = array<i32>} : memref<26x1024xf32, #tpu.memory_space<vmem>>, vector<16xf32>,
            %parallel_loop3A_475 = arith.maximumf %parallel_loop3A_466, %parallel_loop3A_474 : vector<16xf32>
            %parallel_loop3A_476 = arith.constant 3 : i32
            %parallel_loop3A_477 = arith.constant 0 : i32
            %parallel_loop3A_478 = arith.constant 0 : i32
            %parallel_loop3A_479 = tpu.memref_slice %run_scoped3A_40[%rem3A_271, %parallel_loop3A_477, %parallel_loop3A_478] : memref<2x6x1024xf32, #tpu.memory_space<vmem>> -> memref<1x6x1024xf32, #tpu.memory_space<vmem>>
            %parallel_loop3A_480 = tpu.memref_squeeze %parallel_loop3A_479 : memref<1x6x1024xf32, #tpu.memory_space<vmem>> -> memref<6x1024xf32, #tpu.memory_space<vmem>>
            %parallel_loop3A_481 = arith.index_cast %parallel_loop3A_476 : i32 to index
            %parallel_loop3A_482 = arith.index_cast %parallel_loop3A_356 : i32 to index
            %parallel_loop3A_483 = tpu.vector_load %parallel_loop3A_480[%parallel_loop3A_481, %parallel_loop3A_482] {strides = array<i32>} : memref<6x1024xf32, #tpu.memory_space<vmem>>, vector<16xf32>,
            tpu.vector_store %parallel_loop3A_480[%parallel_loop3A_481, %parallel_loop3A_482], %parallel_loop3A_475 {strides = array<i32>} : memref<6x1024xf32, #tpu.memory_space<vmem>>, vector<16xf32>,
            %parallel_loop3A_484 = arith.constant 12 : i32
            %parallel_loop3A_485 = arith.constant 0 : i32
            %parallel_loop3A_486 = arith.constant 0 : i32
            %parallel_loop3A_487 = tpu.memref_slice %run_scoped3A[%rem3A_269, %parallel_loop3A_485, %parallel_loop3A_486] : memref<2x26x1024xf32, #tpu.memory_space<vmem>> -> memref<1x26x1024xf32, #tpu.memory_space<vmem>>
            %parallel_loop3A_488 = tpu.memref_squeeze %parallel_loop3A_487 : memref<1x26x1024xf32, #tpu.memory_space<vmem>> -> memref<26x1024xf32, #tpu.memory_space<vmem>>
            %parallel_loop3A_489 = arith.index_cast %parallel_loop3A_484 : i32 to index
            %parallel_loop3A_490 = arith.index_cast %parallel_loop3A_356 : i32 to index
            %parallel_loop3A_491 = tpu.vector_load %parallel_loop3A_488[%parallel_loop3A_489, %parallel_loop3A_490] {strides = array<i32>} : memref<26x1024xf32, #tpu.memory_space<vmem>>, vector<16xf32>,
            %parallel_loop3A_492 = arith.constant 13 : i32
            %parallel_loop3A_493 = arith.constant 0 : i32
            %parallel_loop3A_494 = arith.constant 0 : i32
            %parallel_loop3A_495 = tpu.memref_slice %run_scoped3A[%rem3A_269, %parallel_loop3A_493, %parallel_loop3A_494] : memref<2x26x1024xf32, #tpu.memory_space<vmem>> -> memref<1x26x1024xf32, #tpu.memory_space<vmem>>
            %parallel_loop3A_496 = tpu.memref_squeeze %parallel_loop3A_495 : memref<1x26x1024xf32, #tpu.memory_space<vmem>> -> memref<26x1024xf32, #tpu.memory_space<vmem>>
            %parallel_loop3A_497 = arith.index_cast %parallel_loop3A_492 : i32 to index
            %parallel_loop3A_498 = arith.index_cast %parallel_loop3A_356 : i32 to index
            %parallel_loop3A_499 = tpu.vector_load %parallel_loop3A_496[%parallel_loop3A_497, %parallel_loop3A_498] {strides = array<i32>} : memref<26x1024xf32, #tpu.memory_space<vmem>>, vector<16xf32>,
            %parallel_loop3A_500 = arith.maximumf %parallel_loop3A_491, %parallel_loop3A_499 : vector<16xf32>
            %parallel_loop3A_501 = arith.constant 14 : i32
            %parallel_loop3A_502 = arith.constant 0 : i32
            %parallel_loop3A_503 = arith.constant 0 : i32
            %parallel_loop3A_504 = tpu.memref_slice %run_scoped3A[%rem3A_269, %parallel_loop3A_502, %parallel_loop3A_503] : memref<2x26x1024xf32, #tpu.memory_space<vmem>> -> memref<1x26x1024xf32, #tpu.memory_space<vmem>>
            %parallel_loop3A_505 = tpu.memref_squeeze %parallel_loop3A_504 : memref<1x26x1024xf32, #tpu.memory_space<vmem>> -> memref<26x1024xf32, #tpu.memory_space<vmem>>
            %parallel_loop3A_506 = arith.index_cast %parallel_loop3A_501 : i32 to index
            %parallel_loop3A_507 = arith.index_cast %parallel_loop3A_356 : i32 to index
            %parallel_loop3A_508 = tpu.vector_load %parallel_loop3A_505[%parallel_loop3A_506, %parallel_loop3A_507] {strides = array<i32>} : memref<26x1024xf32, #tpu.memory_space<vmem>>, vector<16xf32>,
            %parallel_loop3A_509 = arith.maximumf %parallel_loop3A_500, %parallel_loop3A_508 : vector<16xf32>
            %parallel_loop3A_510 = arith.constant 15 : i32
            %parallel_loop3A_511 = arith.constant 0 : i32
            %parallel_loop3A_512 = arith.constant 0 : i32
            %parallel_loop3A_513 = tpu.memref_slice %run_scoped3A[%rem3A_269, %parallel_loop3A_511, %parallel_loop3A_512] : memref<2x26x1024xf32, #tpu.memory_space<vmem>> -> memref<1x26x1024xf32, #tpu.memory_space<vmem>>
            %parallel_loop3A_514 = tpu.memref_squeeze %parallel_loop3A_513 : memref<1x26x1024xf32, #tpu.memory_space<vmem>> -> memref<26x1024xf32, #tpu.memory_space<vmem>>
            %parallel_loop3A_515 = arith.index_cast %parallel_loop3A_510 : i32 to index
            %parallel_loop3A_516 = arith.index_cast %parallel_loop3A_356 : i32 to index
            %parallel_loop3A_517 = tpu.vector_load %parallel_loop3A_514[%parallel_loop3A_515, %parallel_loop3A_516] {strides = array<i32>} : memref<26x1024xf32, #tpu.memory_space<vmem>>, vector<16xf32>,
            %parallel_loop3A_518 = arith.maximumf %parallel_loop3A_509, %parallel_loop3A_517 : vector<16xf32>
            %parallel_loop3A_519 = arith.constant 4 : i32
            %parallel_loop3A_520 = arith.constant 0 : i32
            %parallel_loop3A_521 = arith.constant 0 : i32
            %parallel_loop3A_522 = tpu.memref_slice %run_scoped3A_40[%rem3A_271, %parallel_loop3A_520, %parallel_loop3A_521] : memref<2x6x1024xf32, #tpu.memory_space<vmem>> -> memref<1x6x1024xf32, #tpu.memory_space<vmem>>
            %parallel_loop3A_523 = tpu.memref_squeeze %parallel_loop3A_522 : memref<1x6x1024xf32, #tpu.memory_space<vmem>> -> memref<6x1024xf32, #tpu.memory_space<vmem>>
            %parallel_loop3A_524 = arith.index_cast %parallel_loop3A_519 : i32 to index
            %parallel_loop3A_525 = arith.index_cast %parallel_loop3A_356 : i32 to index
            %parallel_loop3A_526 = tpu.vector_load %parallel_loop3A_523[%parallel_loop3A_524, %parallel_loop3A_525] {strides = array<i32>} : memref<6x1024xf32, #tpu.memory_space<vmem>>, vector<16xf32>,
            tpu.vector_store %parallel_loop3A_523[%parallel_loop3A_524, %parallel_loop3A_525], %parallel_loop3A_518 {strides = array<i32>} : memref<6x1024xf32, #tpu.memory_space<vmem>>, vector<16xf32>,
            %parallel_loop3A_527 = arith.constant 16 : i32
            %parallel_loop3A_528 = arith.constant 0 : i32
            %parallel_loop3A_529 = arith.constant 0 : i32
            %parallel_loop3A_530 = tpu.memref_slice %run_scoped3A[%rem3A_269, %parallel_loop3A_528, %parallel_loop3A_529] : memref<2x26x1024xf32, #tpu.memory_space<vmem>> -> memref<1x26x1024xf32, #tpu.memory_space<vmem>>
            %parallel_loop3A_531 = tpu.memref_squeeze %parallel_loop3A_530 : memref<1x26x1024xf32, #tpu.memory_space<vmem>> -> memref<26x1024xf32, #tpu.memory_space<vmem>>
            %parallel_loop3A_532 = arith.index_cast %parallel_loop3A_527 : i32 to index
            %parallel_loop3A_533 = arith.index_cast %parallel_loop3A_356 : i32 to index
            %parallel_loop3A_534 = tpu.vector_load %parallel_loop3A_531[%parallel_loop3A_532, %parallel_loop3A_533] {strides = array<i32>} : memref<26x1024xf32, #tpu.memory_space<vmem>>, vector<16xf32>,
            %parallel_loop3A_535 = arith.constant 17 : i32
            %parallel_loop3A_536 = arith.constant 0 : i32
            %parallel_loop3A_537 = arith.constant 0 : i32
            %parallel_loop3A_538 = tpu.memref_slice %run_scoped3A[%rem3A_269, %parallel_loop3A_536, %parallel_loop3A_537] : memref<2x26x1024xf32, #tpu.memory_space<vmem>> -> memref<1x26x1024xf32, #tpu.memory_space<vmem>>
            %parallel_loop3A_539 = tpu.memref_squeeze %parallel_loop3A_538 : memref<1x26x1024xf32, #tpu.memory_space<vmem>> -> memref<26x1024xf32, #tpu.memory_space<vmem>>
            %parallel_loop3A_540 = arith.index_cast %parallel_loop3A_535 : i32 to index
            %parallel_loop3A_541 = arith.index_cast %parallel_loop3A_356 : i32 to index
            %parallel_loop3A_542 = tpu.vector_load %parallel_loop3A_539[%parallel_loop3A_540, %parallel_loop3A_541] {strides = array<i32>} : memref<26x1024xf32, #tpu.memory_space<vmem>>, vector<16xf32>,
            %parallel_loop3A_543 = arith.maximumf %parallel_loop3A_534, %parallel_loop3A_542 : vector<16xf32>
            %parallel_loop3A_544 = arith.constant 18 : i32
            %parallel_loop3A_545 = arith.constant 0 : i32
            %parallel_loop3A_546 = arith.constant 0 : i32
            %parallel_loop3A_547 = tpu.memref_slice %run_scoped3A[%rem3A_269, %parallel_loop3A_545, %parallel_loop3A_546] : memref<2x26x1024xf32, #tpu.memory_space<vmem>> -> memref<1x26x1024xf32, #tpu.memory_space<vmem>>
            %parallel_loop3A_548 = tpu.memref_squeeze %parallel_loop3A_547 : memref<1x26x1024xf32, #tpu.memory_space<vmem>> -> memref<26x1024xf32, #tpu.memory_space<vmem>>
            %parallel_loop3A_549 = arith.index_cast %parallel_loop3A_544 : i32 to index
            %parallel_loop3A_550 = arith.index_cast %parallel_loop3A_356 : i32 to index
            %parallel_loop3A_551 = tpu.vector_load %parallel_loop3A_548[%parallel_loop3A_549, %parallel_loop3A_550] {strides = array<i32>} : memref<26x1024xf32, #tpu.memory_space<vmem>>, vector<16xf32>,
            %parallel_loop3A_552 = arith.maximumf %parallel_loop3A_543, %parallel_loop3A_551 : vector<16xf32>
            %parallel_loop3A_553 = arith.constant 19 : i32
            %parallel_loop3A_554 = arith.constant 0 : i32
            %parallel_loop3A_555 = arith.constant 0 : i32
            %parallel_loop3A_556 = tpu.memref_slice %run_scoped3A[%rem3A_269, %parallel_loop3A_554, %parallel_loop3A_555] : memref<2x26x1024xf32, #tpu.memory_space<vmem>> -> memref<1x26x1024xf32, #tpu.memory_space<vmem>>
            %parallel_loop3A_557 = tpu.memref_squeeze %parallel_loop3A_556 : memref<1x26x1024xf32, #tpu.memory_space<vmem>> -> memref<26x1024xf32, #tpu.memory_space<vmem>>
            %parallel_loop3A_558 = arith.index_cast %parallel_loop3A_553 : i32 to index
            %parallel_loop3A_559 = arith.index_cast %parallel_loop3A_356 : i32 to index
            %parallel_loop3A_560 = tpu.vector_load %parallel_loop3A_557[%parallel_loop3A_558, %parallel_loop3A_559] {strides = array<i32>} : memref<26x1024xf32, #tpu.memory_space<vmem>>, vector<16xf32>,
            %parallel_loop3A_561 = arith.maximumf %parallel_loop3A_552, %parallel_loop3A_560 : vector<16xf32>
            %parallel_loop3A_562 = arith.constant 20 : i32
            %parallel_loop3A_563 = arith.constant 0 : i32
            %parallel_loop3A_564 = arith.constant 0 : i32
            %parallel_loop3A_565 = tpu.memref_slice %run_scoped3A[%rem3A_269, %parallel_loop3A_563, %parallel_loop3A_564] : memref<2x26x1024xf32, #tpu.memory_space<vmem>> -> memref<1x26x1024xf32, #tpu.memory_space<vmem>>
            %parallel_loop3A_566 = tpu.memref_squeeze %parallel_loop3A_565 : memref<1x26x1024xf32, #tpu.memory_space<vmem>> -> memref<26x1024xf32, #tpu.memory_space<vmem>>
            %parallel_loop3A_567 = arith.index_cast %parallel_loop3A_562 : i32 to index
            %parallel_loop3A_568 = arith.index_cast %parallel_loop3A_356 : i32 to index
            %parallel_loop3A_569 = tpu.vector_load %parallel_loop3A_566[%parallel_loop3A_567, %parallel_loop3A_568] {strides = array<i32>} : memref<26x1024xf32, #tpu.memory_space<vmem>>, vector<16xf32>,
            %parallel_loop3A_570 = arith.maximumf %parallel_loop3A_561, %parallel_loop3A_569 : vector<16xf32>
            %parallel_loop3A_571 = arith.constant 21 : i32
            %parallel_loop3A_572 = arith.constant 0 : i32
            %parallel_loop3A_573 = arith.constant 0 : i32
            %parallel_loop3A_574 = tpu.memref_slice %run_scoped3A[%rem3A_269, %parallel_loop3A_572, %parallel_loop3A_573] : memref<2x26x1024xf32, #tpu.memory_space<vmem>> -> memref<1x26x1024xf32, #tpu.memory_space<vmem>>
            %parallel_loop3A_575 = tpu.memref_squeeze %parallel_loop3A_574 : memref<1x26x1024xf32, #tpu.memory_space<vmem>> -> memref<26x1024xf32, #tpu.memory_space<vmem>>
            %parallel_loop3A_576 = arith.index_cast %parallel_loop3A_571 : i32 to index
            %parallel_loop3A_577 = arith.index_cast %parallel_loop3A_356 : i32 to index
            %parallel_loop3A_578 = tpu.vector_load %parallel_loop3A_575[%parallel_loop3A_576, %parallel_loop3A_577] {strides = array<i32>} : memref<26x1024xf32, #tpu.memory_space<vmem>>, vector<16xf32>,
            %parallel_loop3A_579 = arith.maximumf %parallel_loop3A_570, %parallel_loop3A_578 : vector<16xf32>
            %parallel_loop3A_580 = arith.constant 22 : i32
            %parallel_loop3A_581 = arith.constant 0 : i32
            %parallel_loop3A_582 = arith.constant 0 : i32
            %parallel_loop3A_583 = tpu.memref_slice %run_scoped3A[%rem3A_269, %parallel_loop3A_581, %parallel_loop3A_582] : memref<2x26x1024xf32, #tpu.memory_space<vmem>> -> memref<1x26x1024xf32, #tpu.memory_space<vmem>>
            %parallel_loop3A_584 = tpu.memref_squeeze %parallel_loop3A_583 : memref<1x26x1024xf32, #tpu.memory_space<vmem>> -> memref<26x1024xf32, #tpu.memory_space<vmem>>
            %parallel_loop3A_585 = arith.index_cast %parallel_loop3A_580 : i32 to index
            %parallel_loop3A_586 = arith.index_cast %parallel_loop3A_356 : i32 to index
            %parallel_loop3A_587 = tpu.vector_load %parallel_loop3A_584[%parallel_loop3A_585, %parallel_loop3A_586] {strides = array<i32>} : memref<26x1024xf32, #tpu.memory_space<vmem>>, vector<16xf32>,
            %parallel_loop3A_588 = arith.maximumf %parallel_loop3A_579, %parallel_loop3A_587 : vector<16xf32>
            %parallel_loop3A_589 = arith.constant 23 : i32
            %parallel_loop3A_590 = arith.constant 0 : i32
            %parallel_loop3A_591 = arith.constant 0 : i32
            %parallel_loop3A_592 = tpu.memref_slice %run_scoped3A[%rem3A_269, %parallel_loop3A_590, %parallel_loop3A_591] : memref<2x26x1024xf32, #tpu.memory_space<vmem>> -> memref<1x26x1024xf32, #tpu.memory_space<vmem>>
            %parallel_loop3A_593 = tpu.memref_squeeze %parallel_loop3A_592 : memref<1x26x1024xf32, #tpu.memory_space<vmem>> -> memref<26x1024xf32, #tpu.memory_space<vmem>>
            %parallel_loop3A_594 = arith.index_cast %parallel_loop3A_589 : i32 to index
            %parallel_loop3A_595 = arith.index_cast %parallel_loop3A_356 : i32 to index
            %parallel_loop3A_596 = tpu.vector_load %parallel_loop3A_593[%parallel_loop3A_594, %parallel_loop3A_595] {strides = array<i32>} : memref<26x1024xf32, #tpu.memory_space<vmem>>, vector<16xf32>,
            %parallel_loop3A_597 = arith.maximumf %parallel_loop3A_588, %parallel_loop3A_596 : vector<16xf32>
            %parallel_loop3A_598 = arith.constant 5 : i32
            %parallel_loop3A_599 = arith.constant 0 : i32
            %parallel_loop3A_600 = arith.constant 0 : i32
            %parallel_loop3A_601 = tpu.memref_slice %run_scoped3A_40[%rem3A_271, %parallel_loop3A_599, %parallel_loop3A_600] : memref<2x6x1024xf32, #tpu.memory_space<vmem>> -> memref<1x6x1024xf32, #tpu.memory_space<vmem>>
            %parallel_loop3A_602 = tpu.memref_squeeze %parallel_loop3A_601 : memref<1x6x1024xf32, #tpu.memory_space<vmem>> -> memref<6x1024xf32, #tpu.memory_space<vmem>>
            %parallel_loop3A_603 = arith.index_cast %parallel_loop3A_598 : i32 to index
            %parallel_loop3A_604 = arith.index_cast %parallel_loop3A_356 : i32 to index
            %parallel_loop3A_605 = tpu.vector_load %parallel_loop3A_602[%parallel_loop3A_603, %parallel_loop3A_604] {strides = array<i32>} : memref<6x1024xf32, #tpu.memory_space<vmem>>, vector<16xf32>,
            tpu.vector_store %parallel_loop3A_602[%parallel_loop3A_603, %parallel_loop3A_604], %parallel_loop3A_597 {strides = array<i32>} : memref<6x1024xf32, #tpu.memory_space<vmem>>, vector<16xf32>,
          } {sc.loop_unroll_factor = 8 : i64, sc.parallel_access}
          "tpu.trace_stop"() : () -> ()
          %add3A_274 = arith.constant 384 : i32
          %add3A_275 = arith.addi %add3A_186, %add3A_274 : i32
          %add3A_276 = arith.constant 384 : i32
          %add3A_277 = arith.addi %add3A_204, %add3A_276 : i32
          %ne3A_278 = arith.cmpi ne, %add3A_275, %add3A_277 : i32
          %or3A_279 = arith.constant false
          %or3A_280 = arith.ori %or3A_279, %ne3A_278 : i1
          %or3A_281 = arith.ori %or3A_280, %eq3A_185 : i1
          %convert_element_type3A_282 = arith.extui %or3A_281 : i1 to i32
          %cond3A_283 = arith.constant 0 : i32
          %cond3A_284 = arith.cmpi ne, %convert_element_type3A_282, %cond3A_283 : i32
          scf.if %cond3A_284 {
          } else {
          }
          %and3A_285 = arith.constant false
          %and3A_286 = arith.andi %or3A_281, %and3A_285 : i1
          %add3A_287 = arith.constant 384 : i32
          %add3A_288 = arith.addi %add3A_186, %add3A_287 : i32
          %add3A_289 = arith.constant 384 : i32
          %add3A_290 = arith.addi %add3A_204, %add3A_289 : i32
          %ne3A_291 = arith.cmpi ne, %add3A_288, %add3A_290 : i32
          %or3A_292 = arith.constant false
          %or3A_293 = arith.ori %or3A_292, %ne3A_291 : i1
          %or3A_294 = arith.ori %or3A_293, %eq3A_185 : i1
          %convert_element_type3A_295 = arith.extui %or3A_294 : i1 to i32
          %cond3A_296 = arith.constant 0 : i32
          %cond3A_297 = arith.cmpi ne, %convert_element_type3A_295, %cond3A_296 : i32
          scf.if %cond3A_297 {
            "tpu.trace_start"() <{level = 10 : i32, message = "ep_copy_out"}> : () -> ()
            %rem3A_354 = arith.constant 2 : i32
            %rem3A_355 = arith.remui %while3A_176, %rem3A_354 : i32
            %add3A_356 = arith.constant 384 : i32
            %add3A_357 = arith.addi %add3A_186, %add3A_356 : i32
            %mul3A_358 = arith.constant 1024 : i32
            %mul3A_359 = arith.muli %mul3A_358, %add3A_357 : i32
            %eq3A_360 = arith.constant 976 : i32
            %eq3A_361 = arith.cmpi eq, %add3A_357, %eq3A_360 : i32
            %jit3A_362 = arith.constant 640 : i32
            %jit3A_363 = arith.constant 1024 : i32
            %select_n3A_364 = arith.select %eq3A_361, %jit3A_362, %jit3A_363 : i32
            %multiple_of3A_365 = tpu.assume_multiple %select_n3A_364, 128 : i32
            %mul3A_366 = arith.constant 1024 : i32
            %mul3A_367 = arith.muli %add3A_357, %mul3A_366 : i32
            %dma_start3A_368 = arith.constant 0 : i32
            %dma_start3A_369 = arith.constant 0 : i32
            %dma_start3A_370 = tpu.memref_slice %run_scoped3A_40[%rem3A_355, %dma_start3A_368, %dma_start3A_369] <%multiple_of3A_365> : memref<2x6x1024xf32, #tpu.memory_space<vmem>> -> memref<1x6x?xf32, #tpu.memory_space<vmem>>
            %dma_start3A_371 = tpu.memref_squeeze %dma_start3A_370 : memref<1x6x?xf32, #tpu.memory_space<vmem>> -> memref<6x?xf32, #tpu.memory_space<vmem>>
            %dma_start3A_372 = arith.constant 0 : i32
            %dma_start3A_373 = tpu.memref_slice %arg3[%dma_start3A_372, %mul3A_367] <%multiple_of3A_365> : memref<6x1000000xf32, #tpu.memory_space<hbm>> -> memref<6x?xf32, #tpu.memory_space<hbm>>
            %dma_start3A_374 = tpu.memref_slice %run_scoped3A_41[%rem3A_355] : memref<2x!tpu.dma_semaphore, #tpu.memory_space<semaphore_mem>> -> memref<1x!tpu.dma_semaphore, #tpu.memory_space<semaphore_mem>>
            %dma_start3A_375 = tpu.memref_squeeze %dma_start3A_374 : memref<1x!tpu.dma_semaphore, #tpu.memory_space<semaphore_mem>> -> memref<!tpu.dma_semaphore, #tpu.memory_space<semaphore_mem>>
            %dma_start3A_376 = arith.constant 0 : i32
            %dma_start3A_377 = tpu.memref_slice %arg3[%dma_start3A_376, %mul3A_367] <%multiple_of3A_365> : memref<6x1000000xf32, #tpu.memory_space<hbm>> -> memref<6x?xf32, #tpu.memory_space<hbm>>
            %dma_start3A_378 = arith.constant 0 : i32
            %dma_start3A_379 = arith.constant 0 : i32
            %dma_start3A_380 = tpu.memref_slice %run_scoped3A_40[%rem3A_355, %dma_start3A_378, %dma_start3A_379] <%multiple_of3A_365> : memref<2x6x1024xf32, #tpu.memory_space<vmem>> -> memref<1x6x?xf32, #tpu.memory_space<vmem>>
            %dma_start3A_381 = tpu.memref_squeeze %dma_start3A_380 : memref<1x6x?xf32, #tpu.memory_space<vmem>> -> memref<6x?xf32, #tpu.memory_space<vmem>>
            tpu.enqueue_dma source(%dma_start3A_381 : memref<6x?xf32, #tpu.memory_space<vmem>>) target(%dma_start3A_377 : memref<6x?xf32, #tpu.memory_space<hbm>>) target_semaphore(%dma_start3A_375 : memref<!tpu.dma_semaphore, #tpu.memory_space<semaphore_mem>>)
            "tpu.trace_stop"() : () -> ()
          } else {
          }
          %and3A_298 = arith.constant true
          %and3A_299 = arith.andi %or3A_294, %and3A_298 : i1
          %add3A_300 = arith.constant 1 : i32
          %add3A_301 = arith.addi %while3A_176, %add3A_300 : i32
          %select_n3A_302 = arith.select %and3A_299, %add3A_301, %while3A_176 : i32
          %add3A_303 = arith.constant 384 : i32
          %add3A_304 = arith.addi %add3A_186, %add3A_303 : i32
          %add3A_305 = arith.constant 384 : i32
          %add3A_306 = arith.addi %add3A_196, %add3A_305 : i32
          %ne3A_307 = arith.cmpi ne, %add3A_304, %add3A_306 : i32
          %or3A_308 = arith.constant false
          %or3A_309 = arith.ori %or3A_308, %ne3A_307 : i1
          %not3A_310 = arith.constant true
          %not3A_311 = arith.xori %eq3A_182, %not3A_310 : i1
          %and3A_312 = arith.andi %or3A_309, %not3A_311 : i1
          %convert_element_type3A_313 = arith.extui %and3A_312 : i1 to i32
          %cond3A_314 = arith.constant 0 : i32
          %cond3A_315 = arith.cmpi ne, %convert_element_type3A_313, %cond3A_314 : i32
          scf.if %cond3A_315 {
          } else {
          }
          %and3A_316 = arith.constant false
          %and3A_317 = arith.andi %and3A_312, %and3A_316 : i1
          %add3A_318 = arith.constant 384 : i32
          %add3A_319 = arith.addi %add3A_186, %add3A_318 : i32
          %add3A_320 = arith.constant 384 : i32
          %add3A_321 = arith.addi %add3A_196, %add3A_320 : i32
          %ne3A_322 = arith.cmpi ne, %add3A_319, %add3A_321 : i32
          %or3A_323 = arith.constant false
          %or3A_324 = arith.ori %or3A_323, %ne3A_322 : i1
          %not3A_325 = arith.constant true
          %not3A_326 = arith.xori %eq3A_182, %not3A_325 : i1
          %and3A_327 = arith.andi %or3A_324, %not3A_326 : i1
          %convert_element_type3A_328 = arith.extui %and3A_327 : i1 to i32
          %cond3A_329 = arith.constant 0 : i32
          %cond3A_330 = arith.cmpi ne, %convert_element_type3A_328, %cond3A_329 : i32
          scf.if %cond3A_330 {
            "tpu.trace_start"() <{level = 10 : i32, message = "ep_wait_out"}> : () -> ()
            %rem3A_354 = arith.constant 2 : i32
            %rem3A_355 = arith.remui %while3A_177, %rem3A_354 : i32
            %add3A_356 = arith.constant 384 : i32
            %add3A_357 = arith.addi %add3A_196, %add3A_356 : i32
            %mul3A_358 = arith.constant 1024 : i32
            %mul3A_359 = arith.muli %mul3A_358, %add3A_357 : i32
            %eq3A_360 = arith.constant 976 : i32
            %eq3A_361 = arith.cmpi eq, %add3A_357, %eq3A_360 : i32
            %jit3A_362 = arith.constant 640 : i32
            %jit3A_363 = arith.constant 1024 : i32
            %select_n3A_364 = arith.select %eq3A_361, %jit3A_362, %jit3A_363 : i32
            %multiple_of3A_365 = tpu.assume_multiple %select_n3A_364, 128 : i32
            %mul3A_366 = arith.constant 1024 : i32
            %mul3A_367 = arith.muli %add3A_357, %mul3A_366 : i32
            %dma_wait3A = arith.constant 0 : i32
            %dma_wait3A_368 = arith.constant 0 : i32
            %dma_wait3A_369 = tpu.memref_slice %run_scoped3A_40[%rem3A_355, %dma_wait3A, %dma_wait3A_368] <%multiple_of3A_365> : memref<2x6x1024xf32, #tpu.memory_space<vmem>> -> memref<1x6x?xf32, #tpu.memory_space<vmem>>
            %dma_wait3A_370 = tpu.memref_squeeze %dma_wait3A_369 : memref<1x6x?xf32, #tpu.memory_space<vmem>> -> memref<6x?xf32, #tpu.memory_space<vmem>>
            %dma_wait3A_371 = arith.constant 0 : i32
            %dma_wait3A_372 = tpu.memref_slice %arg3[%dma_wait3A_371, %mul3A_367] <%multiple_of3A_365> : memref<6x1000000xf32, #tpu.memory_space<hbm>> -> memref<6x?xf32, #tpu.memory_space<hbm>>
            %dma_wait3A_373 = tpu.memref_slice %run_scoped3A_41[%rem3A_355] : memref<2x!tpu.dma_semaphore, #tpu.memory_space<semaphore_mem>> -> memref<1x!tpu.dma_semaphore, #tpu.memory_space<semaphore_mem>>
            %dma_wait3A_374 = tpu.memref_squeeze %dma_wait3A_373 : memref<1x!tpu.dma_semaphore, #tpu.memory_space<semaphore_mem>> -> memref<!tpu.dma_semaphore, #tpu.memory_space<semaphore_mem>>
            %dma_wait3A_375 = arith.constant 0 : i32
            %dma_wait3A_376 = tpu.memref_slice %arg3[%dma_wait3A_375, %mul3A_367] <%multiple_of3A_365> : memref<6x1000000xf32, #tpu.memory_space<hbm>> -> memref<6x?xf32, #tpu.memory_space<hbm>>
            %dma_wait3A_377 = arith.constant 0 : i32
            %dma_wait3A_378 = arith.constant 0 : i32
            %dma_wait3A_379 = tpu.memref_slice %run_scoped3A_40[%rem3A_355, %dma_wait3A_377, %dma_wait3A_378] <%multiple_of3A_365> : memref<2x6x1024xf32, #tpu.memory_space<vmem>> -> memref<1x6x?xf32, #tpu.memory_space<vmem>>
            %dma_wait3A_380 = tpu.memref_squeeze %dma_wait3A_379 : memref<1x6x?xf32, #tpu.memory_space<vmem>> -> memref<6x?xf32, #tpu.memory_space<vmem>>
            tpu.wait_dma2 semaphore(%dma_wait3A_374 : memref<!tpu.dma_semaphore, #tpu.memory_space<semaphore_mem>>) src(%dma_wait3A_380 : memref<6x?xf32, #tpu.memory_space<vmem>>) dst(%dma_wait3A_376 : memref<6x?xf32, #tpu.memory_space<hbm>>)
            "tpu.trace_stop"() : () -> ()
          } else {
          }
          %and3A_331 = arith.constant true
          %and3A_332 = arith.andi %and3A_327, %and3A_331 : i1
          %add3A_333 = arith.constant 1 : i32
          %add3A_334 = arith.addi %while3A_177, %add3A_333 : i32
          %select_n3A_335 = arith.select %and3A_332, %add3A_334, %while3A_177 : i32
          %add3A_336 = arith.constant 384 : i32
          %add3A_337 = arith.addi %add3A_186, %add3A_336 : i32
          %add3A_338 = arith.constant 384 : i32
          %add3A_339 = arith.addi %add3A_204, %add3A_338 : i32
          %ne3A_340 = arith.cmpi ne, %add3A_337, %add3A_339 : i32
          %or3A_341 = arith.constant false
          %or3A_342 = arith.ori %or3A_341, %ne3A_340 : i1
          %or3A_343 = arith.ori %or3A_342, %eq3A_185 : i1
          %add3A_344 = arith.constant 1 : i32
          %add3A_345 = arith.addi %while3A_175, %add3A_344 : i32
          %select_n3A_346 = arith.select %or3A_343, %add3A_345, %while3A_175 : i32
          %add3A_347 = arith.constant 1 : i32
          %add3A_348 = arith.addi %while3A_178, %add3A_347 : i32
          %select_n3A_349 = arith.constant true
          %select_n3A_350 = arith.select %select_n3A_349, %add3A_348, %while3A_178 : i32
          %eq3A_351 = arith.cmpi eq, %select_n3A_350, %select_n3A : i32
          %select_n3A_352 = arith.constant 0 : i32
          %select_n3A_353 = arith.select %eq3A_351, %select_n3A_352, %select_n3A_350 : i32
          scf.yield %select_n3A_230, %select_n3A_346, %select_n3A_302, %select_n3A_335, %select_n3A_353 : i32, i32, i32, i32, i32
        }
        %sub3A_122 = arith.constant 1 : i32
        %sub3A_123 = arith.subi %while3A_121#4, %sub3A_122 : i32
        %select_n3A_124 = arith.constant true
        %select_n3A_125 = arith.select %select_n3A_124, %sub3A_123, %while3A_121#4 : i32
        %eq3A_126 = arith.constant -1 : i32
        %eq3A_127 = arith.cmpi eq, %select_n3A_125, %eq3A_126 : i32
        %sub3A_128 = arith.constant 1 : i32
        %sub3A_129 = arith.subi %select_n3A, %sub3A_128 : i32
        %select_n3A_130 = arith.select %eq3A_127, %sub3A_129, %select_n3A_125 : i32
        %sub3A_131 = arith.constant 1 : i32
        %sub3A_132 = arith.subi %mul3A_16, %sub3A_131 : i32
        %mul3A_133 = arith.constant 1 : i32
        %mul3A_134 = arith.muli %mul3A_133, %select_n3A : i32
        %eq3A_135 = arith.constant 0 : i32
        %eq3A_136 = arith.cmpi eq, %sub3A_132, %eq3A_135 : i32
        %sub3A_137 = arith.constant 1 : i32
        %sub3A_138 = arith.subi %mul3A_134, %sub3A_137 : i32
        %eq3A_139 = arith.cmpi eq, %sub3A_132, %sub3A_138 : i32
        %add3A_140 = arith.addi %select_n3A_130, %select_n3A_14 : i32
        %sub3A_141 = arith.constant 1 : i32
        %sub3A_142 = arith.subi %select_n3A_130, %sub3A_141 : i32
        %select_n3A_143 = arith.constant true
        %select_n3A_144 = arith.select %select_n3A_143, %sub3A_142, %select_n3A_130 : i32
        %eq3A_145 = arith.constant -1 : i32
        %eq3A_146 = arith.cmpi eq, %select_n3A_144, %eq3A_145 : i32
        %sub3A_147 = arith.constant 1 : i32
        %sub3A_148 = arith.subi %select_n3A, %sub3A_147 : i32
        %select_n3A_149 = arith.select %eq3A_146, %sub3A_148, %select_n3A_144 : i32
        %add3A_150 = arith.addi %select_n3A_149, %select_n3A_14 : i32
        %add3A_151 = arith.constant 1 : i32
        %add3A_152 = arith.addi %select_n3A_130, %add3A_151 : i32
        %select_n3A_153 = arith.constant true
        %select_n3A_154 = arith.select %select_n3A_153, %add3A_152, %select_n3A_130 : i32
        %eq3A_155 = arith.cmpi eq, %select_n3A_154, %select_n3A : i32
        %select_n3A_156 = arith.constant 0 : i32
        %select_n3A_157 = arith.select %eq3A_155, %select_n3A_156, %select_n3A_154 : i32
        %add3A_158 = arith.addi %select_n3A_157, %select_n3A_14 : i32
        %add3A_159 = arith.constant 1 : i32
        %add3A_160 = arith.addi %select_n3A_157, %add3A_159 : i32
        %select_n3A_161 = arith.constant true
        %select_n3A_162 = arith.select %select_n3A_161, %add3A_160, %select_n3A_157 : i32
        %eq3A_163 = arith.cmpi eq, %select_n3A_162, %select_n3A : i32
        %select_n3A_164 = arith.constant 0 : i32
        %select_n3A_165 = arith.select %eq3A_163, %select_n3A_164, %select_n3A_162 : i32
        %add3A_166 = arith.addi %select_n3A_165, %select_n3A_14 : i32
        %convert_element_type3A_167 = arith.extui %eq3A_139 : i1 to i32
        %cond3A_168 = arith.constant 0 : i32
        %cond3A_169 = arith.cmpi ne, %convert_element_type3A_167, %cond3A_168 : i32
        scf.if %cond3A_169 {
        } else {
        }
        %convert_element_type3A_170 = arith.extui %eq3A_139 : i1 to i32
        %cond3A_171 = arith.constant 0 : i32
        %cond3A_172 = arith.cmpi ne, %convert_element_type3A_170, %cond3A_171 : i32
        scf.if %cond3A_172 {
          "tpu.trace_start"() <{level = 10 : i32, message = "ep_finalize"}> : () -> ()
          %rem3A_173 = arith.constant 2 : i32
          %rem3A_174 = arith.remui %while3A_121#3, %rem3A_173 : i32
          %add3A_175 = arith.constant 384 : i32
          %add3A_176 = arith.addi %add3A_140, %add3A_175 : i32
          %mul3A_177 = arith.constant 1024 : i32
          %mul3A_178 = arith.muli %mul3A_177, %add3A_176 : i32
          %eq3A_179 = arith.constant 976 : i32
          %eq3A_180 = arith.cmpi eq, %add3A_176, %eq3A_179 : i32
          %jit3A_181 = arith.constant 640 : i32
          %jit3A_182 = arith.constant 1024 : i32
          %select_n3A_183 = arith.select %eq3A_180, %jit3A_181, %jit3A_182 : i32
          %multiple_of3A_184 = tpu.assume_multiple %select_n3A_183, 128 : i32
          %mul3A_185 = arith.constant 1024 : i32
          %mul3A_186 = arith.muli %add3A_176, %mul3A_185 : i32
          %dma_wait3A = arith.constant 0 : i32
          %dma_wait3A_187 = arith.constant 0 : i32
          %dma_wait3A_188 = tpu.memref_slice %run_scoped3A_40[%rem3A_174, %dma_wait3A, %dma_wait3A_187] <%multiple_of3A_184> : memref<2x6x1024xf32, #tpu.memory_space<vmem>> -> memref<1x6x?xf32, #tpu.memory_space<vmem>>
          %dma_wait3A_189 = tpu.memref_squeeze %dma_wait3A_188 : memref<1x6x?xf32, #tpu.memory_space<vmem>> -> memref<6x?xf32, #tpu.memory_space<vmem>>
          %dma_wait3A_190 = arith.constant 0 : i32
          %dma_wait3A_191 = tpu.memref_slice %arg3[%dma_wait3A_190, %mul3A_186] <%multiple_of3A_184> : memref<6x1000000xf32, #tpu.memory_space<hbm>> -> memref<6x?xf32, #tpu.memory_space<hbm>>
          %dma_wait3A_192 = tpu.memref_slice %run_scoped3A_41[%rem3A_174] : memref<2x!tpu.dma_semaphore, #tpu.memory_space<semaphore_mem>> -> memref<1x!tpu.dma_semaphore, #tpu.memory_space<semaphore_mem>>
          %dma_wait3A_193 = tpu.memref_squeeze %dma_wait3A_192 : memref<1x!tpu.dma_semaphore, #tpu.memory_space<semaphore_mem>> -> memref<!tpu.dma_semaphore, #tpu.memory_space<semaphore_mem>>
          %dma_wait3A_194 = arith.constant 0 : i32
          %dma_wait3A_195 = tpu.memref_slice %arg3[%dma_wait3A_194, %mul3A_186] <%multiple_of3A_184> : memref<6x1000000xf32, #tpu.memory_space<hbm>> -> memref<6x?xf32, #tpu.memory_space<hbm>>
          %dma_wait3A_196 = arith.constant 0 : i32
          %dma_wait3A_197 = arith.constant 0 : i32
          %dma_wait3A_198 = tpu.memref_slice %run_scoped3A_40[%rem3A_174, %dma_wait3A_196, %dma_wait3A_197] <%multiple_of3A_184> : memref<2x6x1024xf32, #tpu.memory_space<vmem>> -> memref<1x6x?xf32, #tpu.memory_space<vmem>>
          %dma_wait3A_199 = tpu.memref_squeeze %dma_wait3A_198 : memref<1x6x?xf32, #tpu.memory_space<vmem>> -> memref<6x?xf32, #tpu.memory_space<vmem>>
          tpu.wait_dma2 semaphore(%dma_wait3A_193 : memref<!tpu.dma_semaphore, #tpu.memory_space<semaphore_mem>>) src(%dma_wait3A_199 : memref<6x?xf32, #tpu.memory_space<vmem>>) dst(%dma_wait3A_195 : memref<6x?xf32, #tpu.memory_space<hbm>>)
          "tpu.trace_stop"() : () -> ()
        } else {
        }
      } else {
      }
      tpu.yield
    }) : () -> ()
    %mul3A_17 = arith.constant 1 : i32
    %mul3A_18 = arith.muli %arg1, %mul3A_17 : i32
    %add3A_19 = arith.constant 0 : i32
    %add3A_20 = arith.addi %add3A_19, %mul3A_18 : i32
    %mul3A_21 = arith.constant 16 : i32
    %mul3A_22 = arith.muli %arg0, %mul3A_21 : i32
    %add3A_23 = arith.addi %add3A_20, %mul3A_22 : i32
    %lt3A_24 = arith.constant 5 : i32
    %lt3A_25 = arith.cmpi slt, %add3A_23, %lt3A_24 : i32
    %jit3A_26 = arith.constant 1 : i32
    %jit3A_27 = arith.constant 0 : i32
    %select_n3A_28 = arith.select %lt3A_25, %jit3A_26, %jit3A_27 : i32
    %lt3A_29 = arith.constant 5 : i32
    %lt3A_30 = arith.cmpi slt, %add3A_23, %lt3A_29 : i32
    %mul3A_31 = arith.muli %add3A_23, %select_n3A_28 : i32
    %mul3A_32 = arith.constant 0 : i32
    %mul3A_33 = arith.muli %add3A_23, %mul3A_32 : i32
    %add3A_34 = arith.constant 5 : i32
    %add3A_35 = arith.addi %mul3A_33, %add3A_34 : i32
    %select_n3A_36 = arith.select %lt3A_30, %mul3A_31, %add3A_35 : i32
    %mul3A_37 = arith.constant 1 : i32
    %mul3A_38 = arith.muli %mul3A_37, %select_n3A_28 : i32
    "tpu.region"() ({
      %run_scoped3A = memref.alloca() : memref<2x26x128xf32, #tpu.memory_space<vmem>>
      %run_scoped3A_39 = tpu.sem_alloc : memref<2x!tpu.dma_semaphore, #tpu.memory_space<semaphore_mem>>
      %run_scoped3A_40 = memref.alloca() : memref<2x6x128xf32, #tpu.memory_space<vmem>>
      %run_scoped3A_41 = tpu.sem_alloc : memref<2x!tpu.dma_semaphore, #tpu.memory_space<semaphore_mem>>
      %gt3A = arith.constant 0 : i32
      %gt3A_42 = arith.cmpi sgt, %mul3A_38, %gt3A : i32
      %convert_element_type3A = arith.extui %gt3A_42 : i1 to i32
      %cond3A = arith.constant 0 : i32
      %cond3A_43 = arith.cmpi ne, %convert_element_type3A, %cond3A : i32
      scf.if %cond3A_43 {
        %mul3A_44 = arith.constant 1 : i32
        %mul3A_45 = arith.muli %mul3A_44, %select_n3A_28 : i32
        %sub3A = arith.constant 1 : i32
        %sub3A_46 = arith.subi %mul3A_45, %sub3A : i32
        %eq3A = arith.constant 0 : i32
        %eq3A_47 = arith.cmpi eq, %sub3A_46, %eq3A : i32
        %add3A_48 = arith.constant 0 : i32
        %add3A_49 = arith.addi %add3A_48, %select_n3A_36 : i32
        %select_n3A_50 = arith.constant true
        %select_n3A_51 = arith.constant 0 : i32
        %select_n3A_52 = arith.constant -1 : i32
        %select_n3A_53 = arith.select %select_n3A_50, %select_n3A_52, %select_n3A_51 : i32
        %eq3A_54 = arith.constant -1 : i32
        %eq3A_55 = arith.cmpi eq, %select_n3A_53, %eq3A_54 : i32
        %sub3A_56 = arith.constant 1 : i32
        %sub3A_57 = arith.subi %select_n3A_28, %sub3A_56 : i32
        %select_n3A_58 = arith.select %eq3A_55, %sub3A_57, %select_n3A_53 : i32
        %add3A_59 = arith.addi %select_n3A_58, %select_n3A_36 : i32
        %select_n3A_60 = arith.constant true
        %select_n3A_61 = arith.constant 0 : i32
        %select_n3A_62 = arith.constant 1 : i32
        %select_n3A_63 = arith.select %select_n3A_60, %select_n3A_62, %select_n3A_61 : i32
        %eq3A_64 = arith.cmpi eq, %select_n3A_63, %select_n3A_28 : i32
        %select_n3A_65 = arith.constant 0 : i32
        %select_n3A_66 = arith.select %eq3A_64, %select_n3A_65, %select_n3A_63 : i32
        %add3A_67 = arith.addi %select_n3A_66, %select_n3A_36 : i32
        %add3A_68 = arith.constant 1 : i32
        %add3A_69 = arith.addi %select_n3A_66, %add3A_68 : i32
        %select_n3A_70 = arith.constant true
        %select_n3A_71 = arith.select %select_n3A_70, %add3A_69, %select_n3A_66 : i32
        %eq3A_72 = arith.cmpi eq, %select_n3A_71, %select_n3A_28 : i32
        %select_n3A_73 = arith.constant 0 : i32
        %select_n3A_74 = arith.select %eq3A_72, %select_n3A_73, %select_n3A_71 : i32
        %add3A_75 = arith.addi %select_n3A_74, %select_n3A_36 : i32
        "tpu.trace_start"() <{level = 10 : i32, message = "ep_initialize_0"}> : () -> ()
        %rem3A = arith.constant 0 : i32
        %rem3A_76 = arith.constant 2 : i32
        %rem3A_77 = arith.remui %rem3A, %rem3A_76 : i32
        %add3A_78 = arith.constant 7808 : i32
        %add3A_79 = arith.addi %add3A_49, %add3A_78 : i32
        %mul3A_80 = arith.constant 128 : i32
        %mul3A_81 = arith.muli %mul3A_80, %add3A_79 : i32
        %eq3A_82 = arith.constant 7812 : i32
        %eq3A_83 = arith.cmpi eq, %add3A_79, %eq3A_82 : i32
        %jit3A_84 = arith.constant 128 : i32
        %jit3A_85 = arith.constant 128 : i32
        %select_n3A_86 = arith.select %eq3A_83, %jit3A_84, %jit3A_85 : i32
        %multiple_of3A = tpu.assume_multiple %select_n3A_86, 128 : i32
        %mul3A_87 = arith.constant 128 : i32
        %mul3A_88 = arith.muli %add3A_79, %mul3A_87 : i32
        %dma_start3A = arith.constant 0 : i32
        %dma_start3A_89 = arith.constant 0 : i32
        %dma_start3A_90 = tpu.memref_slice %run_scoped3A[%rem3A_77, %dma_start3A, %dma_start3A_89] <%multiple_of3A> : memref<2x26x128xf32, #tpu.memory_space<vmem>> -> memref<1x26x?xf32, #tpu.memory_space<vmem>>
        %dma_start3A_91 = tpu.memref_squeeze %dma_start3A_90 : memref<1x26x?xf32, #tpu.memory_space<vmem>> -> memref<26x?xf32, #tpu.memory_space<vmem>>
        %dma_start3A_92 = arith.constant 0 : i32
        %dma_start3A_93 = tpu.memref_slice %arg2[%dma_start3A_92, %mul3A_88] <%multiple_of3A> : memref<26x1000000xf32, #tpu.memory_space<hbm>> -> memref<26x?xf32, #tpu.memory_space<hbm>>
        %dma_start3A_94 = tpu.memref_slice %run_scoped3A_39[%rem3A_77] : memref<2x!tpu.dma_semaphore, #tpu.memory_space<semaphore_mem>> -> memref<1x!tpu.dma_semaphore, #tpu.memory_space<semaphore_mem>>
        %dma_start3A_95 = tpu.memref_squeeze %dma_start3A_94 : memref<1x!tpu.dma_semaphore, #tpu.memory_space<semaphore_mem>> -> memref<!tpu.dma_semaphore, #tpu.memory_space<semaphore_mem>>
        %dma_start3A_96 = arith.constant 0 : i32
        %dma_start3A_97 = arith.constant 0 : i32
        %dma_start3A_98 = tpu.memref_slice %run_scoped3A[%rem3A_77, %dma_start3A_96, %dma_start3A_97] <%multiple_of3A> : memref<2x26x128xf32, #tpu.memory_space<vmem>> -> memref<1x26x?xf32, #tpu.memory_space<vmem>>
        %dma_start3A_99 = tpu.memref_squeeze %dma_start3A_98 : memref<1x26x?xf32, #tpu.memory_space<vmem>> -> memref<26x?xf32, #tpu.memory_space<vmem>>
        %dma_start3A_100 = arith.constant 0 : i32
        %dma_start3A_101 = tpu.memref_slice %arg2[%dma_start3A_100, %mul3A_88] <%multiple_of3A> : memref<26x1000000xf32, #tpu.memory_space<hbm>> -> memref<26x?xf32, #tpu.memory_space<hbm>>
        tpu.enqueue_dma source(%dma_start3A_101 : memref<26x?xf32, #tpu.memory_space<hbm>>) target(%dma_start3A_99 : memref<26x?xf32, #tpu.memory_space<vmem>>) target_semaphore(%dma_start3A_95 : memref<!tpu.dma_semaphore, #tpu.memory_space<semaphore_mem>>)
        %add3A_102 = arith.constant 0 : i32
        %add3A_103 = arith.constant 1 : i32
        %add3A_104 = arith.addi %add3A_102, %add3A_103 : i32
        %select_n3A_105 = arith.constant true
        %select_n3A_106 = arith.constant 0 : i32
        %select_n3A_107 = arith.select %select_n3A_105, %add3A_104, %select_n3A_106 : i32
        %while3A = arith.constant 0 : i32
        %while3A_108 = arith.constant 0 : i32
        %while3A_109 = arith.constant 0 : i32
        %while3A_110 = arith.constant 0 : i32
        %while3A_111 = arith.constant 0 : i32
        "tpu.trace_stop"() : () -> ()
        %while3A_112 = arith.subi %mul3A_38, %while3A : i32
        %while3A_113 = arith.addi %while3A, %while3A_112 : i32
        %while3A_114 = arith.constant 1 : i32
        %while3A_115 = arith.divsi %while3A_112, %while3A_114 : i32
        %while3A_116 = arith.muli %while3A_115, %while3A_114 : i32
        %while3A_117 = arith.addi %while3A, %while3A_116 : i32
        %while3A_118 = arith.constant 1 : i32
        %while3A_119:5 = scf.for %while3A_173 = %while3A to %while3A_117 step %while3A_118 iter_args(%while3A_174 = %select_n3A_107, %while3A_175 = %while3A_108, %while3A_176 = %while3A_109, %while3A_177 = %while3A_110, %while3A_178 = %while3A_111) -> (i32, i32, i32, i32, i32)  : i32 {
          %mul3A_179 = arith.constant 1 : i32
          %mul3A_180 = arith.muli %mul3A_179, %select_n3A_28 : i32
          %eq3A_181 = arith.constant 0 : i32
          %eq3A_182 = arith.cmpi eq, %while3A_173, %eq3A_181 : i32
          %sub3A_183 = arith.constant 1 : i32
          %sub3A_184 = arith.subi %mul3A_180, %sub3A_183 : i32
          %eq3A_185 = arith.cmpi eq, %while3A_173, %sub3A_184 : i32
          %add3A_186 = arith.addi %while3A_178, %select_n3A_36 : i32
          %sub3A_187 = arith.constant 1 : i32
          %sub3A_188 = arith.subi %while3A_178, %sub3A_187 : i32
          %select_n3A_189 = arith.constant true
          %select_n3A_190 = arith.select %select_n3A_189, %sub3A_188, %while3A_178 : i32
          %eq3A_191 = arith.constant -1 : i32
          %eq3A_192 = arith.cmpi eq, %select_n3A_190, %eq3A_191 : i32
          %sub3A_193 = arith.constant 1 : i32
          %sub3A_194 = arith.subi %select_n3A_28, %sub3A_193 : i32
          %select_n3A_195 = arith.select %eq3A_192, %sub3A_194, %select_n3A_190 : i32
          %add3A_196 = arith.addi %select_n3A_195, %select_n3A_36 : i32
          %add3A_197 = arith.constant 1 : i32
          %add3A_198 = arith.addi %while3A_178, %add3A_197 : i32
          %select_n3A_199 = arith.constant true
          %select_n3A_200 = arith.select %select_n3A_199, %add3A_198, %while3A_178 : i32
          %eq3A_201 = arith.cmpi eq, %select_n3A_200, %select_n3A_28 : i32
          %select_n3A_202 = arith.constant 0 : i32
          %select_n3A_203 = arith.select %eq3A_201, %select_n3A_202, %select_n3A_200 : i32
          %add3A_204 = arith.addi %select_n3A_203, %select_n3A_36 : i32
          %add3A_205 = arith.constant 1 : i32
          %add3A_206 = arith.addi %select_n3A_203, %add3A_205 : i32
          %select_n3A_207 = arith.constant true
          %select_n3A_208 = arith.select %select_n3A_207, %add3A_206, %select_n3A_203 : i32
          %eq3A_209 = arith.cmpi eq, %select_n3A_208, %select_n3A_28 : i32
          %select_n3A_210 = arith.constant 0 : i32
          %select_n3A_211 = arith.select %eq3A_209, %select_n3A_210, %select_n3A_208 : i32
          %add3A_212 = arith.addi %select_n3A_211, %select_n3A_36 : i32
          %add3A_213 = arith.constant 7808 : i32
          %add3A_214 = arith.addi %add3A_186, %add3A_213 : i32
          %add3A_215 = arith.constant 7808 : i32
          %add3A_216 = arith.addi %add3A_204, %add3A_215 : i32
          %ne3A = arith.cmpi ne, %add3A_214, %add3A_216 : i32
          %or3A = arith.constant false
          %or3A_217 = arith.ori %or3A, %ne3A : i1
          %sub3A_218 = arith.constant 2 : i32
          %sub3A_219 = arith.subi %mul3A_180, %sub3A_218 : i32
          %add3A_220 = arith.constant 1 : i32
          %add3A_221 = arith.addi %sub3A_219, %add3A_220 : i32
          %ge3A = arith.cmpi sge, %while3A_173, %add3A_221 : i32
          %not3A = arith.constant true
          %not3A_222 = arith.xori %ge3A, %not3A : i1
          %and3A = arith.andi %or3A_217, %not3A_222 : i1
          %convert_element_type3A_223 = arith.extui %and3A : i1 to i32
          %cond3A_224 = arith.constant 0 : i32
          %cond3A_225 = arith.cmpi ne, %convert_element_type3A_223, %cond3A_224 : i32
          scf.if %cond3A_225 {
            "tpu.trace_start"() <{level = 10 : i32, message = "ep_copy_in"}> : () -> ()
            %rem3A_354 = arith.constant 2 : i32
            %rem3A_355 = arith.remui %while3A_174, %rem3A_354 : i32
            %add3A_356 = arith.constant 7808 : i32
            %add3A_357 = arith.addi %add3A_204, %add3A_356 : i32
            %mul3A_358 = arith.constant 128 : i32
            %mul3A_359 = arith.muli %mul3A_358, %add3A_357 : i32
            %eq3A_360 = arith.constant 7812 : i32
            %eq3A_361 = arith.cmpi eq, %add3A_357, %eq3A_360 : i32
            %jit3A_362 = arith.constant 128 : i32
            %jit3A_363 = arith.constant 128 : i32
            %select_n3A_364 = arith.select %eq3A_361, %jit3A_362, %jit3A_363 : i32
            %multiple_of3A_365 = tpu.assume_multiple %select_n3A_364, 128 : i32
            %mul3A_366 = arith.constant 128 : i32
            %mul3A_367 = arith.muli %add3A_357, %mul3A_366 : i32
            %dma_start3A_368 = arith.constant 0 : i32
            %dma_start3A_369 = arith.constant 0 : i32
            %dma_start3A_370 = tpu.memref_slice %run_scoped3A[%rem3A_355, %dma_start3A_368, %dma_start3A_369] <%multiple_of3A_365> : memref<2x26x128xf32, #tpu.memory_space<vmem>> -> memref<1x26x?xf32, #tpu.memory_space<vmem>>
            %dma_start3A_371 = tpu.memref_squeeze %dma_start3A_370 : memref<1x26x?xf32, #tpu.memory_space<vmem>> -> memref<26x?xf32, #tpu.memory_space<vmem>>
            %dma_start3A_372 = arith.constant 0 : i32
            %dma_start3A_373 = tpu.memref_slice %arg2[%dma_start3A_372, %mul3A_367] <%multiple_of3A_365> : memref<26x1000000xf32, #tpu.memory_space<hbm>> -> memref<26x?xf32, #tpu.memory_space<hbm>>
            %dma_start3A_374 = tpu.memref_slice %run_scoped3A_39[%rem3A_355] : memref<2x!tpu.dma_semaphore, #tpu.memory_space<semaphore_mem>> -> memref<1x!tpu.dma_semaphore, #tpu.memory_space<semaphore_mem>>
            %dma_start3A_375 = tpu.memref_squeeze %dma_start3A_374 : memref<1x!tpu.dma_semaphore, #tpu.memory_space<semaphore_mem>> -> memref<!tpu.dma_semaphore, #tpu.memory_space<semaphore_mem>>
            %dma_start3A_376 = arith.constant 0 : i32
            %dma_start3A_377 = arith.constant 0 : i32
            %dma_start3A_378 = tpu.memref_slice %run_scoped3A[%rem3A_355, %dma_start3A_376, %dma_start3A_377] <%multiple_of3A_365> : memref<2x26x128xf32, #tpu.memory_space<vmem>> -> memref<1x26x?xf32, #tpu.memory_space<vmem>>
            %dma_start3A_379 = tpu.memref_squeeze %dma_start3A_378 : memref<1x26x?xf32, #tpu.memory_space<vmem>> -> memref<26x?xf32, #tpu.memory_space<vmem>>
            %dma_start3A_380 = arith.constant 0 : i32
            %dma_start3A_381 = tpu.memref_slice %arg2[%dma_start3A_380, %mul3A_367] <%multiple_of3A_365> : memref<26x1000000xf32, #tpu.memory_space<hbm>> -> memref<26x?xf32, #tpu.memory_space<hbm>>
            tpu.enqueue_dma source(%dma_start3A_381 : memref<26x?xf32, #tpu.memory_space<hbm>>) target(%dma_start3A_379 : memref<26x?xf32, #tpu.memory_space<vmem>>) target_semaphore(%dma_start3A_375 : memref<!tpu.dma_semaphore, #tpu.memory_space<semaphore_mem>>)
            "tpu.trace_stop"() : () -> ()
          } else {
          }
          %and3A_226 = arith.constant true
          %and3A_227 = arith.andi %and3A, %and3A_226 : i1
          %add3A_228 = arith.constant 1 : i32
          %add3A_229 = arith.addi %while3A_174, %add3A_228 : i32
          %select_n3A_230 = arith.select %and3A_227, %add3A_229, %while3A_174 : i32
          %add3A_231 = arith.constant 7808 : i32
          %add3A_232 = arith.addi %add3A_186, %add3A_231 : i32
          %add3A_233 = arith.constant 7808 : i32
          %add3A_234 = arith.addi %add3A_204, %add3A_233 : i32
          %ne3A_235 = arith.cmpi ne, %add3A_232, %add3A_234 : i32
          %or3A_236 = arith.constant false
          %or3A_237 = arith.ori %or3A_236, %ne3A_235 : i1
          %sub3A_238 = arith.constant 2 : i32
          %sub3A_239 = arith.subi %mul3A_180, %sub3A_238 : i32
          %add3A_240 = arith.constant 1 : i32
          %add3A_241 = arith.addi %sub3A_239, %add3A_240 : i32
          %ge3A_242 = arith.cmpi sge, %while3A_173, %add3A_241 : i32
          %not3A_243 = arith.constant true
          %not3A_244 = arith.xori %ge3A_242, %not3A_243 : i1
          %and3A_245 = arith.andi %or3A_237, %not3A_244 : i1
          %add3A_246 = arith.constant 7808 : i32
          %add3A_247 = arith.addi %add3A_186, %add3A_246 : i32
          %add3A_248 = arith.constant 7808 : i32
          %add3A_249 = arith.addi %add3A_196, %add3A_248 : i32
          %ne3A_250 = arith.cmpi ne, %add3A_247, %add3A_249 : i32
          %or3A_251 = arith.constant false
          %or3A_252 = arith.ori %or3A_251, %ne3A_250 : i1
          %or3A_253 = arith.ori %or3A_252, %eq3A_182 : i1
          %convert_element_type3A_254 = arith.extui %or3A_253 : i1 to i32
          %cond3A_255 = arith.constant 0 : i32
          %cond3A_256 = arith.cmpi ne, %convert_element_type3A_254, %cond3A_255 : i32
          scf.if %cond3A_256 {
            "tpu.trace_start"() <{level = 10 : i32, message = "ep_wait_in"}> : () -> ()
            %add3A_354 = arith.constant 7808 : i32
            %add3A_355 = arith.addi %add3A_186, %add3A_354 : i32
            %mul3A_356 = arith.constant 128 : i32
            %mul3A_357 = arith.muli %mul3A_356, %add3A_355 : i32
            %eq3A_358 = arith.constant 7812 : i32
            %eq3A_359 = arith.cmpi eq, %add3A_355, %eq3A_358 : i32
            %jit3A_360 = arith.constant 128 : i32
            %jit3A_361 = arith.constant 128 : i32
            %select_n3A_362 = arith.select %eq3A_359, %jit3A_360, %jit3A_361 : i32
            %multiple_of3A_363 = tpu.assume_multiple %select_n3A_362, 128 : i32
            %mul3A_364 = arith.constant 128 : i32
            %mul3A_365 = arith.muli %add3A_355, %mul3A_364 : i32
            %rem3A_366 = arith.constant 2 : i32
            %rem3A_367 = arith.remui %while3A_175, %rem3A_366 : i32
            %dma_wait3A = arith.constant 0 : i32
            %dma_wait3A_368 = arith.constant 0 : i32
            %dma_wait3A_369 = tpu.memref_slice %run_scoped3A[%rem3A_367, %dma_wait3A, %dma_wait3A_368] <%multiple_of3A_363> : memref<2x26x128xf32, #tpu.memory_space<vmem>> -> memref<1x26x?xf32, #tpu.memory_space<vmem>>
            %dma_wait3A_370 = tpu.memref_squeeze %dma_wait3A_369 : memref<1x26x?xf32, #tpu.memory_space<vmem>> -> memref<26x?xf32, #tpu.memory_space<vmem>>
            %dma_wait3A_371 = arith.constant 0 : i32
            %dma_wait3A_372 = tpu.memref_slice %arg2[%dma_wait3A_371, %mul3A_365] <%multiple_of3A_363> : memref<26x1000000xf32, #tpu.memory_space<hbm>> -> memref<26x?xf32, #tpu.memory_space<hbm>>
            %dma_wait3A_373 = tpu.memref_slice %run_scoped3A_39[%rem3A_367] : memref<2x!tpu.dma_semaphore, #tpu.memory_space<semaphore_mem>> -> memref<1x!tpu.dma_semaphore, #tpu.memory_space<semaphore_mem>>
            %dma_wait3A_374 = tpu.memref_squeeze %dma_wait3A_373 : memref<1x!tpu.dma_semaphore, #tpu.memory_space<semaphore_mem>> -> memref<!tpu.dma_semaphore, #tpu.memory_space<semaphore_mem>>
            %dma_wait3A_375 = arith.constant 0 : i32
            %dma_wait3A_376 = arith.constant 0 : i32
            %dma_wait3A_377 = tpu.memref_slice %run_scoped3A[%rem3A_367, %dma_wait3A_375, %dma_wait3A_376] <%multiple_of3A_363> : memref<2x26x128xf32, #tpu.memory_space<vmem>> -> memref<1x26x?xf32, #tpu.memory_space<vmem>>
            %dma_wait3A_378 = tpu.memref_squeeze %dma_wait3A_377 : memref<1x26x?xf32, #tpu.memory_space<vmem>> -> memref<26x?xf32, #tpu.memory_space<vmem>>
            %dma_wait3A_379 = arith.constant 0 : i32
            %dma_wait3A_380 = tpu.memref_slice %arg2[%dma_wait3A_379, %mul3A_365] <%multiple_of3A_363> : memref<26x1000000xf32, #tpu.memory_space<hbm>> -> memref<26x?xf32, #tpu.memory_space<hbm>>
            tpu.wait_dma2 semaphore(%dma_wait3A_374 : memref<!tpu.dma_semaphore, #tpu.memory_space<semaphore_mem>>) src(%dma_wait3A_380 : memref<26x?xf32, #tpu.memory_space<hbm>>) dst(%dma_wait3A_378 : memref<26x?xf32, #tpu.memory_space<vmem>>)
            "tpu.trace_stop"() : () -> ()
          } else {
          }
          %add3A_257 = arith.constant 7808 : i32
          %add3A_258 = arith.addi %add3A_186, %add3A_257 : i32
          %add3A_259 = arith.constant 7808 : i32
          %add3A_260 = arith.addi %add3A_196, %add3A_259 : i32
          %ne3A_261 = arith.cmpi ne, %add3A_258, %add3A_260 : i32
          %or3A_262 = arith.constant false
          %or3A_263 = arith.ori %or3A_262, %ne3A_261 : i1
          %or3A_264 = arith.ori %or3A_263, %eq3A_182 : i1
          %convert_element_type3A_265 = arith.extui %or3A_264 : i1 to i32
          %cond3A_266 = arith.constant 0 : i32
          %cond3A_267 = arith.cmpi ne, %convert_element_type3A_265, %cond3A_266 : i32
          scf.if %cond3A_267 {
          } else {
          }
          %rem3A_268 = arith.constant 2 : i32
          %rem3A_269 = arith.remui %while3A_175, %rem3A_268 : i32
          %rem3A_270 = arith.constant 2 : i32
          %rem3A_271 = arith.remui %while3A_176, %rem3A_270 : i32
          %parallel_loop3A = arith.constant 0 : i32
          %parallel_loop3A_272 = arith.constant 8 : i32
          %parallel_loop3A_273 = arith.constant 1 : i32
          "tpu.trace_start"() <{level = 10 : i32, message = "ep_run_kernel"}> : () -> ()
          scf.for %parallel_loop3A_354 = %parallel_loop3A to %parallel_loop3A_272 step %parallel_loop3A_273  : i32 {
            %parallel_loop3A_355 = arith.constant 16 : i32
            %parallel_loop3A_356 = arith.muli %parallel_loop3A_354, %parallel_loop3A_355 : i32
            %parallel_loop3A_357 = arith.constant 0 : i32
            %parallel_loop3A_358 = arith.constant 0 : i32
            %parallel_loop3A_359 = arith.constant 0 : i32
            %parallel_loop3A_360 = tpu.memref_slice %run_scoped3A[%rem3A_269, %parallel_loop3A_358, %parallel_loop3A_359] : memref<2x26x128xf32, #tpu.memory_space<vmem>> -> memref<1x26x128xf32, #tpu.memory_space<vmem>>
            %parallel_loop3A_361 = tpu.memref_squeeze %parallel_loop3A_360 : memref<1x26x128xf32, #tpu.memory_space<vmem>> -> memref<26x128xf32, #tpu.memory_space<vmem>>
            %parallel_loop3A_362 = arith.index_cast %parallel_loop3A_357 : i32 to index
            %parallel_loop3A_363 = arith.index_cast %parallel_loop3A_356 : i32 to index
            %parallel_loop3A_364 = tpu.vector_load %parallel_loop3A_361[%parallel_loop3A_362, %parallel_loop3A_363] {strides = array<i32>} : memref<26x128xf32, #tpu.memory_space<vmem>>, vector<16xf32>,
            %parallel_loop3A_365 = arith.constant 1 : i32
            %parallel_loop3A_366 = arith.constant 0 : i32
            %parallel_loop3A_367 = arith.constant 0 : i32
            %parallel_loop3A_368 = tpu.memref_slice %run_scoped3A[%rem3A_269, %parallel_loop3A_366, %parallel_loop3A_367] : memref<2x26x128xf32, #tpu.memory_space<vmem>> -> memref<1x26x128xf32, #tpu.memory_space<vmem>>
            %parallel_loop3A_369 = tpu.memref_squeeze %parallel_loop3A_368 : memref<1x26x128xf32, #tpu.memory_space<vmem>> -> memref<26x128xf32, #tpu.memory_space<vmem>>
            %parallel_loop3A_370 = arith.index_cast %parallel_loop3A_365 : i32 to index
            %parallel_loop3A_371 = arith.index_cast %parallel_loop3A_356 : i32 to index
            %parallel_loop3A_372 = tpu.vector_load %parallel_loop3A_369[%parallel_loop3A_370, %parallel_loop3A_371] {strides = array<i32>} : memref<26x128xf32, #tpu.memory_space<vmem>>, vector<16xf32>,
            %parallel_loop3A_373 = arith.maximumf %parallel_loop3A_364, %parallel_loop3A_372 : vector<16xf32>
            %parallel_loop3A_374 = arith.constant 2 : i32
            %parallel_loop3A_375 = arith.constant 0 : i32
            %parallel_loop3A_376 = arith.constant 0 : i32
            %parallel_loop3A_377 = tpu.memref_slice %run_scoped3A[%rem3A_269, %parallel_loop3A_375, %parallel_loop3A_376] : memref<2x26x128xf32, #tpu.memory_space<vmem>> -> memref<1x26x128xf32, #tpu.memory_space<vmem>>
            %parallel_loop3A_378 = tpu.memref_squeeze %parallel_loop3A_377 : memref<1x26x128xf32, #tpu.memory_space<vmem>> -> memref<26x128xf32, #tpu.memory_space<vmem>>
            %parallel_loop3A_379 = arith.index_cast %parallel_loop3A_374 : i32 to index
            %parallel_loop3A_380 = arith.index_cast %parallel_loop3A_356 : i32 to index
            %parallel_loop3A_381 = tpu.vector_load %parallel_loop3A_378[%parallel_loop3A_379, %parallel_loop3A_380] {strides = array<i32>} : memref<26x128xf32, #tpu.memory_space<vmem>>, vector<16xf32>,
            %parallel_loop3A_382 = arith.maximumf %parallel_loop3A_373, %parallel_loop3A_381 : vector<16xf32>
            %parallel_loop3A_383 = arith.constant 8 : i32
            %parallel_loop3A_384 = arith.constant 0 : i32
            %parallel_loop3A_385 = arith.constant 0 : i32
            %parallel_loop3A_386 = tpu.memref_slice %run_scoped3A[%rem3A_269, %parallel_loop3A_384, %parallel_loop3A_385] : memref<2x26x128xf32, #tpu.memory_space<vmem>> -> memref<1x26x128xf32, #tpu.memory_space<vmem>>
            %parallel_loop3A_387 = tpu.memref_squeeze %parallel_loop3A_386 : memref<1x26x128xf32, #tpu.memory_space<vmem>> -> memref<26x128xf32, #tpu.memory_space<vmem>>
            %parallel_loop3A_388 = arith.index_cast %parallel_loop3A_383 : i32 to index
            %parallel_loop3A_389 = arith.index_cast %parallel_loop3A_356 : i32 to index
            %parallel_loop3A_390 = tpu.vector_load %parallel_loop3A_387[%parallel_loop3A_388, %parallel_loop3A_389] {strides = array<i32>} : memref<26x128xf32, #tpu.memory_space<vmem>>, vector<16xf32>,
            %parallel_loop3A_391 = arith.maximumf %parallel_loop3A_382, %parallel_loop3A_390 : vector<16xf32>
            %parallel_loop3A_392 = arith.constant 25 : i32
            %parallel_loop3A_393 = arith.constant 0 : i32
            %parallel_loop3A_394 = arith.constant 0 : i32
            %parallel_loop3A_395 = tpu.memref_slice %run_scoped3A[%rem3A_269, %parallel_loop3A_393, %parallel_loop3A_394] : memref<2x26x128xf32, #tpu.memory_space<vmem>> -> memref<1x26x128xf32, #tpu.memory_space<vmem>>
            %parallel_loop3A_396 = tpu.memref_squeeze %parallel_loop3A_395 : memref<1x26x128xf32, #tpu.memory_space<vmem>> -> memref<26x128xf32, #tpu.memory_space<vmem>>
            %parallel_loop3A_397 = arith.index_cast %parallel_loop3A_392 : i32 to index
            %parallel_loop3A_398 = arith.index_cast %parallel_loop3A_356 : i32 to index
            %parallel_loop3A_399 = tpu.vector_load %parallel_loop3A_396[%parallel_loop3A_397, %parallel_loop3A_398] {strides = array<i32>} : memref<26x128xf32, #tpu.memory_space<vmem>>, vector<16xf32>,
            %parallel_loop3A_400 = arith.maximumf %parallel_loop3A_391, %parallel_loop3A_399 : vector<16xf32>
            %parallel_loop3A_401 = arith.constant 0 : i32
            %parallel_loop3A_402 = arith.constant 0 : i32
            %parallel_loop3A_403 = arith.constant 0 : i32
            %parallel_loop3A_404 = tpu.memref_slice %run_scoped3A_40[%rem3A_271, %parallel_loop3A_402, %parallel_loop3A_403] : memref<2x6x128xf32, #tpu.memory_space<vmem>> -> memref<1x6x128xf32, #tpu.memory_space<vmem>>
            %parallel_loop3A_405 = tpu.memref_squeeze %parallel_loop3A_404 : memref<1x6x128xf32, #tpu.memory_space<vmem>> -> memref<6x128xf32, #tpu.memory_space<vmem>>
            %parallel_loop3A_406 = arith.index_cast %parallel_loop3A_401 : i32 to index
            %parallel_loop3A_407 = arith.index_cast %parallel_loop3A_356 : i32 to index
            %parallel_loop3A_408 = tpu.vector_load %parallel_loop3A_405[%parallel_loop3A_406, %parallel_loop3A_407] {strides = array<i32>} : memref<6x128xf32, #tpu.memory_space<vmem>>, vector<16xf32>,
            tpu.vector_store %parallel_loop3A_405[%parallel_loop3A_406, %parallel_loop3A_407], %parallel_loop3A_400 {strides = array<i32>} : memref<6x128xf32, #tpu.memory_space<vmem>>, vector<16xf32>,
            %parallel_loop3A_409 = arith.constant 3 : i32
            %parallel_loop3A_410 = arith.constant 0 : i32
            %parallel_loop3A_411 = arith.constant 0 : i32
            %parallel_loop3A_412 = tpu.memref_slice %run_scoped3A[%rem3A_269, %parallel_loop3A_410, %parallel_loop3A_411] : memref<2x26x128xf32, #tpu.memory_space<vmem>> -> memref<1x26x128xf32, #tpu.memory_space<vmem>>
            %parallel_loop3A_413 = tpu.memref_squeeze %parallel_loop3A_412 : memref<1x26x128xf32, #tpu.memory_space<vmem>> -> memref<26x128xf32, #tpu.memory_space<vmem>>
            %parallel_loop3A_414 = arith.index_cast %parallel_loop3A_409 : i32 to index
            %parallel_loop3A_415 = arith.index_cast %parallel_loop3A_356 : i32 to index
            %parallel_loop3A_416 = tpu.vector_load %parallel_loop3A_413[%parallel_loop3A_414, %parallel_loop3A_415] {strides = array<i32>} : memref<26x128xf32, #tpu.memory_space<vmem>>, vector<16xf32>,
            %parallel_loop3A_417 = arith.constant 24 : i32
            %parallel_loop3A_418 = arith.constant 0 : i32
            %parallel_loop3A_419 = arith.constant 0 : i32
            %parallel_loop3A_420 = tpu.memref_slice %run_scoped3A[%rem3A_269, %parallel_loop3A_418, %parallel_loop3A_419] : memref<2x26x128xf32, #tpu.memory_space<vmem>> -> memref<1x26x128xf32, #tpu.memory_space<vmem>>
            %parallel_loop3A_421 = tpu.memref_squeeze %parallel_loop3A_420 : memref<1x26x128xf32, #tpu.memory_space<vmem>> -> memref<26x128xf32, #tpu.memory_space<vmem>>
            %parallel_loop3A_422 = arith.index_cast %parallel_loop3A_417 : i32 to index
            %parallel_loop3A_423 = arith.index_cast %parallel_loop3A_356 : i32 to index
            %parallel_loop3A_424 = tpu.vector_load %parallel_loop3A_421[%parallel_loop3A_422, %parallel_loop3A_423] {strides = array<i32>} : memref<26x128xf32, #tpu.memory_space<vmem>>, vector<16xf32>,
            %parallel_loop3A_425 = arith.maximumf %parallel_loop3A_416, %parallel_loop3A_424 : vector<16xf32>
            %parallel_loop3A_426 = arith.constant 1 : i32
            %parallel_loop3A_427 = arith.constant 0 : i32
            %parallel_loop3A_428 = arith.constant 0 : i32
            %parallel_loop3A_429 = tpu.memref_slice %run_scoped3A_40[%rem3A_271, %parallel_loop3A_427, %parallel_loop3A_428] : memref<2x6x128xf32, #tpu.memory_space<vmem>> -> memref<1x6x128xf32, #tpu.memory_space<vmem>>
            %parallel_loop3A_430 = tpu.memref_squeeze %parallel_loop3A_429 : memref<1x6x128xf32, #tpu.memory_space<vmem>> -> memref<6x128xf32, #tpu.memory_space<vmem>>
            %parallel_loop3A_431 = arith.index_cast %parallel_loop3A_426 : i32 to index
            %parallel_loop3A_432 = arith.index_cast %parallel_loop3A_356 : i32 to index
            %parallel_loop3A_433 = tpu.vector_load %parallel_loop3A_430[%parallel_loop3A_431, %parallel_loop3A_432] {strides = array<i32>} : memref<6x128xf32, #tpu.memory_space<vmem>>, vector<16xf32>,
            tpu.vector_store %parallel_loop3A_430[%parallel_loop3A_431, %parallel_loop3A_432], %parallel_loop3A_425 {strides = array<i32>} : memref<6x128xf32, #tpu.memory_space<vmem>>, vector<16xf32>,
            %parallel_loop3A_434 = arith.constant 6 : i32
            %parallel_loop3A_435 = arith.constant 0 : i32
            %parallel_loop3A_436 = arith.constant 0 : i32
            %parallel_loop3A_437 = tpu.memref_slice %run_scoped3A[%rem3A_269, %parallel_loop3A_435, %parallel_loop3A_436] : memref<2x26x128xf32, #tpu.memory_space<vmem>> -> memref<1x26x128xf32, #tpu.memory_space<vmem>>
            %parallel_loop3A_438 = tpu.memref_squeeze %parallel_loop3A_437 : memref<1x26x128xf32, #tpu.memory_space<vmem>> -> memref<26x128xf32, #tpu.memory_space<vmem>>
            %parallel_loop3A_439 = arith.index_cast %parallel_loop3A_434 : i32 to index
            %parallel_loop3A_440 = arith.index_cast %parallel_loop3A_356 : i32 to index
            %parallel_loop3A_441 = tpu.vector_load %parallel_loop3A_438[%parallel_loop3A_439, %parallel_loop3A_440] {strides = array<i32>} : memref<26x128xf32, #tpu.memory_space<vmem>>, vector<16xf32>,
            %parallel_loop3A_442 = arith.constant 7 : i32
            %parallel_loop3A_443 = arith.constant 0 : i32
            %parallel_loop3A_444 = arith.constant 0 : i32
            %parallel_loop3A_445 = tpu.memref_slice %run_scoped3A[%rem3A_269, %parallel_loop3A_443, %parallel_loop3A_444] : memref<2x26x128xf32, #tpu.memory_space<vmem>> -> memref<1x26x128xf32, #tpu.memory_space<vmem>>
            %parallel_loop3A_446 = tpu.memref_squeeze %parallel_loop3A_445 : memref<1x26x128xf32, #tpu.memory_space<vmem>> -> memref<26x128xf32, #tpu.memory_space<vmem>>
            %parallel_loop3A_447 = arith.index_cast %parallel_loop3A_442 : i32 to index
            %parallel_loop3A_448 = arith.index_cast %parallel_loop3A_356 : i32 to index
            %parallel_loop3A_449 = tpu.vector_load %parallel_loop3A_446[%parallel_loop3A_447, %parallel_loop3A_448] {strides = array<i32>} : memref<26x128xf32, #tpu.memory_space<vmem>>, vector<16xf32>,
            %parallel_loop3A_450 = arith.maximumf %parallel_loop3A_441, %parallel_loop3A_449 : vector<16xf32>
            %parallel_loop3A_451 = arith.constant 2 : i32
            %parallel_loop3A_452 = arith.constant 0 : i32
            %parallel_loop3A_453 = arith.constant 0 : i32
            %parallel_loop3A_454 = tpu.memref_slice %run_scoped3A_40[%rem3A_271, %parallel_loop3A_452, %parallel_loop3A_453] : memref<2x6x128xf32, #tpu.memory_space<vmem>> -> memref<1x6x128xf32, #tpu.memory_space<vmem>>
            %parallel_loop3A_455 = tpu.memref_squeeze %parallel_loop3A_454 : memref<1x6x128xf32, #tpu.memory_space<vmem>> -> memref<6x128xf32, #tpu.memory_space<vmem>>
            %parallel_loop3A_456 = arith.index_cast %parallel_loop3A_451 : i32 to index
            %parallel_loop3A_457 = arith.index_cast %parallel_loop3A_356 : i32 to index
            %parallel_loop3A_458 = tpu.vector_load %parallel_loop3A_455[%parallel_loop3A_456, %parallel_loop3A_457] {strides = array<i32>} : memref<6x128xf32, #tpu.memory_space<vmem>>, vector<16xf32>,
            tpu.vector_store %parallel_loop3A_455[%parallel_loop3A_456, %parallel_loop3A_457], %parallel_loop3A_450 {strides = array<i32>} : memref<6x128xf32, #tpu.memory_space<vmem>>, vector<16xf32>,
            %parallel_loop3A_459 = arith.constant 4 : i32
            %parallel_loop3A_460 = arith.constant 0 : i32
            %parallel_loop3A_461 = arith.constant 0 : i32
            %parallel_loop3A_462 = tpu.memref_slice %run_scoped3A[%rem3A_269, %parallel_loop3A_460, %parallel_loop3A_461] : memref<2x26x128xf32, #tpu.memory_space<vmem>> -> memref<1x26x128xf32, #tpu.memory_space<vmem>>
            %parallel_loop3A_463 = tpu.memref_squeeze %parallel_loop3A_462 : memref<1x26x128xf32, #tpu.memory_space<vmem>> -> memref<26x128xf32, #tpu.memory_space<vmem>>
            %parallel_loop3A_464 = arith.index_cast %parallel_loop3A_459 : i32 to index
            %parallel_loop3A_465 = arith.index_cast %parallel_loop3A_356 : i32 to index
            %parallel_loop3A_466 = tpu.vector_load %parallel_loop3A_463[%parallel_loop3A_464, %parallel_loop3A_465] {strides = array<i32>} : memref<26x128xf32, #tpu.memory_space<vmem>>, vector<16xf32>,
            %parallel_loop3A_467 = arith.constant 9 : i32
            %parallel_loop3A_468 = arith.constant 0 : i32
            %parallel_loop3A_469 = arith.constant 0 : i32
            %parallel_loop3A_470 = tpu.memref_slice %run_scoped3A[%rem3A_269, %parallel_loop3A_468, %parallel_loop3A_469] : memref<2x26x128xf32, #tpu.memory_space<vmem>> -> memref<1x26x128xf32, #tpu.memory_space<vmem>>
            %parallel_loop3A_471 = tpu.memref_squeeze %parallel_loop3A_470 : memref<1x26x128xf32, #tpu.memory_space<vmem>> -> memref<26x128xf32, #tpu.memory_space<vmem>>
            %parallel_loop3A_472 = arith.index_cast %parallel_loop3A_467 : i32 to index
            %parallel_loop3A_473 = arith.index_cast %parallel_loop3A_356 : i32 to index
            %parallel_loop3A_474 = tpu.vector_load %parallel_loop3A_471[%parallel_loop3A_472, %parallel_loop3A_473] {strides = array<i32>} : memref<26x128xf32, #tpu.memory_space<vmem>>, vector<16xf32>,
            %parallel_loop3A_475 = arith.maximumf %parallel_loop3A_466, %parallel_loop3A_474 : vector<16xf32>
            %parallel_loop3A_476 = arith.constant 3 : i32
            %parallel_loop3A_477 = arith.constant 0 : i32
            %parallel_loop3A_478 = arith.constant 0 : i32
            %parallel_loop3A_479 = tpu.memref_slice %run_scoped3A_40[%rem3A_271, %parallel_loop3A_477, %parallel_loop3A_478] : memref<2x6x128xf32, #tpu.memory_space<vmem>> -> memref<1x6x128xf32, #tpu.memory_space<vmem>>
            %parallel_loop3A_480 = tpu.memref_squeeze %parallel_loop3A_479 : memref<1x6x128xf32, #tpu.memory_space<vmem>> -> memref<6x128xf32, #tpu.memory_space<vmem>>
            %parallel_loop3A_481 = arith.index_cast %parallel_loop3A_476 : i32 to index
            %parallel_loop3A_482 = arith.index_cast %parallel_loop3A_356 : i32 to index
            %parallel_loop3A_483 = tpu.vector_load %parallel_loop3A_480[%parallel_loop3A_481, %parallel_loop3A_482] {strides = array<i32>} : memref<6x128xf32, #tpu.memory_space<vmem>>, vector<16xf32>,
            tpu.vector_store %parallel_loop3A_480[%parallel_loop3A_481, %parallel_loop3A_482], %parallel_loop3A_475 {strides = array<i32>} : memref<6x128xf32, #tpu.memory_space<vmem>>, vector<16xf32>,
            %parallel_loop3A_484 = arith.constant 12 : i32
            %parallel_loop3A_485 = arith.constant 0 : i32
            %parallel_loop3A_486 = arith.constant 0 : i32
            %parallel_loop3A_487 = tpu.memref_slice %run_scoped3A[%rem3A_269, %parallel_loop3A_485, %parallel_loop3A_486] : memref<2x26x128xf32, #tpu.memory_space<vmem>> -> memref<1x26x128xf32, #tpu.memory_space<vmem>>
            %parallel_loop3A_488 = tpu.memref_squeeze %parallel_loop3A_487 : memref<1x26x128xf32, #tpu.memory_space<vmem>> -> memref<26x128xf32, #tpu.memory_space<vmem>>
            %parallel_loop3A_489 = arith.index_cast %parallel_loop3A_484 : i32 to index
            %parallel_loop3A_490 = arith.index_cast %parallel_loop3A_356 : i32 to index
            %parallel_loop3A_491 = tpu.vector_load %parallel_loop3A_488[%parallel_loop3A_489, %parallel_loop3A_490] {strides = array<i32>} : memref<26x128xf32, #tpu.memory_space<vmem>>, vector<16xf32>,
            %parallel_loop3A_492 = arith.constant 13 : i32
            %parallel_loop3A_493 = arith.constant 0 : i32
            %parallel_loop3A_494 = arith.constant 0 : i32
            %parallel_loop3A_495 = tpu.memref_slice %run_scoped3A[%rem3A_269, %parallel_loop3A_493, %parallel_loop3A_494] : memref<2x26x128xf32, #tpu.memory_space<vmem>> -> memref<1x26x128xf32, #tpu.memory_space<vmem>>
            %parallel_loop3A_496 = tpu.memref_squeeze %parallel_loop3A_495 : memref<1x26x128xf32, #tpu.memory_space<vmem>> -> memref<26x128xf32, #tpu.memory_space<vmem>>
            %parallel_loop3A_497 = arith.index_cast %parallel_loop3A_492 : i32 to index
            %parallel_loop3A_498 = arith.index_cast %parallel_loop3A_356 : i32 to index
            %parallel_loop3A_499 = tpu.vector_load %parallel_loop3A_496[%parallel_loop3A_497, %parallel_loop3A_498] {strides = array<i32>} : memref<26x128xf32, #tpu.memory_space<vmem>>, vector<16xf32>,
            %parallel_loop3A_500 = arith.maximumf %parallel_loop3A_491, %parallel_loop3A_499 : vector<16xf32>
            %parallel_loop3A_501 = arith.constant 14 : i32
            %parallel_loop3A_502 = arith.constant 0 : i32
            %parallel_loop3A_503 = arith.constant 0 : i32
            %parallel_loop3A_504 = tpu.memref_slice %run_scoped3A[%rem3A_269, %parallel_loop3A_502, %parallel_loop3A_503] : memref<2x26x128xf32, #tpu.memory_space<vmem>> -> memref<1x26x128xf32, #tpu.memory_space<vmem>>
            %parallel_loop3A_505 = tpu.memref_squeeze %parallel_loop3A_504 : memref<1x26x128xf32, #tpu.memory_space<vmem>> -> memref<26x128xf32, #tpu.memory_space<vmem>>
            %parallel_loop3A_506 = arith.index_cast %parallel_loop3A_501 : i32 to index
            %parallel_loop3A_507 = arith.index_cast %parallel_loop3A_356 : i32 to index
            %parallel_loop3A_508 = tpu.vector_load %parallel_loop3A_505[%parallel_loop3A_506, %parallel_loop3A_507] {strides = array<i32>} : memref<26x128xf32, #tpu.memory_space<vmem>>, vector<16xf32>,
            %parallel_loop3A_509 = arith.maximumf %parallel_loop3A_500, %parallel_loop3A_508 : vector<16xf32>
            %parallel_loop3A_510 = arith.constant 15 : i32
            %parallel_loop3A_511 = arith.constant 0 : i32
            %parallel_loop3A_512 = arith.constant 0 : i32
            %parallel_loop3A_513 = tpu.memref_slice %run_scoped3A[%rem3A_269, %parallel_loop3A_511, %parallel_loop3A_512] : memref<2x26x128xf32, #tpu.memory_space<vmem>> -> memref<1x26x128xf32, #tpu.memory_space<vmem>>
            %parallel_loop3A_514 = tpu.memref_squeeze %parallel_loop3A_513 : memref<1x26x128xf32, #tpu.memory_space<vmem>> -> memref<26x128xf32, #tpu.memory_space<vmem>>
            %parallel_loop3A_515 = arith.index_cast %parallel_loop3A_510 : i32 to index
            %parallel_loop3A_516 = arith.index_cast %parallel_loop3A_356 : i32 to index
            %parallel_loop3A_517 = tpu.vector_load %parallel_loop3A_514[%parallel_loop3A_515, %parallel_loop3A_516] {strides = array<i32>} : memref<26x128xf32, #tpu.memory_space<vmem>>, vector<16xf32>,
            %parallel_loop3A_518 = arith.maximumf %parallel_loop3A_509, %parallel_loop3A_517 : vector<16xf32>
            %parallel_loop3A_519 = arith.constant 4 : i32
            %parallel_loop3A_520 = arith.constant 0 : i32
            %parallel_loop3A_521 = arith.constant 0 : i32
            %parallel_loop3A_522 = tpu.memref_slice %run_scoped3A_40[%rem3A_271, %parallel_loop3A_520, %parallel_loop3A_521] : memref<2x6x128xf32, #tpu.memory_space<vmem>> -> memref<1x6x128xf32, #tpu.memory_space<vmem>>
            %parallel_loop3A_523 = tpu.memref_squeeze %parallel_loop3A_522 : memref<1x6x128xf32, #tpu.memory_space<vmem>> -> memref<6x128xf32, #tpu.memory_space<vmem>>
            %parallel_loop3A_524 = arith.index_cast %parallel_loop3A_519 : i32 to index
            %parallel_loop3A_525 = arith.index_cast %parallel_loop3A_356 : i32 to index
            %parallel_loop3A_526 = tpu.vector_load %parallel_loop3A_523[%parallel_loop3A_524, %parallel_loop3A_525] {strides = array<i32>} : memref<6x128xf32, #tpu.memory_space<vmem>>, vector<16xf32>,
            tpu.vector_store %parallel_loop3A_523[%parallel_loop3A_524, %parallel_loop3A_525], %parallel_loop3A_518 {strides = array<i32>} : memref<6x128xf32, #tpu.memory_space<vmem>>, vector<16xf32>,
            %parallel_loop3A_527 = arith.constant 16 : i32
            %parallel_loop3A_528 = arith.constant 0 : i32
            %parallel_loop3A_529 = arith.constant 0 : i32
            %parallel_loop3A_530 = tpu.memref_slice %run_scoped3A[%rem3A_269, %parallel_loop3A_528, %parallel_loop3A_529] : memref<2x26x128xf32, #tpu.memory_space<vmem>> -> memref<1x26x128xf32, #tpu.memory_space<vmem>>
            %parallel_loop3A_531 = tpu.memref_squeeze %parallel_loop3A_530 : memref<1x26x128xf32, #tpu.memory_space<vmem>> -> memref<26x128xf32, #tpu.memory_space<vmem>>
            %parallel_loop3A_532 = arith.index_cast %parallel_loop3A_527 : i32 to index
            %parallel_loop3A_533 = arith.index_cast %parallel_loop3A_356 : i32 to index
            %parallel_loop3A_534 = tpu.vector_load %parallel_loop3A_531[%parallel_loop3A_532, %parallel_loop3A_533] {strides = array<i32>} : memref<26x128xf32, #tpu.memory_space<vmem>>, vector<16xf32>,
            %parallel_loop3A_535 = arith.constant 17 : i32
            %parallel_loop3A_536 = arith.constant 0 : i32
            %parallel_loop3A_537 = arith.constant 0 : i32
            %parallel_loop3A_538 = tpu.memref_slice %run_scoped3A[%rem3A_269, %parallel_loop3A_536, %parallel_loop3A_537] : memref<2x26x128xf32, #tpu.memory_space<vmem>> -> memref<1x26x128xf32, #tpu.memory_space<vmem>>
            %parallel_loop3A_539 = tpu.memref_squeeze %parallel_loop3A_538 : memref<1x26x128xf32, #tpu.memory_space<vmem>> -> memref<26x128xf32, #tpu.memory_space<vmem>>
            %parallel_loop3A_540 = arith.index_cast %parallel_loop3A_535 : i32 to index
            %parallel_loop3A_541 = arith.index_cast %parallel_loop3A_356 : i32 to index
            %parallel_loop3A_542 = tpu.vector_load %parallel_loop3A_539[%parallel_loop3A_540, %parallel_loop3A_541] {strides = array<i32>} : memref<26x128xf32, #tpu.memory_space<vmem>>, vector<16xf32>,
            %parallel_loop3A_543 = arith.maximumf %parallel_loop3A_534, %parallel_loop3A_542 : vector<16xf32>
            %parallel_loop3A_544 = arith.constant 18 : i32
            %parallel_loop3A_545 = arith.constant 0 : i32
            %parallel_loop3A_546 = arith.constant 0 : i32
            %parallel_loop3A_547 = tpu.memref_slice %run_scoped3A[%rem3A_269, %parallel_loop3A_545, %parallel_loop3A_546] : memref<2x26x128xf32, #tpu.memory_space<vmem>> -> memref<1x26x128xf32, #tpu.memory_space<vmem>>
            %parallel_loop3A_548 = tpu.memref_squeeze %parallel_loop3A_547 : memref<1x26x128xf32, #tpu.memory_space<vmem>> -> memref<26x128xf32, #tpu.memory_space<vmem>>
            %parallel_loop3A_549 = arith.index_cast %parallel_loop3A_544 : i32 to index
            %parallel_loop3A_550 = arith.index_cast %parallel_loop3A_356 : i32 to index
            %parallel_loop3A_551 = tpu.vector_load %parallel_loop3A_548[%parallel_loop3A_549, %parallel_loop3A_550] {strides = array<i32>} : memref<26x128xf32, #tpu.memory_space<vmem>>, vector<16xf32>,
            %parallel_loop3A_552 = arith.maximumf %parallel_loop3A_543, %parallel_loop3A_551 : vector<16xf32>
            %parallel_loop3A_553 = arith.constant 19 : i32
            %parallel_loop3A_554 = arith.constant 0 : i32
            %parallel_loop3A_555 = arith.constant 0 : i32
            %parallel_loop3A_556 = tpu.memref_slice %run_scoped3A[%rem3A_269, %parallel_loop3A_554, %parallel_loop3A_555] : memref<2x26x128xf32, #tpu.memory_space<vmem>> -> memref<1x26x128xf32, #tpu.memory_space<vmem>>
            %parallel_loop3A_557 = tpu.memref_squeeze %parallel_loop3A_556 : memref<1x26x128xf32, #tpu.memory_space<vmem>> -> memref<26x128xf32, #tpu.memory_space<vmem>>
            %parallel_loop3A_558 = arith.index_cast %parallel_loop3A_553 : i32 to index
            %parallel_loop3A_559 = arith.index_cast %parallel_loop3A_356 : i32 to index
            %parallel_loop3A_560 = tpu.vector_load %parallel_loop3A_557[%parallel_loop3A_558, %parallel_loop3A_559] {strides = array<i32>} : memref<26x128xf32, #tpu.memory_space<vmem>>, vector<16xf32>,
            %parallel_loop3A_561 = arith.maximumf %parallel_loop3A_552, %parallel_loop3A_560 : vector<16xf32>
            %parallel_loop3A_562 = arith.constant 20 : i32
            %parallel_loop3A_563 = arith.constant 0 : i32
            %parallel_loop3A_564 = arith.constant 0 : i32
            %parallel_loop3A_565 = tpu.memref_slice %run_scoped3A[%rem3A_269, %parallel_loop3A_563, %parallel_loop3A_564] : memref<2x26x128xf32, #tpu.memory_space<vmem>> -> memref<1x26x128xf32, #tpu.memory_space<vmem>>
            %parallel_loop3A_566 = tpu.memref_squeeze %parallel_loop3A_565 : memref<1x26x128xf32, #tpu.memory_space<vmem>> -> memref<26x128xf32, #tpu.memory_space<vmem>>
            %parallel_loop3A_567 = arith.index_cast %parallel_loop3A_562 : i32 to index
            %parallel_loop3A_568 = arith.index_cast %parallel_loop3A_356 : i32 to index
            %parallel_loop3A_569 = tpu.vector_load %parallel_loop3A_566[%parallel_loop3A_567, %parallel_loop3A_568] {strides = array<i32>} : memref<26x128xf32, #tpu.memory_space<vmem>>, vector<16xf32>,
            %parallel_loop3A_570 = arith.maximumf %parallel_loop3A_561, %parallel_loop3A_569 : vector<16xf32>
            %parallel_loop3A_571 = arith.constant 21 : i32
            %parallel_loop3A_572 = arith.constant 0 : i32
            %parallel_loop3A_573 = arith.constant 0 : i32
            %parallel_loop3A_574 = tpu.memref_slice %run_scoped3A[%rem3A_269, %parallel_loop3A_572, %parallel_loop3A_573] : memref<2x26x128xf32, #tpu.memory_space<vmem>> -> memref<1x26x128xf32, #tpu.memory_space<vmem>>
            %parallel_loop3A_575 = tpu.memref_squeeze %parallel_loop3A_574 : memref<1x26x128xf32, #tpu.memory_space<vmem>> -> memref<26x128xf32, #tpu.memory_space<vmem>>
            %parallel_loop3A_576 = arith.index_cast %parallel_loop3A_571 : i32 to index
            %parallel_loop3A_577 = arith.index_cast %parallel_loop3A_356 : i32 to index
            %parallel_loop3A_578 = tpu.vector_load %parallel_loop3A_575[%parallel_loop3A_576, %parallel_loop3A_577] {strides = array<i32>} : memref<26x128xf32, #tpu.memory_space<vmem>>, vector<16xf32>,
            %parallel_loop3A_579 = arith.maximumf %parallel_loop3A_570, %parallel_loop3A_578 : vector<16xf32>
            %parallel_loop3A_580 = arith.constant 22 : i32
            %parallel_loop3A_581 = arith.constant 0 : i32
            %parallel_loop3A_582 = arith.constant 0 : i32
            %parallel_loop3A_583 = tpu.memref_slice %run_scoped3A[%rem3A_269, %parallel_loop3A_581, %parallel_loop3A_582] : memref<2x26x128xf32, #tpu.memory_space<vmem>> -> memref<1x26x128xf32, #tpu.memory_space<vmem>>
            %parallel_loop3A_584 = tpu.memref_squeeze %parallel_loop3A_583 : memref<1x26x128xf32, #tpu.memory_space<vmem>> -> memref<26x128xf32, #tpu.memory_space<vmem>>
            %parallel_loop3A_585 = arith.index_cast %parallel_loop3A_580 : i32 to index
            %parallel_loop3A_586 = arith.index_cast %parallel_loop3A_356 : i32 to index
            %parallel_loop3A_587 = tpu.vector_load %parallel_loop3A_584[%parallel_loop3A_585, %parallel_loop3A_586] {strides = array<i32>} : memref<26x128xf32, #tpu.memory_space<vmem>>, vector<16xf32>,
            %parallel_loop3A_588 = arith.maximumf %parallel_loop3A_579, %parallel_loop3A_587 : vector<16xf32>
            %parallel_loop3A_589 = arith.constant 23 : i32
            %parallel_loop3A_590 = arith.constant 0 : i32
            %parallel_loop3A_591 = arith.constant 0 : i32
            %parallel_loop3A_592 = tpu.memref_slice %run_scoped3A[%rem3A_269, %parallel_loop3A_590, %parallel_loop3A_591] : memref<2x26x128xf32, #tpu.memory_space<vmem>> -> memref<1x26x128xf32, #tpu.memory_space<vmem>>
            %parallel_loop3A_593 = tpu.memref_squeeze %parallel_loop3A_592 : memref<1x26x128xf32, #tpu.memory_space<vmem>> -> memref<26x128xf32, #tpu.memory_space<vmem>>
            %parallel_loop3A_594 = arith.index_cast %parallel_loop3A_589 : i32 to index
            %parallel_loop3A_595 = arith.index_cast %parallel_loop3A_356 : i32 to index
            %parallel_loop3A_596 = tpu.vector_load %parallel_loop3A_593[%parallel_loop3A_594, %parallel_loop3A_595] {strides = array<i32>} : memref<26x128xf32, #tpu.memory_space<vmem>>, vector<16xf32>,
            %parallel_loop3A_597 = arith.maximumf %parallel_loop3A_588, %parallel_loop3A_596 : vector<16xf32>
            %parallel_loop3A_598 = arith.constant 5 : i32
            %parallel_loop3A_599 = arith.constant 0 : i32
            %parallel_loop3A_600 = arith.constant 0 : i32
            %parallel_loop3A_601 = tpu.memref_slice %run_scoped3A_40[%rem3A_271, %parallel_loop3A_599, %parallel_loop3A_600] : memref<2x6x128xf32, #tpu.memory_space<vmem>> -> memref<1x6x128xf32, #tpu.memory_space<vmem>>
            %parallel_loop3A_602 = tpu.memref_squeeze %parallel_loop3A_601 : memref<1x6x128xf32, #tpu.memory_space<vmem>> -> memref<6x128xf32, #tpu.memory_space<vmem>>
            %parallel_loop3A_603 = arith.index_cast %parallel_loop3A_598 : i32 to index
            %parallel_loop3A_604 = arith.index_cast %parallel_loop3A_356 : i32 to index
            %parallel_loop3A_605 = tpu.vector_load %parallel_loop3A_602[%parallel_loop3A_603, %parallel_loop3A_604] {strides = array<i32>} : memref<6x128xf32, #tpu.memory_space<vmem>>, vector<16xf32>,
            tpu.vector_store %parallel_loop3A_602[%parallel_loop3A_603, %parallel_loop3A_604], %parallel_loop3A_597 {strides = array<i32>} : memref<6x128xf32, #tpu.memory_space<vmem>>, vector<16xf32>,
          } {sc.loop_unroll_factor = 8 : i64, sc.parallel_access}
          "tpu.trace_stop"() : () -> ()
          %add3A_274 = arith.constant 7808 : i32
          %add3A_275 = arith.addi %add3A_186, %add3A_274 : i32
          %add3A_276 = arith.constant 7808 : i32
          %add3A_277 = arith.addi %add3A_204, %add3A_276 : i32
          %ne3A_278 = arith.cmpi ne, %add3A_275, %add3A_277 : i32
          %or3A_279 = arith.constant false
          %or3A_280 = arith.ori %or3A_279, %ne3A_278 : i1
          %or3A_281 = arith.ori %or3A_280, %eq3A_185 : i1
          %convert_element_type3A_282 = arith.extui %or3A_281 : i1 to i32
          %cond3A_283 = arith.constant 0 : i32
          %cond3A_284 = arith.cmpi ne, %convert_element_type3A_282, %cond3A_283 : i32
          scf.if %cond3A_284 {
          } else {
          }
          %and3A_285 = arith.constant false
          %and3A_286 = arith.andi %or3A_281, %and3A_285 : i1
          %add3A_287 = arith.constant 7808 : i32
          %add3A_288 = arith.addi %add3A_186, %add3A_287 : i32
          %add3A_289 = arith.constant 7808 : i32
          %add3A_290 = arith.addi %add3A_204, %add3A_289 : i32
          %ne3A_291 = arith.cmpi ne, %add3A_288, %add3A_290 : i32
          %or3A_292 = arith.constant false
          %or3A_293 = arith.ori %or3A_292, %ne3A_291 : i1
          %or3A_294 = arith.ori %or3A_293, %eq3A_185 : i1
          %convert_element_type3A_295 = arith.extui %or3A_294 : i1 to i32
          %cond3A_296 = arith.constant 0 : i32
          %cond3A_297 = arith.cmpi ne, %convert_element_type3A_295, %cond3A_296 : i32
          scf.if %cond3A_297 {
            "tpu.trace_start"() <{level = 10 : i32, message = "ep_copy_out"}> : () -> ()
            %rem3A_354 = arith.constant 2 : i32
            %rem3A_355 = arith.remui %while3A_176, %rem3A_354 : i32
            %add3A_356 = arith.constant 7808 : i32
            %add3A_357 = arith.addi %add3A_186, %add3A_356 : i32
            %mul3A_358 = arith.constant 128 : i32
            %mul3A_359 = arith.muli %mul3A_358, %add3A_357 : i32
            %eq3A_360 = arith.constant 7812 : i32
            %eq3A_361 = arith.cmpi eq, %add3A_357, %eq3A_360 : i32
            %jit3A_362 = arith.constant 128 : i32
            %jit3A_363 = arith.constant 128 : i32
            %select_n3A_364 = arith.select %eq3A_361, %jit3A_362, %jit3A_363 : i32
            %multiple_of3A_365 = tpu.assume_multiple %select_n3A_364, 128 : i32
            %mul3A_366 = arith.constant 128 : i32
            %mul3A_367 = arith.muli %add3A_357, %mul3A_366 : i32
            %dma_start3A_368 = arith.constant 0 : i32
            %dma_start3A_369 = arith.constant 0 : i32
            %dma_start3A_370 = tpu.memref_slice %run_scoped3A_40[%rem3A_355, %dma_start3A_368, %dma_start3A_369] <%multiple_of3A_365> : memref<2x6x128xf32, #tpu.memory_space<vmem>> -> memref<1x6x?xf32, #tpu.memory_space<vmem>>
            %dma_start3A_371 = tpu.memref_squeeze %dma_start3A_370 : memref<1x6x?xf32, #tpu.memory_space<vmem>> -> memref<6x?xf32, #tpu.memory_space<vmem>>
            %dma_start3A_372 = arith.constant 0 : i32
            %dma_start3A_373 = tpu.memref_slice %arg3[%dma_start3A_372, %mul3A_367] <%multiple_of3A_365> : memref<6x1000000xf32, #tpu.memory_space<hbm>> -> memref<6x?xf32, #tpu.memory_space<hbm>>
            %dma_start3A_374 = tpu.memref_slice %run_scoped3A_41[%rem3A_355] : memref<2x!tpu.dma_semaphore, #tpu.memory_space<semaphore_mem>> -> memref<1x!tpu.dma_semaphore, #tpu.memory_space<semaphore_mem>>
            %dma_start3A_375 = tpu.memref_squeeze %dma_start3A_374 : memref<1x!tpu.dma_semaphore, #tpu.memory_space<semaphore_mem>> -> memref<!tpu.dma_semaphore, #tpu.memory_space<semaphore_mem>>
            %dma_start3A_376 = arith.constant 0 : i32
            %dma_start3A_377 = tpu.memref_slice %arg3[%dma_start3A_376, %mul3A_367] <%multiple_of3A_365> : memref<6x1000000xf32, #tpu.memory_space<hbm>> -> memref<6x?xf32, #tpu.memory_space<hbm>>
            %dma_start3A_378 = arith.constant 0 : i32
            %dma_start3A_379 = arith.constant 0 : i32
            %dma_start3A_380 = tpu.memref_slice %run_scoped3A_40[%rem3A_355, %dma_start3A_378, %dma_start3A_379] <%multiple_of3A_365> : memref<2x6x128xf32, #tpu.memory_space<vmem>> -> memref<1x6x?xf32, #tpu.memory_space<vmem>>
            %dma_start3A_381 = tpu.memref_squeeze %dma_start3A_380 : memref<1x6x?xf32, #tpu.memory_space<vmem>> -> memref<6x?xf32, #tpu.memory_space<vmem>>
            tpu.enqueue_dma source(%dma_start3A_381 : memref<6x?xf32, #tpu.memory_space<vmem>>) target(%dma_start3A_377 : memref<6x?xf32, #tpu.memory_space<hbm>>) target_semaphore(%dma_start3A_375 : memref<!tpu.dma_semaphore, #tpu.memory_space<semaphore_mem>>)
            "tpu.trace_stop"() : () -> ()
          } else {
          }
          %and3A_298 = arith.constant true
          %and3A_299 = arith.andi %or3A_294, %and3A_298 : i1
          %add3A_300 = arith.constant 1 : i32
          %add3A_301 = arith.addi %while3A_176, %add3A_300 : i32
          %select_n3A_302 = arith.select %and3A_299, %add3A_301, %while3A_176 : i32
          %add3A_303 = arith.constant 7808 : i32
          %add3A_304 = arith.addi %add3A_186, %add3A_303 : i32
          %add3A_305 = arith.constant 7808 : i32
          %add3A_306 = arith.addi %add3A_196, %add3A_305 : i32
          %ne3A_307 = arith.cmpi ne, %add3A_304, %add3A_306 : i32
          %or3A_308 = arith.constant false
          %or3A_309 = arith.ori %or3A_308, %ne3A_307 : i1
          %not3A_310 = arith.constant true
          %not3A_311 = arith.xori %eq3A_182, %not3A_310 : i1
          %and3A_312 = arith.andi %or3A_309, %not3A_311 : i1
          %convert_element_type3A_313 = arith.extui %and3A_312 : i1 to i32
          %cond3A_314 = arith.constant 0 : i32
          %cond3A_315 = arith.cmpi ne, %convert_element_type3A_313, %cond3A_314 : i32
          scf.if %cond3A_315 {
          } else {
          }
          %and3A_316 = arith.constant false
          %and3A_317 = arith.andi %and3A_312, %and3A_316 : i1
          %add3A_318 = arith.constant 7808 : i32
          %add3A_319 = arith.addi %add3A_186, %add3A_318 : i32
          %add3A_320 = arith.constant 7808 : i32
          %add3A_321 = arith.addi %add3A_196, %add3A_320 : i32
          %ne3A_322 = arith.cmpi ne, %add3A_319, %add3A_321 : i32
          %or3A_323 = arith.constant false
          %or3A_324 = arith.ori %or3A_323, %ne3A_322 : i1
          %not3A_325 = arith.constant true
          %not3A_326 = arith.xori %eq3A_182, %not3A_325 : i1
          %and3A_327 = arith.andi %or3A_324, %not3A_326 : i1
          %convert_element_type3A_328 = arith.extui %and3A_327 : i1 to i32
          %cond3A_329 = arith.constant 0 : i32
          %cond3A_330 = arith.cmpi ne, %convert_element_type3A_328, %cond3A_329 : i32
          scf.if %cond3A_330 {
            "tpu.trace_start"() <{level = 10 : i32, message = "ep_wait_out"}> : () -> ()
            %rem3A_354 = arith.constant 2 : i32
            %rem3A_355 = arith.remui %while3A_177, %rem3A_354 : i32
            %add3A_356 = arith.constant 7808 : i32
            %add3A_357 = arith.addi %add3A_196, %add3A_356 : i32
            %mul3A_358 = arith.constant 128 : i32
            %mul3A_359 = arith.muli %mul3A_358, %add3A_357 : i32
            %eq3A_360 = arith.constant 7812 : i32
            %eq3A_361 = arith.cmpi eq, %add3A_357, %eq3A_360 : i32
            %jit3A_362 = arith.constant 128 : i32
            %jit3A_363 = arith.constant 128 : i32
            %select_n3A_364 = arith.select %eq3A_361, %jit3A_362, %jit3A_363 : i32
            %multiple_of3A_365 = tpu.assume_multiple %select_n3A_364, 128 : i32
            %mul3A_366 = arith.constant 128 : i32
            %mul3A_367 = arith.muli %add3A_357, %mul3A_366 : i32
            %dma_wait3A = arith.constant 0 : i32
            %dma_wait3A_368 = arith.constant 0 : i32
            %dma_wait3A_369 = tpu.memref_slice %run_scoped3A_40[%rem3A_355, %dma_wait3A, %dma_wait3A_368] <%multiple_of3A_365> : memref<2x6x128xf32, #tpu.memory_space<vmem>> -> memref<1x6x?xf32, #tpu.memory_space<vmem>>
            %dma_wait3A_370 = tpu.memref_squeeze %dma_wait3A_369 : memref<1x6x?xf32, #tpu.memory_space<vmem>> -> memref<6x?xf32, #tpu.memory_space<vmem>>
            %dma_wait3A_371 = arith.constant 0 : i32
            %dma_wait3A_372 = tpu.memref_slice %arg3[%dma_wait3A_371, %mul3A_367] <%multiple_of3A_365> : memref<6x1000000xf32, #tpu.memory_space<hbm>> -> memref<6x?xf32, #tpu.memory_space<hbm>>
            %dma_wait3A_373 = tpu.memref_slice %run_scoped3A_41[%rem3A_355] : memref<2x!tpu.dma_semaphore, #tpu.memory_space<semaphore_mem>> -> memref<1x!tpu.dma_semaphore, #tpu.memory_space<semaphore_mem>>
            %dma_wait3A_374 = tpu.memref_squeeze %dma_wait3A_373 : memref<1x!tpu.dma_semaphore, #tpu.memory_space<semaphore_mem>> -> memref<!tpu.dma_semaphore, #tpu.memory_space<semaphore_mem>>
            %dma_wait3A_375 = arith.constant 0 : i32
            %dma_wait3A_376 = tpu.memref_slice %arg3[%dma_wait3A_375, %mul3A_367] <%multiple_of3A_365> : memref<6x1000000xf32, #tpu.memory_space<hbm>> -> memref<6x?xf32, #tpu.memory_space<hbm>>
            %dma_wait3A_377 = arith.constant 0 : i32
            %dma_wait3A_378 = arith.constant 0 : i32
            %dma_wait3A_379 = tpu.memref_slice %run_scoped3A_40[%rem3A_355, %dma_wait3A_377, %dma_wait3A_378] <%multiple_of3A_365> : memref<2x6x128xf32, #tpu.memory_space<vmem>> -> memref<1x6x?xf32, #tpu.memory_space<vmem>>
            %dma_wait3A_380 = tpu.memref_squeeze %dma_wait3A_379 : memref<1x6x?xf32, #tpu.memory_space<vmem>> -> memref<6x?xf32, #tpu.memory_space<vmem>>
            tpu.wait_dma2 semaphore(%dma_wait3A_374 : memref<!tpu.dma_semaphore, #tpu.memory_space<semaphore_mem>>) src(%dma_wait3A_380 : memref<6x?xf32, #tpu.memory_space<vmem>>) dst(%dma_wait3A_376 : memref<6x?xf32, #tpu.memory_space<hbm>>)
            "tpu.trace_stop"() : () -> ()
          } else {
          }
          %and3A_331 = arith.constant true
          %and3A_332 = arith.andi %and3A_327, %and3A_331 : i1
          %add3A_333 = arith.constant 1 : i32
          %add3A_334 = arith.addi %while3A_177, %add3A_333 : i32
          %select_n3A_335 = arith.select %and3A_332, %add3A_334, %while3A_177 : i32
          %add3A_336 = arith.constant 7808 : i32
          %add3A_337 = arith.addi %add3A_186, %add3A_336 : i32
          %add3A_338 = arith.constant 7808 : i32
          %add3A_339 = arith.addi %add3A_204, %add3A_338 : i32
          %ne3A_340 = arith.cmpi ne, %add3A_337, %add3A_339 : i32
          %or3A_341 = arith.constant false
          %or3A_342 = arith.ori %or3A_341, %ne3A_340 : i1
          %or3A_343 = arith.ori %or3A_342, %eq3A_185 : i1
          %add3A_344 = arith.constant 1 : i32
          %add3A_345 = arith.addi %while3A_175, %add3A_344 : i32
          %select_n3A_346 = arith.select %or3A_343, %add3A_345, %while3A_175 : i32
          %add3A_347 = arith.constant 1 : i32
          %add3A_348 = arith.addi %while3A_178, %add3A_347 : i32
          %select_n3A_349 = arith.constant true
          %select_n3A_350 = arith.select %select_n3A_349, %add3A_348, %while3A_178 : i32
          %eq3A_351 = arith.cmpi eq, %select_n3A_350, %select_n3A_28 : i32
          %select_n3A_352 = arith.constant 0 : i32
          %select_n3A_353 = arith.select %eq3A_351, %select_n3A_352, %select_n3A_350 : i32
          scf.yield %select_n3A_230, %select_n3A_346, %select_n3A_302, %select_n3A_335, %select_n3A_353 : i32, i32, i32, i32, i32
        }
        %while3A_120 = arith.constant 1 : i32
        %while3A_121:5 = scf.for %while3A_173 = %while3A_117 to %while3A_113 step %while3A_120 iter_args(%while3A_174 = %while3A_119#0, %while3A_175 = %while3A_119#1, %while3A_176 = %while3A_119#2, %while3A_177 = %while3A_119#3, %while3A_178 = %while3A_119#4) -> (i32, i32, i32, i32, i32)  : i32 {
          %mul3A_179 = arith.constant 1 : i32
          %mul3A_180 = arith.muli %mul3A_179, %select_n3A_28 : i32
          %eq3A_181 = arith.constant 0 : i32
          %eq3A_182 = arith.cmpi eq, %while3A_173, %eq3A_181 : i32
          %sub3A_183 = arith.constant 1 : i32
          %sub3A_184 = arith.subi %mul3A_180, %sub3A_183 : i32
          %eq3A_185 = arith.cmpi eq, %while3A_173, %sub3A_184 : i32
          %add3A_186 = arith.addi %while3A_178, %select_n3A_36 : i32
          %sub3A_187 = arith.constant 1 : i32
          %sub3A_188 = arith.subi %while3A_178, %sub3A_187 : i32
          %select_n3A_189 = arith.constant true
          %select_n3A_190 = arith.select %select_n3A_189, %sub3A_188, %while3A_178 : i32
          %eq3A_191 = arith.constant -1 : i32
          %eq3A_192 = arith.cmpi eq, %select_n3A_190, %eq3A_191 : i32
          %sub3A_193 = arith.constant 1 : i32
          %sub3A_194 = arith.subi %select_n3A_28, %sub3A_193 : i32
          %select_n3A_195 = arith.select %eq3A_192, %sub3A_194, %select_n3A_190 : i32
          %add3A_196 = arith.addi %select_n3A_195, %select_n3A_36 : i32
          %add3A_197 = arith.constant 1 : i32
          %add3A_198 = arith.addi %while3A_178, %add3A_197 : i32
          %select_n3A_199 = arith.constant true
          %select_n3A_200 = arith.select %select_n3A_199, %add3A_198, %while3A_178 : i32
          %eq3A_201 = arith.cmpi eq, %select_n3A_200, %select_n3A_28 : i32
          %select_n3A_202 = arith.constant 0 : i32
          %select_n3A_203 = arith.select %eq3A_201, %select_n3A_202, %select_n3A_200 : i32
          %add3A_204 = arith.addi %select_n3A_203, %select_n3A_36 : i32
          %add3A_205 = arith.constant 1 : i32
          %add3A_206 = arith.addi %select_n3A_203, %add3A_205 : i32
          %select_n3A_207 = arith.constant true
          %select_n3A_208 = arith.select %select_n3A_207, %add3A_206, %select_n3A_203 : i32
          %eq3A_209 = arith.cmpi eq, %select_n3A_208, %select_n3A_28 : i32
          %select_n3A_210 = arith.constant 0 : i32
          %select_n3A_211 = arith.select %eq3A_209, %select_n3A_210, %select_n3A_208 : i32
          %add3A_212 = arith.addi %select_n3A_211, %select_n3A_36 : i32
          %add3A_213 = arith.constant 7808 : i32
          %add3A_214 = arith.addi %add3A_186, %add3A_213 : i32
          %add3A_215 = arith.constant 7808 : i32
          %add3A_216 = arith.addi %add3A_204, %add3A_215 : i32
          %ne3A = arith.cmpi ne, %add3A_214, %add3A_216 : i32
          %or3A = arith.constant false
          %or3A_217 = arith.ori %or3A, %ne3A : i1
          %sub3A_218 = arith.constant 2 : i32
          %sub3A_219 = arith.subi %mul3A_180, %sub3A_218 : i32
          %add3A_220 = arith.constant 1 : i32
          %add3A_221 = arith.addi %sub3A_219, %add3A_220 : i32
          %ge3A = arith.cmpi sge, %while3A_173, %add3A_221 : i32
          %not3A = arith.constant true
          %not3A_222 = arith.xori %ge3A, %not3A : i1
          %and3A = arith.andi %or3A_217, %not3A_222 : i1
          %convert_element_type3A_223 = arith.extui %and3A : i1 to i32
          %cond3A_224 = arith.constant 0 : i32
          %cond3A_225 = arith.cmpi ne, %convert_element_type3A_223, %cond3A_224 : i32
          scf.if %cond3A_225 {
            "tpu.trace_start"() <{level = 10 : i32, message = "ep_copy_in"}> : () -> ()
            %rem3A_354 = arith.constant 2 : i32
            %rem3A_355 = arith.remui %while3A_174, %rem3A_354 : i32
            %add3A_356 = arith.constant 7808 : i32
            %add3A_357 = arith.addi %add3A_204, %add3A_356 : i32
            %mul3A_358 = arith.constant 128 : i32
            %mul3A_359 = arith.muli %mul3A_358, %add3A_357 : i32
            %eq3A_360 = arith.constant 7812 : i32
            %eq3A_361 = arith.cmpi eq, %add3A_357, %eq3A_360 : i32
            %jit3A_362 = arith.constant 128 : i32
            %jit3A_363 = arith.constant 128 : i32
            %select_n3A_364 = arith.select %eq3A_361, %jit3A_362, %jit3A_363 : i32
            %multiple_of3A_365 = tpu.assume_multiple %select_n3A_364, 128 : i32
            %mul3A_366 = arith.constant 128 : i32
            %mul3A_367 = arith.muli %add3A_357, %mul3A_366 : i32
            %dma_start3A_368 = arith.constant 0 : i32
            %dma_start3A_369 = arith.constant 0 : i32
            %dma_start3A_370 = tpu.memref_slice %run_scoped3A[%rem3A_355, %dma_start3A_368, %dma_start3A_369] <%multiple_of3A_365> : memref<2x26x128xf32, #tpu.memory_space<vmem>> -> memref<1x26x?xf32, #tpu.memory_space<vmem>>
            %dma_start3A_371 = tpu.memref_squeeze %dma_start3A_370 : memref<1x26x?xf32, #tpu.memory_space<vmem>> -> memref<26x?xf32, #tpu.memory_space<vmem>>
            %dma_start3A_372 = arith.constant 0 : i32
            %dma_start3A_373 = tpu.memref_slice %arg2[%dma_start3A_372, %mul3A_367] <%multiple_of3A_365> : memref<26x1000000xf32, #tpu.memory_space<hbm>> -> memref<26x?xf32, #tpu.memory_space<hbm>>
            %dma_start3A_374 = tpu.memref_slice %run_scoped3A_39[%rem3A_355] : memref<2x!tpu.dma_semaphore, #tpu.memory_space<semaphore_mem>> -> memref<1x!tpu.dma_semaphore, #tpu.memory_space<semaphore_mem>>
            %dma_start3A_375 = tpu.memref_squeeze %dma_start3A_374 : memref<1x!tpu.dma_semaphore, #tpu.memory_space<semaphore_mem>> -> memref<!tpu.dma_semaphore, #tpu.memory_space<semaphore_mem>>
            %dma_start3A_376 = arith.constant 0 : i32
            %dma_start3A_377 = arith.constant 0 : i32
            %dma_start3A_378 = tpu.memref_slice %run_scoped3A[%rem3A_355, %dma_start3A_376, %dma_start3A_377] <%multiple_of3A_365> : memref<2x26x128xf32, #tpu.memory_space<vmem>> -> memref<1x26x?xf32, #tpu.memory_space<vmem>>
            %dma_start3A_379 = tpu.memref_squeeze %dma_start3A_378 : memref<1x26x?xf32, #tpu.memory_space<vmem>> -> memref<26x?xf32, #tpu.memory_space<vmem>>
            %dma_start3A_380 = arith.constant 0 : i32
            %dma_start3A_381 = tpu.memref_slice %arg2[%dma_start3A_380, %mul3A_367] <%multiple_of3A_365> : memref<26x1000000xf32, #tpu.memory_space<hbm>> -> memref<26x?xf32, #tpu.memory_space<hbm>>
            tpu.enqueue_dma source(%dma_start3A_381 : memref<26x?xf32, #tpu.memory_space<hbm>>) target(%dma_start3A_379 : memref<26x?xf32, #tpu.memory_space<vmem>>) target_semaphore(%dma_start3A_375 : memref<!tpu.dma_semaphore, #tpu.memory_space<semaphore_mem>>)
            "tpu.trace_stop"() : () -> ()
          } else {
          }
          %and3A_226 = arith.constant true
          %and3A_227 = arith.andi %and3A, %and3A_226 : i1
          %add3A_228 = arith.constant 1 : i32
          %add3A_229 = arith.addi %while3A_174, %add3A_228 : i32
          %select_n3A_230 = arith.select %and3A_227, %add3A_229, %while3A_174 : i32
          %add3A_231 = arith.constant 7808 : i32
          %add3A_232 = arith.addi %add3A_186, %add3A_231 : i32
          %add3A_233 = arith.constant 7808 : i32
          %add3A_234 = arith.addi %add3A_204, %add3A_233 : i32
          %ne3A_235 = arith.cmpi ne, %add3A_232, %add3A_234 : i32
          %or3A_236 = arith.constant false
          %or3A_237 = arith.ori %or3A_236, %ne3A_235 : i1
          %sub3A_238 = arith.constant 2 : i32
          %sub3A_239 = arith.subi %mul3A_180, %sub3A_238 : i32
          %add3A_240 = arith.constant 1 : i32
          %add3A_241 = arith.addi %sub3A_239, %add3A_240 : i32
          %ge3A_242 = arith.cmpi sge, %while3A_173, %add3A_241 : i32
          %not3A_243 = arith.constant true
          %not3A_244 = arith.xori %ge3A_242, %not3A_243 : i1
          %and3A_245 = arith.andi %or3A_237, %not3A_244 : i1
          %add3A_246 = arith.constant 7808 : i32
          %add3A_247 = arith.addi %add3A_186, %add3A_246 : i32
          %add3A_248 = arith.constant 7808 : i32
          %add3A_249 = arith.addi %add3A_196, %add3A_248 : i32
          %ne3A_250 = arith.cmpi ne, %add3A_247, %add3A_249 : i32
          %or3A_251 = arith.constant false
          %or3A_252 = arith.ori %or3A_251, %ne3A_250 : i1
          %or3A_253 = arith.ori %or3A_252, %eq3A_182 : i1
          %convert_element_type3A_254 = arith.extui %or3A_253 : i1 to i32
          %cond3A_255 = arith.constant 0 : i32
          %cond3A_256 = arith.cmpi ne, %convert_element_type3A_254, %cond3A_255 : i32
          scf.if %cond3A_256 {
            "tpu.trace_start"() <{level = 10 : i32, message = "ep_wait_in"}> : () -> ()
            %add3A_354 = arith.constant 7808 : i32
            %add3A_355 = arith.addi %add3A_186, %add3A_354 : i32
            %mul3A_356 = arith.constant 128 : i32
            %mul3A_357 = arith.muli %mul3A_356, %add3A_355 : i32
            %eq3A_358 = arith.constant 7812 : i32
            %eq3A_359 = arith.cmpi eq, %add3A_355, %eq3A_358 : i32
            %jit3A_360 = arith.constant 128 : i32
            %jit3A_361 = arith.constant 128 : i32
            %select_n3A_362 = arith.select %eq3A_359, %jit3A_360, %jit3A_361 : i32
            %multiple_of3A_363 = tpu.assume_multiple %select_n3A_362, 128 : i32
            %mul3A_364 = arith.constant 128 : i32
            %mul3A_365 = arith.muli %add3A_355, %mul3A_364 : i32
            %rem3A_366 = arith.constant 2 : i32
            %rem3A_367 = arith.remui %while3A_175, %rem3A_366 : i32
            %dma_wait3A = arith.constant 0 : i32
            %dma_wait3A_368 = arith.constant 0 : i32
            %dma_wait3A_369 = tpu.memref_slice %run_scoped3A[%rem3A_367, %dma_wait3A, %dma_wait3A_368] <%multiple_of3A_363> : memref<2x26x128xf32, #tpu.memory_space<vmem>> -> memref<1x26x?xf32, #tpu.memory_space<vmem>>
            %dma_wait3A_370 = tpu.memref_squeeze %dma_wait3A_369 : memref<1x26x?xf32, #tpu.memory_space<vmem>> -> memref<26x?xf32, #tpu.memory_space<vmem>>
            %dma_wait3A_371 = arith.constant 0 : i32
            %dma_wait3A_372 = tpu.memref_slice %arg2[%dma_wait3A_371, %mul3A_365] <%multiple_of3A_363> : memref<26x1000000xf32, #tpu.memory_space<hbm>> -> memref<26x?xf32, #tpu.memory_space<hbm>>
            %dma_wait3A_373 = tpu.memref_slice %run_scoped3A_39[%rem3A_367] : memref<2x!tpu.dma_semaphore, #tpu.memory_space<semaphore_mem>> -> memref<1x!tpu.dma_semaphore, #tpu.memory_space<semaphore_mem>>
            %dma_wait3A_374 = tpu.memref_squeeze %dma_wait3A_373 : memref<1x!tpu.dma_semaphore, #tpu.memory_space<semaphore_mem>> -> memref<!tpu.dma_semaphore, #tpu.memory_space<semaphore_mem>>
            %dma_wait3A_375 = arith.constant 0 : i32
            %dma_wait3A_376 = arith.constant 0 : i32
            %dma_wait3A_377 = tpu.memref_slice %run_scoped3A[%rem3A_367, %dma_wait3A_375, %dma_wait3A_376] <%multiple_of3A_363> : memref<2x26x128xf32, #tpu.memory_space<vmem>> -> memref<1x26x?xf32, #tpu.memory_space<vmem>>
            %dma_wait3A_378 = tpu.memref_squeeze %dma_wait3A_377 : memref<1x26x?xf32, #tpu.memory_space<vmem>> -> memref<26x?xf32, #tpu.memory_space<vmem>>
            %dma_wait3A_379 = arith.constant 0 : i32
            %dma_wait3A_380 = tpu.memref_slice %arg2[%dma_wait3A_379, %mul3A_365] <%multiple_of3A_363> : memref<26x1000000xf32, #tpu.memory_space<hbm>> -> memref<26x?xf32, #tpu.memory_space<hbm>>
            tpu.wait_dma2 semaphore(%dma_wait3A_374 : memref<!tpu.dma_semaphore, #tpu.memory_space<semaphore_mem>>) src(%dma_wait3A_380 : memref<26x?xf32, #tpu.memory_space<hbm>>) dst(%dma_wait3A_378 : memref<26x?xf32, #tpu.memory_space<vmem>>)
            "tpu.trace_stop"() : () -> ()
          } else {
          }
          %add3A_257 = arith.constant 7808 : i32
          %add3A_258 = arith.addi %add3A_186, %add3A_257 : i32
          %add3A_259 = arith.constant 7808 : i32
          %add3A_260 = arith.addi %add3A_196, %add3A_259 : i32
          %ne3A_261 = arith.cmpi ne, %add3A_258, %add3A_260 : i32
          %or3A_262 = arith.constant false
          %or3A_263 = arith.ori %or3A_262, %ne3A_261 : i1
          %or3A_264 = arith.ori %or3A_263, %eq3A_182 : i1
          %convert_element_type3A_265 = arith.extui %or3A_264 : i1 to i32
          %cond3A_266 = arith.constant 0 : i32
          %cond3A_267 = arith.cmpi ne, %convert_element_type3A_265, %cond3A_266 : i32
          scf.if %cond3A_267 {
          } else {
          }
          %rem3A_268 = arith.constant 2 : i32
          %rem3A_269 = arith.remui %while3A_175, %rem3A_268 : i32
          %rem3A_270 = arith.constant 2 : i32
          %rem3A_271 = arith.remui %while3A_176, %rem3A_270 : i32
          %parallel_loop3A = arith.constant 0 : i32
          %parallel_loop3A_272 = arith.constant 8 : i32
          %parallel_loop3A_273 = arith.constant 1 : i32
          "tpu.trace_start"() <{level = 10 : i32, message = "ep_run_kernel"}> : () -> ()
          scf.for %parallel_loop3A_354 = %parallel_loop3A to %parallel_loop3A_272 step %parallel_loop3A_273  : i32 {
            %parallel_loop3A_355 = arith.constant 16 : i32
            %parallel_loop3A_356 = arith.muli %parallel_loop3A_354, %parallel_loop3A_355 : i32
            %parallel_loop3A_357 = arith.constant 0 : i32
            %parallel_loop3A_358 = arith.constant 0 : i32
            %parallel_loop3A_359 = arith.constant 0 : i32
            %parallel_loop3A_360 = tpu.memref_slice %run_scoped3A[%rem3A_269, %parallel_loop3A_358, %parallel_loop3A_359] : memref<2x26x128xf32, #tpu.memory_space<vmem>> -> memref<1x26x128xf32, #tpu.memory_space<vmem>>
            %parallel_loop3A_361 = tpu.memref_squeeze %parallel_loop3A_360 : memref<1x26x128xf32, #tpu.memory_space<vmem>> -> memref<26x128xf32, #tpu.memory_space<vmem>>
            %parallel_loop3A_362 = arith.index_cast %parallel_loop3A_357 : i32 to index
            %parallel_loop3A_363 = arith.index_cast %parallel_loop3A_356 : i32 to index
            %parallel_loop3A_364 = tpu.vector_load %parallel_loop3A_361[%parallel_loop3A_362, %parallel_loop3A_363] {strides = array<i32>} : memref<26x128xf32, #tpu.memory_space<vmem>>, vector<16xf32>,
            %parallel_loop3A_365 = arith.constant 1 : i32
            %parallel_loop3A_366 = arith.constant 0 : i32
            %parallel_loop3A_367 = arith.constant 0 : i32
            %parallel_loop3A_368 = tpu.memref_slice %run_scoped3A[%rem3A_269, %parallel_loop3A_366, %parallel_loop3A_367] : memref<2x26x128xf32, #tpu.memory_space<vmem>> -> memref<1x26x128xf32, #tpu.memory_space<vmem>>
            %parallel_loop3A_369 = tpu.memref_squeeze %parallel_loop3A_368 : memref<1x26x128xf32, #tpu.memory_space<vmem>> -> memref<26x128xf32, #tpu.memory_space<vmem>>
            %parallel_loop3A_370 = arith.index_cast %parallel_loop3A_365 : i32 to index
            %parallel_loop3A_371 = arith.index_cast %parallel_loop3A_356 : i32 to index
            %parallel_loop3A_372 = tpu.vector_load %parallel_loop3A_369[%parallel_loop3A_370, %parallel_loop3A_371] {strides = array<i32>} : memref<26x128xf32, #tpu.memory_space<vmem>>, vector<16xf32>,
            %parallel_loop3A_373 = arith.maximumf %parallel_loop3A_364, %parallel_loop3A_372 : vector<16xf32>
            %parallel_loop3A_374 = arith.constant 2 : i32
            %parallel_loop3A_375 = arith.constant 0 : i32
            %parallel_loop3A_376 = arith.constant 0 : i32
            %parallel_loop3A_377 = tpu.memref_slice %run_scoped3A[%rem3A_269, %parallel_loop3A_375, %parallel_loop3A_376] : memref<2x26x128xf32, #tpu.memory_space<vmem>> -> memref<1x26x128xf32, #tpu.memory_space<vmem>>
            %parallel_loop3A_378 = tpu.memref_squeeze %parallel_loop3A_377 : memref<1x26x128xf32, #tpu.memory_space<vmem>> -> memref<26x128xf32, #tpu.memory_space<vmem>>
            %parallel_loop3A_379 = arith.index_cast %parallel_loop3A_374 : i32 to index
            %parallel_loop3A_380 = arith.index_cast %parallel_loop3A_356 : i32 to index
            %parallel_loop3A_381 = tpu.vector_load %parallel_loop3A_378[%parallel_loop3A_379, %parallel_loop3A_380] {strides = array<i32>} : memref<26x128xf32, #tpu.memory_space<vmem>>, vector<16xf32>,
            %parallel_loop3A_382 = arith.maximumf %parallel_loop3A_373, %parallel_loop3A_381 : vector<16xf32>
            %parallel_loop3A_383 = arith.constant 8 : i32
            %parallel_loop3A_384 = arith.constant 0 : i32
            %parallel_loop3A_385 = arith.constant 0 : i32
            %parallel_loop3A_386 = tpu.memref_slice %run_scoped3A[%rem3A_269, %parallel_loop3A_384, %parallel_loop3A_385] : memref<2x26x128xf32, #tpu.memory_space<vmem>> -> memref<1x26x128xf32, #tpu.memory_space<vmem>>
            %parallel_loop3A_387 = tpu.memref_squeeze %parallel_loop3A_386 : memref<1x26x128xf32, #tpu.memory_space<vmem>> -> memref<26x128xf32, #tpu.memory_space<vmem>>
            %parallel_loop3A_388 = arith.index_cast %parallel_loop3A_383 : i32 to index
            %parallel_loop3A_389 = arith.index_cast %parallel_loop3A_356 : i32 to index
            %parallel_loop3A_390 = tpu.vector_load %parallel_loop3A_387[%parallel_loop3A_388, %parallel_loop3A_389] {strides = array<i32>} : memref<26x128xf32, #tpu.memory_space<vmem>>, vector<16xf32>,
            %parallel_loop3A_391 = arith.maximumf %parallel_loop3A_382, %parallel_loop3A_390 : vector<16xf32>
            %parallel_loop3A_392 = arith.constant 25 : i32
            %parallel_loop3A_393 = arith.constant 0 : i32
            %parallel_loop3A_394 = arith.constant 0 : i32
            %parallel_loop3A_395 = tpu.memref_slice %run_scoped3A[%rem3A_269, %parallel_loop3A_393, %parallel_loop3A_394] : memref<2x26x128xf32, #tpu.memory_space<vmem>> -> memref<1x26x128xf32, #tpu.memory_space<vmem>>
            %parallel_loop3A_396 = tpu.memref_squeeze %parallel_loop3A_395 : memref<1x26x128xf32, #tpu.memory_space<vmem>> -> memref<26x128xf32, #tpu.memory_space<vmem>>
            %parallel_loop3A_397 = arith.index_cast %parallel_loop3A_392 : i32 to index
            %parallel_loop3A_398 = arith.index_cast %parallel_loop3A_356 : i32 to index
            %parallel_loop3A_399 = tpu.vector_load %parallel_loop3A_396[%parallel_loop3A_397, %parallel_loop3A_398] {strides = array<i32>} : memref<26x128xf32, #tpu.memory_space<vmem>>, vector<16xf32>,
            %parallel_loop3A_400 = arith.maximumf %parallel_loop3A_391, %parallel_loop3A_399 : vector<16xf32>
            %parallel_loop3A_401 = arith.constant 0 : i32
            %parallel_loop3A_402 = arith.constant 0 : i32
            %parallel_loop3A_403 = arith.constant 0 : i32
            %parallel_loop3A_404 = tpu.memref_slice %run_scoped3A_40[%rem3A_271, %parallel_loop3A_402, %parallel_loop3A_403] : memref<2x6x128xf32, #tpu.memory_space<vmem>> -> memref<1x6x128xf32, #tpu.memory_space<vmem>>
            %parallel_loop3A_405 = tpu.memref_squeeze %parallel_loop3A_404 : memref<1x6x128xf32, #tpu.memory_space<vmem>> -> memref<6x128xf32, #tpu.memory_space<vmem>>
            %parallel_loop3A_406 = arith.index_cast %parallel_loop3A_401 : i32 to index
            %parallel_loop3A_407 = arith.index_cast %parallel_loop3A_356 : i32 to index
            %parallel_loop3A_408 = tpu.vector_load %parallel_loop3A_405[%parallel_loop3A_406, %parallel_loop3A_407] {strides = array<i32>} : memref<6x128xf32, #tpu.memory_space<vmem>>, vector<16xf32>,
            tpu.vector_store %parallel_loop3A_405[%parallel_loop3A_406, %parallel_loop3A_407], %parallel_loop3A_400 {strides = array<i32>} : memref<6x128xf32, #tpu.memory_space<vmem>>, vector<16xf32>,
            %parallel_loop3A_409 = arith.constant 3 : i32
            %parallel_loop3A_410 = arith.constant 0 : i32
            %parallel_loop3A_411 = arith.constant 0 : i32
            %parallel_loop3A_412 = tpu.memref_slice %run_scoped3A[%rem3A_269, %parallel_loop3A_410, %parallel_loop3A_411] : memref<2x26x128xf32, #tpu.memory_space<vmem>> -> memref<1x26x128xf32, #tpu.memory_space<vmem>>
            %parallel_loop3A_413 = tpu.memref_squeeze %parallel_loop3A_412 : memref<1x26x128xf32, #tpu.memory_space<vmem>> -> memref<26x128xf32, #tpu.memory_space<vmem>>
            %parallel_loop3A_414 = arith.index_cast %parallel_loop3A_409 : i32 to index
            %parallel_loop3A_415 = arith.index_cast %parallel_loop3A_356 : i32 to index
            %parallel_loop3A_416 = tpu.vector_load %parallel_loop3A_413[%parallel_loop3A_414, %parallel_loop3A_415] {strides = array<i32>} : memref<26x128xf32, #tpu.memory_space<vmem>>, vector<16xf32>,
            %parallel_loop3A_417 = arith.constant 24 : i32
            %parallel_loop3A_418 = arith.constant 0 : i32
            %parallel_loop3A_419 = arith.constant 0 : i32
            %parallel_loop3A_420 = tpu.memref_slice %run_scoped3A[%rem3A_269, %parallel_loop3A_418, %parallel_loop3A_419] : memref<2x26x128xf32, #tpu.memory_space<vmem>> -> memref<1x26x128xf32, #tpu.memory_space<vmem>>
            %parallel_loop3A_421 = tpu.memref_squeeze %parallel_loop3A_420 : memref<1x26x128xf32, #tpu.memory_space<vmem>> -> memref<26x128xf32, #tpu.memory_space<vmem>>
            %parallel_loop3A_422 = arith.index_cast %parallel_loop3A_417 : i32 to index
            %parallel_loop3A_423 = arith.index_cast %parallel_loop3A_356 : i32 to index
            %parallel_loop3A_424 = tpu.vector_load %parallel_loop3A_421[%parallel_loop3A_422, %parallel_loop3A_423] {strides = array<i32>} : memref<26x128xf32, #tpu.memory_space<vmem>>, vector<16xf32>,
            %parallel_loop3A_425 = arith.maximumf %parallel_loop3A_416, %parallel_loop3A_424 : vector<16xf32>
            %parallel_loop3A_426 = arith.constant 1 : i32
            %parallel_loop3A_427 = arith.constant 0 : i32
            %parallel_loop3A_428 = arith.constant 0 : i32
            %parallel_loop3A_429 = tpu.memref_slice %run_scoped3A_40[%rem3A_271, %parallel_loop3A_427, %parallel_loop3A_428] : memref<2x6x128xf32, #tpu.memory_space<vmem>> -> memref<1x6x128xf32, #tpu.memory_space<vmem>>
            %parallel_loop3A_430 = tpu.memref_squeeze %parallel_loop3A_429 : memref<1x6x128xf32, #tpu.memory_space<vmem>> -> memref<6x128xf32, #tpu.memory_space<vmem>>
            %parallel_loop3A_431 = arith.index_cast %parallel_loop3A_426 : i32 to index
            %parallel_loop3A_432 = arith.index_cast %parallel_loop3A_356 : i32 to index
            %parallel_loop3A_433 = tpu.vector_load %parallel_loop3A_430[%parallel_loop3A_431, %parallel_loop3A_432] {strides = array<i32>} : memref<6x128xf32, #tpu.memory_space<vmem>>, vector<16xf32>,
            tpu.vector_store %parallel_loop3A_430[%parallel_loop3A_431, %parallel_loop3A_432], %parallel_loop3A_425 {strides = array<i32>} : memref<6x128xf32, #tpu.memory_space<vmem>>, vector<16xf32>,
            %parallel_loop3A_434 = arith.constant 6 : i32
            %parallel_loop3A_435 = arith.constant 0 : i32
            %parallel_loop3A_436 = arith.constant 0 : i32
            %parallel_loop3A_437 = tpu.memref_slice %run_scoped3A[%rem3A_269, %parallel_loop3A_435, %parallel_loop3A_436] : memref<2x26x128xf32, #tpu.memory_space<vmem>> -> memref<1x26x128xf32, #tpu.memory_space<vmem>>
            %parallel_loop3A_438 = tpu.memref_squeeze %parallel_loop3A_437 : memref<1x26x128xf32, #tpu.memory_space<vmem>> -> memref<26x128xf32, #tpu.memory_space<vmem>>
            %parallel_loop3A_439 = arith.index_cast %parallel_loop3A_434 : i32 to index
            %parallel_loop3A_440 = arith.index_cast %parallel_loop3A_356 : i32 to index
            %parallel_loop3A_441 = tpu.vector_load %parallel_loop3A_438[%parallel_loop3A_439, %parallel_loop3A_440] {strides = array<i32>} : memref<26x128xf32, #tpu.memory_space<vmem>>, vector<16xf32>,
            %parallel_loop3A_442 = arith.constant 7 : i32
            %parallel_loop3A_443 = arith.constant 0 : i32
            %parallel_loop3A_444 = arith.constant 0 : i32
            %parallel_loop3A_445 = tpu.memref_slice %run_scoped3A[%rem3A_269, %parallel_loop3A_443, %parallel_loop3A_444] : memref<2x26x128xf32, #tpu.memory_space<vmem>> -> memref<1x26x128xf32, #tpu.memory_space<vmem>>
            %parallel_loop3A_446 = tpu.memref_squeeze %parallel_loop3A_445 : memref<1x26x128xf32, #tpu.memory_space<vmem>> -> memref<26x128xf32, #tpu.memory_space<vmem>>
            %parallel_loop3A_447 = arith.index_cast %parallel_loop3A_442 : i32 to index
            %parallel_loop3A_448 = arith.index_cast %parallel_loop3A_356 : i32 to index
            %parallel_loop3A_449 = tpu.vector_load %parallel_loop3A_446[%parallel_loop3A_447, %parallel_loop3A_448] {strides = array<i32>} : memref<26x128xf32, #tpu.memory_space<vmem>>, vector<16xf32>,
            %parallel_loop3A_450 = arith.maximumf %parallel_loop3A_441, %parallel_loop3A_449 : vector<16xf32>
            %parallel_loop3A_451 = arith.constant 2 : i32
            %parallel_loop3A_452 = arith.constant 0 : i32
            %parallel_loop3A_453 = arith.constant 0 : i32
            %parallel_loop3A_454 = tpu.memref_slice %run_scoped3A_40[%rem3A_271, %parallel_loop3A_452, %parallel_loop3A_453] : memref<2x6x128xf32, #tpu.memory_space<vmem>> -> memref<1x6x128xf32, #tpu.memory_space<vmem>>
            %parallel_loop3A_455 = tpu.memref_squeeze %parallel_loop3A_454 : memref<1x6x128xf32, #tpu.memory_space<vmem>> -> memref<6x128xf32, #tpu.memory_space<vmem>>
            %parallel_loop3A_456 = arith.index_cast %parallel_loop3A_451 : i32 to index
            %parallel_loop3A_457 = arith.index_cast %parallel_loop3A_356 : i32 to index
            %parallel_loop3A_458 = tpu.vector_load %parallel_loop3A_455[%parallel_loop3A_456, %parallel_loop3A_457] {strides = array<i32>} : memref<6x128xf32, #tpu.memory_space<vmem>>, vector<16xf32>,
            tpu.vector_store %parallel_loop3A_455[%parallel_loop3A_456, %parallel_loop3A_457], %parallel_loop3A_450 {strides = array<i32>} : memref<6x128xf32, #tpu.memory_space<vmem>>, vector<16xf32>,
            %parallel_loop3A_459 = arith.constant 4 : i32
            %parallel_loop3A_460 = arith.constant 0 : i32
            %parallel_loop3A_461 = arith.constant 0 : i32
            %parallel_loop3A_462 = tpu.memref_slice %run_scoped3A[%rem3A_269, %parallel_loop3A_460, %parallel_loop3A_461] : memref<2x26x128xf32, #tpu.memory_space<vmem>> -> memref<1x26x128xf32, #tpu.memory_space<vmem>>
            %parallel_loop3A_463 = tpu.memref_squeeze %parallel_loop3A_462 : memref<1x26x128xf32, #tpu.memory_space<vmem>> -> memref<26x128xf32, #tpu.memory_space<vmem>>
            %parallel_loop3A_464 = arith.index_cast %parallel_loop3A_459 : i32 to index
            %parallel_loop3A_465 = arith.index_cast %parallel_loop3A_356 : i32 to index
            %parallel_loop3A_466 = tpu.vector_load %parallel_loop3A_463[%parallel_loop3A_464, %parallel_loop3A_465] {strides = array<i32>} : memref<26x128xf32, #tpu.memory_space<vmem>>, vector<16xf32>,
            %parallel_loop3A_467 = arith.constant 9 : i32
            %parallel_loop3A_468 = arith.constant 0 : i32
            %parallel_loop3A_469 = arith.constant 0 : i32
            %parallel_loop3A_470 = tpu.memref_slice %run_scoped3A[%rem3A_269, %parallel_loop3A_468, %parallel_loop3A_469] : memref<2x26x128xf32, #tpu.memory_space<vmem>> -> memref<1x26x128xf32, #tpu.memory_space<vmem>>
            %parallel_loop3A_471 = tpu.memref_squeeze %parallel_loop3A_470 : memref<1x26x128xf32, #tpu.memory_space<vmem>> -> memref<26x128xf32, #tpu.memory_space<vmem>>
            %parallel_loop3A_472 = arith.index_cast %parallel_loop3A_467 : i32 to index
            %parallel_loop3A_473 = arith.index_cast %parallel_loop3A_356 : i32 to index
            %parallel_loop3A_474 = tpu.vector_load %parallel_loop3A_471[%parallel_loop3A_472, %parallel_loop3A_473] {strides = array<i32>} : memref<26x128xf32, #tpu.memory_space<vmem>>, vector<16xf32>,
            %parallel_loop3A_475 = arith.maximumf %parallel_loop3A_466, %parallel_loop3A_474 : vector<16xf32>
            %parallel_loop3A_476 = arith.constant 3 : i32
            %parallel_loop3A_477 = arith.constant 0 : i32
            %parallel_loop3A_478 = arith.constant 0 : i32
            %parallel_loop3A_479 = tpu.memref_slice %run_scoped3A_40[%rem3A_271, %parallel_loop3A_477, %parallel_loop3A_478] : memref<2x6x128xf32, #tpu.memory_space<vmem>> -> memref<1x6x128xf32, #tpu.memory_space<vmem>>
            %parallel_loop3A_480 = tpu.memref_squeeze %parallel_loop3A_479 : memref<1x6x128xf32, #tpu.memory_space<vmem>> -> memref<6x128xf32, #tpu.memory_space<vmem>>
            %parallel_loop3A_481 = arith.index_cast %parallel_loop3A_476 : i32 to index
            %parallel_loop3A_482 = arith.index_cast %parallel_loop3A_356 : i32 to index
            %parallel_loop3A_483 = tpu.vector_load %parallel_loop3A_480[%parallel_loop3A_481, %parallel_loop3A_482] {strides = array<i32>} : memref<6x128xf32, #tpu.memory_space<vmem>>, vector<16xf32>,
            tpu.vector_store %parallel_loop3A_480[%parallel_loop3A_481, %parallel_loop3A_482], %parallel_loop3A_475 {strides = array<i32>} : memref<6x128xf32, #tpu.memory_space<vmem>>, vector<16xf32>,
            %parallel_loop3A_484 = arith.constant 12 : i32
            %parallel_loop3A_485 = arith.constant 0 : i32
            %parallel_loop3A_486 = arith.constant 0 : i32
            %parallel_loop3A_487 = tpu.memref_slice %run_scoped3A[%rem3A_269, %parallel_loop3A_485, %parallel_loop3A_486] : memref<2x26x128xf32, #tpu.memory_space<vmem>> -> memref<1x26x128xf32, #tpu.memory_space<vmem>>
            %parallel_loop3A_488 = tpu.memref_squeeze %parallel_loop3A_487 : memref<1x26x128xf32, #tpu.memory_space<vmem>> -> memref<26x128xf32, #tpu.memory_space<vmem>>
            %parallel_loop3A_489 = arith.index_cast %parallel_loop3A_484 : i32 to index
            %parallel_loop3A_490 = arith.index_cast %parallel_loop3A_356 : i32 to index
            %parallel_loop3A_491 = tpu.vector_load %parallel_loop3A_488[%parallel_loop3A_489, %parallel_loop3A_490] {strides = array<i32>} : memref<26x128xf32, #tpu.memory_space<vmem>>, vector<16xf32>,
            %parallel_loop3A_492 = arith.constant 13 : i32
            %parallel_loop3A_493 = arith.constant 0 : i32
            %parallel_loop3A_494 = arith.constant 0 : i32
            %parallel_loop3A_495 = tpu.memref_slice %run_scoped3A[%rem3A_269, %parallel_loop3A_493, %parallel_loop3A_494] : memref<2x26x128xf32, #tpu.memory_space<vmem>> -> memref<1x26x128xf32, #tpu.memory_space<vmem>>
            %parallel_loop3A_496 = tpu.memref_squeeze %parallel_loop3A_495 : memref<1x26x128xf32, #tpu.memory_space<vmem>> -> memref<26x128xf32, #tpu.memory_space<vmem>>
            %parallel_loop3A_497 = arith.index_cast %parallel_loop3A_492 : i32 to index
            %parallel_loop3A_498 = arith.index_cast %parallel_loop3A_356 : i32 to index
            %parallel_loop3A_499 = tpu.vector_load %parallel_loop3A_496[%parallel_loop3A_497, %parallel_loop3A_498] {strides = array<i32>} : memref<26x128xf32, #tpu.memory_space<vmem>>, vector<16xf32>,
            %parallel_loop3A_500 = arith.maximumf %parallel_loop3A_491, %parallel_loop3A_499 : vector<16xf32>
            %parallel_loop3A_501 = arith.constant 14 : i32
            %parallel_loop3A_502 = arith.constant 0 : i32
            %parallel_loop3A_503 = arith.constant 0 : i32
            %parallel_loop3A_504 = tpu.memref_slice %run_scoped3A[%rem3A_269, %parallel_loop3A_502, %parallel_loop3A_503] : memref<2x26x128xf32, #tpu.memory_space<vmem>> -> memref<1x26x128xf32, #tpu.memory_space<vmem>>
            %parallel_loop3A_505 = tpu.memref_squeeze %parallel_loop3A_504 : memref<1x26x128xf32, #tpu.memory_space<vmem>> -> memref<26x128xf32, #tpu.memory_space<vmem>>
            %parallel_loop3A_506 = arith.index_cast %parallel_loop3A_501 : i32 to index
            %parallel_loop3A_507 = arith.index_cast %parallel_loop3A_356 : i32 to index
            %parallel_loop3A_508 = tpu.vector_load %parallel_loop3A_505[%parallel_loop3A_506, %parallel_loop3A_507] {strides = array<i32>} : memref<26x128xf32, #tpu.memory_space<vmem>>, vector<16xf32>,
            %parallel_loop3A_509 = arith.maximumf %parallel_loop3A_500, %parallel_loop3A_508 : vector<16xf32>
            %parallel_loop3A_510 = arith.constant 15 : i32
            %parallel_loop3A_511 = arith.constant 0 : i32
            %parallel_loop3A_512 = arith.constant 0 : i32
            %parallel_loop3A_513 = tpu.memref_slice %run_scoped3A[%rem3A_269, %parallel_loop3A_511, %parallel_loop3A_512] : memref<2x26x128xf32, #tpu.memory_space<vmem>> -> memref<1x26x128xf32, #tpu.memory_space<vmem>>
            %parallel_loop3A_514 = tpu.memref_squeeze %parallel_loop3A_513 : memref<1x26x128xf32, #tpu.memory_space<vmem>> -> memref<26x128xf32, #tpu.memory_space<vmem>>
            %parallel_loop3A_515 = arith.index_cast %parallel_loop3A_510 : i32 to index
            %parallel_loop3A_516 = arith.index_cast %parallel_loop3A_356 : i32 to index
            %parallel_loop3A_517 = tpu.vector_load %parallel_loop3A_514[%parallel_loop3A_515, %parallel_loop3A_516] {strides = array<i32>} : memref<26x128xf32, #tpu.memory_space<vmem>>, vector<16xf32>,
            %parallel_loop3A_518 = arith.maximumf %parallel_loop3A_509, %parallel_loop3A_517 : vector<16xf32>
            %parallel_loop3A_519 = arith.constant 4 : i32
            %parallel_loop3A_520 = arith.constant 0 : i32
            %parallel_loop3A_521 = arith.constant 0 : i32
            %parallel_loop3A_522 = tpu.memref_slice %run_scoped3A_40[%rem3A_271, %parallel_loop3A_520, %parallel_loop3A_521] : memref<2x6x128xf32, #tpu.memory_space<vmem>> -> memref<1x6x128xf32, #tpu.memory_space<vmem>>
            %parallel_loop3A_523 = tpu.memref_squeeze %parallel_loop3A_522 : memref<1x6x128xf32, #tpu.memory_space<vmem>> -> memref<6x128xf32, #tpu.memory_space<vmem>>
            %parallel_loop3A_524 = arith.index_cast %parallel_loop3A_519 : i32 to index
            %parallel_loop3A_525 = arith.index_cast %parallel_loop3A_356 : i32 to index
            %parallel_loop3A_526 = tpu.vector_load %parallel_loop3A_523[%parallel_loop3A_524, %parallel_loop3A_525] {strides = array<i32>} : memref<6x128xf32, #tpu.memory_space<vmem>>, vector<16xf32>,
            tpu.vector_store %parallel_loop3A_523[%parallel_loop3A_524, %parallel_loop3A_525], %parallel_loop3A_518 {strides = array<i32>} : memref<6x128xf32, #tpu.memory_space<vmem>>, vector<16xf32>,
            %parallel_loop3A_527 = arith.constant 16 : i32
            %parallel_loop3A_528 = arith.constant 0 : i32
            %parallel_loop3A_529 = arith.constant 0 : i32
            %parallel_loop3A_530 = tpu.memref_slice %run_scoped3A[%rem3A_269, %parallel_loop3A_528, %parallel_loop3A_529] : memref<2x26x128xf32, #tpu.memory_space<vmem>> -> memref<1x26x128xf32, #tpu.memory_space<vmem>>
            %parallel_loop3A_531 = tpu.memref_squeeze %parallel_loop3A_530 : memref<1x26x128xf32, #tpu.memory_space<vmem>> -> memref<26x128xf32, #tpu.memory_space<vmem>>
            %parallel_loop3A_532 = arith.index_cast %parallel_loop3A_527 : i32 to index
            %parallel_loop3A_533 = arith.index_cast %parallel_loop3A_356 : i32 to index
            %parallel_loop3A_534 = tpu.vector_load %parallel_loop3A_531[%parallel_loop3A_532, %parallel_loop3A_533] {strides = array<i32>} : memref<26x128xf32, #tpu.memory_space<vmem>>, vector<16xf32>,
            %parallel_loop3A_535 = arith.constant 17 : i32
            %parallel_loop3A_536 = arith.constant 0 : i32
            %parallel_loop3A_537 = arith.constant 0 : i32
            %parallel_loop3A_538 = tpu.memref_slice %run_scoped3A[%rem3A_269, %parallel_loop3A_536, %parallel_loop3A_537] : memref<2x26x128xf32, #tpu.memory_space<vmem>> -> memref<1x26x128xf32, #tpu.memory_space<vmem>>
            %parallel_loop3A_539 = tpu.memref_squeeze %parallel_loop3A_538 : memref<1x26x128xf32, #tpu.memory_space<vmem>> -> memref<26x128xf32, #tpu.memory_space<vmem>>
            %parallel_loop3A_540 = arith.index_cast %parallel_loop3A_535 : i32 to index
            %parallel_loop3A_541 = arith.index_cast %parallel_loop3A_356 : i32 to index
            %parallel_loop3A_542 = tpu.vector_load %parallel_loop3A_539[%parallel_loop3A_540, %parallel_loop3A_541] {strides = array<i32>} : memref<26x128xf32, #tpu.memory_space<vmem>>, vector<16xf32>,
            %parallel_loop3A_543 = arith.maximumf %parallel_loop3A_534, %parallel_loop3A_542 : vector<16xf32>
            %parallel_loop3A_544 = arith.constant 18 : i32
            %parallel_loop3A_545 = arith.constant 0 : i32
            %parallel_loop3A_546 = arith.constant 0 : i32
            %parallel_loop3A_547 = tpu.memref_slice %run_scoped3A[%rem3A_269, %parallel_loop3A_545, %parallel_loop3A_546] : memref<2x26x128xf32, #tpu.memory_space<vmem>> -> memref<1x26x128xf32, #tpu.memory_space<vmem>>
            %parallel_loop3A_548 = tpu.memref_squeeze %parallel_loop3A_547 : memref<1x26x128xf32, #tpu.memory_space<vmem>> -> memref<26x128xf32, #tpu.memory_space<vmem>>
            %parallel_loop3A_549 = arith.index_cast %parallel_loop3A_544 : i32 to index
            %parallel_loop3A_550 = arith.index_cast %parallel_loop3A_356 : i32 to index
            %parallel_loop3A_551 = tpu.vector_load %parallel_loop3A_548[%parallel_loop3A_549, %parallel_loop3A_550] {strides = array<i32>} : memref<26x128xf32, #tpu.memory_space<vmem>>, vector<16xf32>,
            %parallel_loop3A_552 = arith.maximumf %parallel_loop3A_543, %parallel_loop3A_551 : vector<16xf32>
            %parallel_loop3A_553 = arith.constant 19 : i32
            %parallel_loop3A_554 = arith.constant 0 : i32
            %parallel_loop3A_555 = arith.constant 0 : i32
            %parallel_loop3A_556 = tpu.memref_slice %run_scoped3A[%rem3A_269, %parallel_loop3A_554, %parallel_loop3A_555] : memref<2x26x128xf32, #tpu.memory_space<vmem>> -> memref<1x26x128xf32, #tpu.memory_space<vmem>>
            %parallel_loop3A_557 = tpu.memref_squeeze %parallel_loop3A_556 : memref<1x26x128xf32, #tpu.memory_space<vmem>> -> memref<26x128xf32, #tpu.memory_space<vmem>>
            %parallel_loop3A_558 = arith.index_cast %parallel_loop3A_553 : i32 to index
            %parallel_loop3A_559 = arith.index_cast %parallel_loop3A_356 : i32 to index
            %parallel_loop3A_560 = tpu.vector_load %parallel_loop3A_557[%parallel_loop3A_558, %parallel_loop3A_559] {strides = array<i32>} : memref<26x128xf32, #tpu.memory_space<vmem>>, vector<16xf32>,
            %parallel_loop3A_561 = arith.maximumf %parallel_loop3A_552, %parallel_loop3A_560 : vector<16xf32>
            %parallel_loop3A_562 = arith.constant 20 : i32
            %parallel_loop3A_563 = arith.constant 0 : i32
            %parallel_loop3A_564 = arith.constant 0 : i32
            %parallel_loop3A_565 = tpu.memref_slice %run_scoped3A[%rem3A_269, %parallel_loop3A_563, %parallel_loop3A_564] : memref<2x26x128xf32, #tpu.memory_space<vmem>> -> memref<1x26x128xf32, #tpu.memory_space<vmem>>
            %parallel_loop3A_566 = tpu.memref_squeeze %parallel_loop3A_565 : memref<1x26x128xf32, #tpu.memory_space<vmem>> -> memref<26x128xf32, #tpu.memory_space<vmem>>
            %parallel_loop3A_567 = arith.index_cast %parallel_loop3A_562 : i32 to index
            %parallel_loop3A_568 = arith.index_cast %parallel_loop3A_356 : i32 to index
            %parallel_loop3A_569 = tpu.vector_load %parallel_loop3A_566[%parallel_loop3A_567, %parallel_loop3A_568] {strides = array<i32>} : memref<26x128xf32, #tpu.memory_space<vmem>>, vector<16xf32>,
            %parallel_loop3A_570 = arith.maximumf %parallel_loop3A_561, %parallel_loop3A_569 : vector<16xf32>
            %parallel_loop3A_571 = arith.constant 21 : i32
            %parallel_loop3A_572 = arith.constant 0 : i32
            %parallel_loop3A_573 = arith.constant 0 : i32
            %parallel_loop3A_574 = tpu.memref_slice %run_scoped3A[%rem3A_269, %parallel_loop3A_572, %parallel_loop3A_573] : memref<2x26x128xf32, #tpu.memory_space<vmem>> -> memref<1x26x128xf32, #tpu.memory_space<vmem>>
            %parallel_loop3A_575 = tpu.memref_squeeze %parallel_loop3A_574 : memref<1x26x128xf32, #tpu.memory_space<vmem>> -> memref<26x128xf32, #tpu.memory_space<vmem>>
            %parallel_loop3A_576 = arith.index_cast %parallel_loop3A_571 : i32 to index
            %parallel_loop3A_577 = arith.index_cast %parallel_loop3A_356 : i32 to index
            %parallel_loop3A_578 = tpu.vector_load %parallel_loop3A_575[%parallel_loop3A_576, %parallel_loop3A_577] {strides = array<i32>} : memref<26x128xf32, #tpu.memory_space<vmem>>, vector<16xf32>,
            %parallel_loop3A_579 = arith.maximumf %parallel_loop3A_570, %parallel_loop3A_578 : vector<16xf32>
            %parallel_loop3A_580 = arith.constant 22 : i32
            %parallel_loop3A_581 = arith.constant 0 : i32
            %parallel_loop3A_582 = arith.constant 0 : i32
            %parallel_loop3A_583 = tpu.memref_slice %run_scoped3A[%rem3A_269, %parallel_loop3A_581, %parallel_loop3A_582] : memref<2x26x128xf32, #tpu.memory_space<vmem>> -> memref<1x26x128xf32, #tpu.memory_space<vmem>>
            %parallel_loop3A_584 = tpu.memref_squeeze %parallel_loop3A_583 : memref<1x26x128xf32, #tpu.memory_space<vmem>> -> memref<26x128xf32, #tpu.memory_space<vmem>>
            %parallel_loop3A_585 = arith.index_cast %parallel_loop3A_580 : i32 to index
            %parallel_loop3A_586 = arith.index_cast %parallel_loop3A_356 : i32 to index
            %parallel_loop3A_587 = tpu.vector_load %parallel_loop3A_584[%parallel_loop3A_585, %parallel_loop3A_586] {strides = array<i32>} : memref<26x128xf32, #tpu.memory_space<vmem>>, vector<16xf32>,
            %parallel_loop3A_588 = arith.maximumf %parallel_loop3A_579, %parallel_loop3A_587 : vector<16xf32>
            %parallel_loop3A_589 = arith.constant 23 : i32
            %parallel_loop3A_590 = arith.constant 0 : i32
            %parallel_loop3A_591 = arith.constant 0 : i32
            %parallel_loop3A_592 = tpu.memref_slice %run_scoped3A[%rem3A_269, %parallel_loop3A_590, %parallel_loop3A_591] : memref<2x26x128xf32, #tpu.memory_space<vmem>> -> memref<1x26x128xf32, #tpu.memory_space<vmem>>
            %parallel_loop3A_593 = tpu.memref_squeeze %parallel_loop3A_592 : memref<1x26x128xf32, #tpu.memory_space<vmem>> -> memref<26x128xf32, #tpu.memory_space<vmem>>
            %parallel_loop3A_594 = arith.index_cast %parallel_loop3A_589 : i32 to index
            %parallel_loop3A_595 = arith.index_cast %parallel_loop3A_356 : i32 to index
            %parallel_loop3A_596 = tpu.vector_load %parallel_loop3A_593[%parallel_loop3A_594, %parallel_loop3A_595] {strides = array<i32>} : memref<26x128xf32, #tpu.memory_space<vmem>>, vector<16xf32>,
            %parallel_loop3A_597 = arith.maximumf %parallel_loop3A_588, %parallel_loop3A_596 : vector<16xf32>
            %parallel_loop3A_598 = arith.constant 5 : i32
            %parallel_loop3A_599 = arith.constant 0 : i32
            %parallel_loop3A_600 = arith.constant 0 : i32
            %parallel_loop3A_601 = tpu.memref_slice %run_scoped3A_40[%rem3A_271, %parallel_loop3A_599, %parallel_loop3A_600] : memref<2x6x128xf32, #tpu.memory_space<vmem>> -> memref<1x6x128xf32, #tpu.memory_space<vmem>>
            %parallel_loop3A_602 = tpu.memref_squeeze %parallel_loop3A_601 : memref<1x6x128xf32, #tpu.memory_space<vmem>> -> memref<6x128xf32, #tpu.memory_space<vmem>>
            %parallel_loop3A_603 = arith.index_cast %parallel_loop3A_598 : i32 to index
            %parallel_loop3A_604 = arith.index_cast %parallel_loop3A_356 : i32 to index
            %parallel_loop3A_605 = tpu.vector_load %parallel_loop3A_602[%parallel_loop3A_603, %parallel_loop3A_604] {strides = array<i32>} : memref<6x128xf32, #tpu.memory_space<vmem>>, vector<16xf32>,
            tpu.vector_store %parallel_loop3A_602[%parallel_loop3A_603, %parallel_loop3A_604], %parallel_loop3A_597 {strides = array<i32>} : memref<6x128xf32, #tpu.memory_space<vmem>>, vector<16xf32>,
          } {sc.loop_unroll_factor = 8 : i64, sc.parallel_access}
          "tpu.trace_stop"() : () -> ()
          %add3A_274 = arith.constant 7808 : i32
          %add3A_275 = arith.addi %add3A_186, %add3A_274 : i32
          %add3A_276 = arith.constant 7808 : i32
          %add3A_277 = arith.addi %add3A_204, %add3A_276 : i32
          %ne3A_278 = arith.cmpi ne, %add3A_275, %add3A_277 : i32
          %or3A_279 = arith.constant false
          %or3A_280 = arith.ori %or3A_279, %ne3A_278 : i1
          %or3A_281 = arith.ori %or3A_280, %eq3A_185 : i1
          %convert_element_type3A_282 = arith.extui %or3A_281 : i1 to i32
          %cond3A_283 = arith.constant 0 : i32
          %cond3A_284 = arith.cmpi ne, %convert_element_type3A_282, %cond3A_283 : i32
          scf.if %cond3A_284 {
          } else {
          }
          %and3A_285 = arith.constant false
          %and3A_286 = arith.andi %or3A_281, %and3A_285 : i1
          %add3A_287 = arith.constant 7808 : i32
          %add3A_288 = arith.addi %add3A_186, %add3A_287 : i32
          %add3A_289 = arith.constant 7808 : i32
          %add3A_290 = arith.addi %add3A_204, %add3A_289 : i32
          %ne3A_291 = arith.cmpi ne, %add3A_288, %add3A_290 : i32
          %or3A_292 = arith.constant false
          %or3A_293 = arith.ori %or3A_292, %ne3A_291 : i1
          %or3A_294 = arith.ori %or3A_293, %eq3A_185 : i1
          %convert_element_type3A_295 = arith.extui %or3A_294 : i1 to i32
          %cond3A_296 = arith.constant 0 : i32
          %cond3A_297 = arith.cmpi ne, %convert_element_type3A_295, %cond3A_296 : i32
          scf.if %cond3A_297 {
            "tpu.trace_start"() <{level = 10 : i32, message = "ep_copy_out"}> : () -> ()
            %rem3A_354 = arith.constant 2 : i32
            %rem3A_355 = arith.remui %while3A_176, %rem3A_354 : i32
            %add3A_356 = arith.constant 7808 : i32
            %add3A_357 = arith.addi %add3A_186, %add3A_356 : i32
            %mul3A_358 = arith.constant 128 : i32
            %mul3A_359 = arith.muli %mul3A_358, %add3A_357 : i32
            %eq3A_360 = arith.constant 7812 : i32
            %eq3A_361 = arith.cmpi eq, %add3A_357, %eq3A_360 : i32
            %jit3A_362 = arith.constant 128 : i32
            %jit3A_363 = arith.constant 128 : i32
            %select_n3A_364 = arith.select %eq3A_361, %jit3A_362, %jit3A_363 : i32
            %multiple_of3A_365 = tpu.assume_multiple %select_n3A_364, 128 : i32
            %mul3A_366 = arith.constant 128 : i32
            %mul3A_367 = arith.muli %add3A_357, %mul3A_366 : i32
            %dma_start3A_368 = arith.constant 0 : i32
            %dma_start3A_369 = arith.constant 0 : i32
            %dma_start3A_370 = tpu.memref_slice %run_scoped3A_40[%rem3A_355, %dma_start3A_368, %dma_start3A_369] <%multiple_of3A_365> : memref<2x6x128xf32, #tpu.memory_space<vmem>> -> memref<1x6x?xf32, #tpu.memory_space<vmem>>
            %dma_start3A_371 = tpu.memref_squeeze %dma_start3A_370 : memref<1x6x?xf32, #tpu.memory_space<vmem>> -> memref<6x?xf32, #tpu.memory_space<vmem>>
            %dma_start3A_372 = arith.constant 0 : i32
            %dma_start3A_373 = tpu.memref_slice %arg3[%dma_start3A_372, %mul3A_367] <%multiple_of3A_365> : memref<6x1000000xf32, #tpu.memory_space<hbm>> -> memref<6x?xf32, #tpu.memory_space<hbm>>
            %dma_start3A_374 = tpu.memref_slice %run_scoped3A_41[%rem3A_355] : memref<2x!tpu.dma_semaphore, #tpu.memory_space<semaphore_mem>> -> memref<1x!tpu.dma_semaphore, #tpu.memory_space<semaphore_mem>>
            %dma_start3A_375 = tpu.memref_squeeze %dma_start3A_374 : memref<1x!tpu.dma_semaphore, #tpu.memory_space<semaphore_mem>> -> memref<!tpu.dma_semaphore, #tpu.memory_space<semaphore_mem>>
            %dma_start3A_376 = arith.constant 0 : i32
            %dma_start3A_377 = tpu.memref_slice %arg3[%dma_start3A_376, %mul3A_367] <%multiple_of3A_365> : memref<6x1000000xf32, #tpu.memory_space<hbm>> -> memref<6x?xf32, #tpu.memory_space<hbm>>
            %dma_start3A_378 = arith.constant 0 : i32
            %dma_start3A_379 = arith.constant 0 : i32
            %dma_start3A_380 = tpu.memref_slice %run_scoped3A_40[%rem3A_355, %dma_start3A_378, %dma_start3A_379] <%multiple_of3A_365> : memref<2x6x128xf32, #tpu.memory_space<vmem>> -> memref<1x6x?xf32, #tpu.memory_space<vmem>>
            %dma_start3A_381 = tpu.memref_squeeze %dma_start3A_380 : memref<1x6x?xf32, #tpu.memory_space<vmem>> -> memref<6x?xf32, #tpu.memory_space<vmem>>
            tpu.enqueue_dma source(%dma_start3A_381 : memref<6x?xf32, #tpu.memory_space<vmem>>) target(%dma_start3A_377 : memref<6x?xf32, #tpu.memory_space<hbm>>) target_semaphore(%dma_start3A_375 : memref<!tpu.dma_semaphore, #tpu.memory_space<semaphore_mem>>)
            "tpu.trace_stop"() : () -> ()
          } else {
          }
          %and3A_298 = arith.constant true
          %and3A_299 = arith.andi %or3A_294, %and3A_298 : i1
          %add3A_300 = arith.constant 1 : i32
          %add3A_301 = arith.addi %while3A_176, %add3A_300 : i32
          %select_n3A_302 = arith.select %and3A_299, %add3A_301, %while3A_176 : i32
          %add3A_303 = arith.constant 7808 : i32
          %add3A_304 = arith.addi %add3A_186, %add3A_303 : i32
          %add3A_305 = arith.constant 7808 : i32
          %add3A_306 = arith.addi %add3A_196, %add3A_305 : i32
          %ne3A_307 = arith.cmpi ne, %add3A_304, %add3A_306 : i32
          %or3A_308 = arith.constant false
          %or3A_309 = arith.ori %or3A_308, %ne3A_307 : i1
          %not3A_310 = arith.constant true
          %not3A_311 = arith.xori %eq3A_182, %not3A_310 : i1
          %and3A_312 = arith.andi %or3A_309, %not3A_311 : i1
          %convert_element_type3A_313 = arith.extui %and3A_312 : i1 to i32
          %cond3A_314 = arith.constant 0 : i32
          %cond3A_315 = arith.cmpi ne, %convert_element_type3A_313, %cond3A_314 : i32
          scf.if %cond3A_315 {
          } else {
          }
          %and3A_316 = arith.constant false
          %and3A_317 = arith.andi %and3A_312, %and3A_316 : i1
          %add3A_318 = arith.constant 7808 : i32
          %add3A_319 = arith.addi %add3A_186, %add3A_318 : i32
          %add3A_320 = arith.constant 7808 : i32
          %add3A_321 = arith.addi %add3A_196, %add3A_320 : i32
          %ne3A_322 = arith.cmpi ne, %add3A_319, %add3A_321 : i32
          %or3A_323 = arith.constant false
          %or3A_324 = arith.ori %or3A_323, %ne3A_322 : i1
          %not3A_325 = arith.constant true
          %not3A_326 = arith.xori %eq3A_182, %not3A_325 : i1
          %and3A_327 = arith.andi %or3A_324, %not3A_326 : i1
          %convert_element_type3A_328 = arith.extui %and3A_327 : i1 to i32
          %cond3A_329 = arith.constant 0 : i32
          %cond3A_330 = arith.cmpi ne, %convert_element_type3A_328, %cond3A_329 : i32
          scf.if %cond3A_330 {
            "tpu.trace_start"() <{level = 10 : i32, message = "ep_wait_out"}> : () -> ()
            %rem3A_354 = arith.constant 2 : i32
            %rem3A_355 = arith.remui %while3A_177, %rem3A_354 : i32
            %add3A_356 = arith.constant 7808 : i32
            %add3A_357 = arith.addi %add3A_196, %add3A_356 : i32
            %mul3A_358 = arith.constant 128 : i32
            %mul3A_359 = arith.muli %mul3A_358, %add3A_357 : i32
            %eq3A_360 = arith.constant 7812 : i32
            %eq3A_361 = arith.cmpi eq, %add3A_357, %eq3A_360 : i32
            %jit3A_362 = arith.constant 128 : i32
            %jit3A_363 = arith.constant 128 : i32
            %select_n3A_364 = arith.select %eq3A_361, %jit3A_362, %jit3A_363 : i32
            %multiple_of3A_365 = tpu.assume_multiple %select_n3A_364, 128 : i32
            %mul3A_366 = arith.constant 128 : i32
            %mul3A_367 = arith.muli %add3A_357, %mul3A_366 : i32
            %dma_wait3A = arith.constant 0 : i32
            %dma_wait3A_368 = arith.constant 0 : i32
            %dma_wait3A_369 = tpu.memref_slice %run_scoped3A_40[%rem3A_355, %dma_wait3A, %dma_wait3A_368] <%multiple_of3A_365> : memref<2x6x128xf32, #tpu.memory_space<vmem>> -> memref<1x6x?xf32, #tpu.memory_space<vmem>>
            %dma_wait3A_370 = tpu.memref_squeeze %dma_wait3A_369 : memref<1x6x?xf32, #tpu.memory_space<vmem>> -> memref<6x?xf32, #tpu.memory_space<vmem>>
            %dma_wait3A_371 = arith.constant 0 : i32
            %dma_wait3A_372 = tpu.memref_slice %arg3[%dma_wait3A_371, %mul3A_367] <%multiple_of3A_365> : memref<6x1000000xf32, #tpu.memory_space<hbm>> -> memref<6x?xf32, #tpu.memory_space<hbm>>
            %dma_wait3A_373 = tpu.memref_slice %run_scoped3A_41[%rem3A_355] : memref<2x!tpu.dma_semaphore, #tpu.memory_space<semaphore_mem>> -> memref<1x!tpu.dma_semaphore, #tpu.memory_space<semaphore_mem>>
            %dma_wait3A_374 = tpu.memref_squeeze %dma_wait3A_373 : memref<1x!tpu.dma_semaphore, #tpu.memory_space<semaphore_mem>> -> memref<!tpu.dma_semaphore, #tpu.memory_space<semaphore_mem>>
            %dma_wait3A_375 = arith.constant 0 : i32
            %dma_wait3A_376 = tpu.memref_slice %arg3[%dma_wait3A_375, %mul3A_367] <%multiple_of3A_365> : memref<6x1000000xf32, #tpu.memory_space<hbm>> -> memref<6x?xf32, #tpu.memory_space<hbm>>
            %dma_wait3A_377 = arith.constant 0 : i32
            %dma_wait3A_378 = arith.constant 0 : i32
            %dma_wait3A_379 = tpu.memref_slice %run_scoped3A_40[%rem3A_355, %dma_wait3A_377, %dma_wait3A_378] <%multiple_of3A_365> : memref<2x6x128xf32, #tpu.memory_space<vmem>> -> memref<1x6x?xf32, #tpu.memory_space<vmem>>
            %dma_wait3A_380 = tpu.memref_squeeze %dma_wait3A_379 : memref<1x6x?xf32, #tpu.memory_space<vmem>> -> memref<6x?xf32, #tpu.memory_space<vmem>>
            tpu.wait_dma2 semaphore(%dma_wait3A_374 : memref<!tpu.dma_semaphore, #tpu.memory_space<semaphore_mem>>) src(%dma_wait3A_380 : memref<6x?xf32, #tpu.memory_space<vmem>>) dst(%dma_wait3A_376 : memref<6x?xf32, #tpu.memory_space<hbm>>)
            "tpu.trace_stop"() : () -> ()
          } else {
          }
          %and3A_331 = arith.constant true
          %and3A_332 = arith.andi %and3A_327, %and3A_331 : i1
          %add3A_333 = arith.constant 1 : i32
          %add3A_334 = arith.addi %while3A_177, %add3A_333 : i32
          %select_n3A_335 = arith.select %and3A_332, %add3A_334, %while3A_177 : i32
          %add3A_336 = arith.constant 7808 : i32
          %add3A_337 = arith.addi %add3A_186, %add3A_336 : i32
          %add3A_338 = arith.constant 7808 : i32
          %add3A_339 = arith.addi %add3A_204, %add3A_338 : i32
          %ne3A_340 = arith.cmpi ne, %add3A_337, %add3A_339 : i32
          %or3A_341 = arith.constant false
          %or3A_342 = arith.ori %or3A_341, %ne3A_340 : i1
          %or3A_343 = arith.ori %or3A_342, %eq3A_185 : i1
          %add3A_344 = arith.constant 1 : i32
          %add3A_345 = arith.addi %while3A_175, %add3A_344 : i32
          %select_n3A_346 = arith.select %or3A_343, %add3A_345, %while3A_175 : i32
          %add3A_347 = arith.constant 1 : i32
          %add3A_348 = arith.addi %while3A_178, %add3A_347 : i32
          %select_n3A_349 = arith.constant true
          %select_n3A_350 = arith.select %select_n3A_349, %add3A_348, %while3A_178 : i32
          %eq3A_351 = arith.cmpi eq, %select_n3A_350, %select_n3A_28 : i32
          %select_n3A_352 = arith.constant 0 : i32
          %select_n3A_353 = arith.select %eq3A_351, %select_n3A_352, %select_n3A_350 : i32
          scf.yield %select_n3A_230, %select_n3A_346, %select_n3A_302, %select_n3A_335, %select_n3A_353 : i32, i32, i32, i32, i32
        }
        %sub3A_122 = arith.constant 1 : i32
        %sub3A_123 = arith.subi %while3A_121#4, %sub3A_122 : i32
        %select_n3A_124 = arith.constant true
        %select_n3A_125 = arith.select %select_n3A_124, %sub3A_123, %while3A_121#4 : i32
        %eq3A_126 = arith.constant -1 : i32
        %eq3A_127 = arith.cmpi eq, %select_n3A_125, %eq3A_126 : i32
        %sub3A_128 = arith.constant 1 : i32
        %sub3A_129 = arith.subi %select_n3A_28, %sub3A_128 : i32
        %select_n3A_130 = arith.select %eq3A_127, %sub3A_129, %select_n3A_125 : i32
        %sub3A_131 = arith.constant 1 : i32
        %sub3A_132 = arith.subi %mul3A_38, %sub3A_131 : i32
        %mul3A_133 = arith.constant 1 : i32
        %mul3A_134 = arith.muli %mul3A_133, %select_n3A_28 : i32
        %eq3A_135 = arith.constant 0 : i32
        %eq3A_136 = arith.cmpi eq, %sub3A_132, %eq3A_135 : i32
        %sub3A_137 = arith.constant 1 : i32
        %sub3A_138 = arith.subi %mul3A_134, %sub3A_137 : i32
        %eq3A_139 = arith.cmpi eq, %sub3A_132, %sub3A_138 : i32
        %add3A_140 = arith.addi %select_n3A_130, %select_n3A_36 : i32
        %sub3A_141 = arith.constant 1 : i32
        %sub3A_142 = arith.subi %select_n3A_130, %sub3A_141 : i32
        %select_n3A_143 = arith.constant true
        %select_n3A_144 = arith.select %select_n3A_143, %sub3A_142, %select_n3A_130 : i32
        %eq3A_145 = arith.constant -1 : i32
        %eq3A_146 = arith.cmpi eq, %select_n3A_144, %eq3A_145 : i32
        %sub3A_147 = arith.constant 1 : i32
        %sub3A_148 = arith.subi %select_n3A_28, %sub3A_147 : i32
        %select_n3A_149 = arith.select %eq3A_146, %sub3A_148, %select_n3A_144 : i32
        %add3A_150 = arith.addi %select_n3A_149, %select_n3A_36 : i32
        %add3A_151 = arith.constant 1 : i32
        %add3A_152 = arith.addi %select_n3A_130, %add3A_151 : i32
        %select_n3A_153 = arith.constant true
        %select_n3A_154 = arith.select %select_n3A_153, %add3A_152, %select_n3A_130 : i32
        %eq3A_155 = arith.cmpi eq, %select_n3A_154, %select_n3A_28 : i32
        %select_n3A_156 = arith.constant 0 : i32
        %select_n3A_157 = arith.select %eq3A_155, %select_n3A_156, %select_n3A_154 : i32
        %add3A_158 = arith.addi %select_n3A_157, %select_n3A_36 : i32
        %add3A_159 = arith.constant 1 : i32
        %add3A_160 = arith.addi %select_n3A_157, %add3A_159 : i32
        %select_n3A_161 = arith.constant true
        %select_n3A_162 = arith.select %select_n3A_161, %add3A_160, %select_n3A_157 : i32
        %eq3A_163 = arith.cmpi eq, %select_n3A_162, %select_n3A_28 : i32
        %select_n3A_164 = arith.constant 0 : i32
        %select_n3A_165 = arith.select %eq3A_163, %select_n3A_164, %select_n3A_162 : i32
        %add3A_166 = arith.addi %select_n3A_165, %select_n3A_36 : i32
        %convert_element_type3A_167 = arith.extui %eq3A_139 : i1 to i32
        %cond3A_168 = arith.constant 0 : i32
        %cond3A_169 = arith.cmpi ne, %convert_element_type3A_167, %cond3A_168 : i32
        scf.if %cond3A_169 {
        } else {
        }
        %convert_element_type3A_170 = arith.extui %eq3A_139 : i1 to i32
        %cond3A_171 = arith.constant 0 : i32
        %cond3A_172 = arith.cmpi ne, %convert_element_type3A_170, %cond3A_171 : i32
        scf.if %cond3A_172 {
          "tpu.trace_start"() <{level = 10 : i32, message = "ep_finalize"}> : () -> ()
          %rem3A_173 = arith.constant 2 : i32
          %rem3A_174 = arith.remui %while3A_121#3, %rem3A_173 : i32
          %add3A_175 = arith.constant 7808 : i32
          %add3A_176 = arith.addi %add3A_140, %add3A_175 : i32
          %mul3A_177 = arith.constant 128 : i32
          %mul3A_178 = arith.muli %mul3A_177, %add3A_176 : i32
          %eq3A_179 = arith.constant 7812 : i32
          %eq3A_180 = arith.cmpi eq, %add3A_176, %eq3A_179 : i32
          %jit3A_181 = arith.constant 128 : i32
          %jit3A_182 = arith.constant 128 : i32
          %select_n3A_183 = arith.select %eq3A_180, %jit3A_181, %jit3A_182 : i32
          %multiple_of3A_184 = tpu.assume_multiple %select_n3A_183, 128 : i32
          %mul3A_185 = arith.constant 128 : i32
          %mul3A_186 = arith.muli %add3A_176, %mul3A_185 : i32
          %dma_wait3A = arith.constant 0 : i32
          %dma_wait3A_187 = arith.constant 0 : i32
          %dma_wait3A_188 = tpu.memref_slice %run_scoped3A_40[%rem3A_174, %dma_wait3A, %dma_wait3A_187] <%multiple_of3A_184> : memref<2x6x128xf32, #tpu.memory_space<vmem>> -> memref<1x6x?xf32, #tpu.memory_space<vmem>>
          %dma_wait3A_189 = tpu.memref_squeeze %dma_wait3A_188 : memref<1x6x?xf32, #tpu.memory_space<vmem>> -> memref<6x?xf32, #tpu.memory_space<vmem>>
          %dma_wait3A_190 = arith.constant 0 : i32
          %dma_wait3A_191 = tpu.memref_slice %arg3[%dma_wait3A_190, %mul3A_186] <%multiple_of3A_184> : memref<6x1000000xf32, #tpu.memory_space<hbm>> -> memref<6x?xf32, #tpu.memory_space<hbm>>
          %dma_wait3A_192 = tpu.memref_slice %run_scoped3A_41[%rem3A_174] : memref<2x!tpu.dma_semaphore, #tpu.memory_space<semaphore_mem>> -> memref<1x!tpu.dma_semaphore, #tpu.memory_space<semaphore_mem>>
          %dma_wait3A_193 = tpu.memref_squeeze %dma_wait3A_192 : memref<1x!tpu.dma_semaphore, #tpu.memory_space<semaphore_mem>> -> memref<!tpu.dma_semaphore, #tpu.memory_space<semaphore_mem>>
          %dma_wait3A_194 = arith.constant 0 : i32
          %dma_wait3A_195 = tpu.memref_slice %arg3[%dma_wait3A_194, %mul3A_186] <%multiple_of3A_184> : memref<6x1000000xf32, #tpu.memory_space<hbm>> -> memref<6x?xf32, #tpu.memory_space<hbm>>
          %dma_wait3A_196 = arith.constant 0 : i32
          %dma_wait3A_197 = arith.constant 0 : i32
          %dma_wait3A_198 = tpu.memref_slice %run_scoped3A_40[%rem3A_174, %dma_wait3A_196, %dma_wait3A_197] <%multiple_of3A_184> : memref<2x6x128xf32, #tpu.memory_space<vmem>> -> memref<1x6x?xf32, #tpu.memory_space<vmem>>
          %dma_wait3A_199 = tpu.memref_squeeze %dma_wait3A_198 : memref<1x6x?xf32, #tpu.memory_space<vmem>> -> memref<6x?xf32, #tpu.memory_space<vmem>>
          tpu.wait_dma2 semaphore(%dma_wait3A_193 : memref<!tpu.dma_semaphore, #tpu.memory_space<semaphore_mem>>) src(%dma_wait3A_199 : memref<6x?xf32, #tpu.memory_space<vmem>>) dst(%dma_wait3A_195 : memref<6x?xf32, #tpu.memory_space<hbm>>)
          "tpu.trace_stop"() : () -> ()
        } else {
        }
      } else {
      }
      tpu.yield
    }) : () -> ()
    return
  }
}

module attributes {stable_mosaic.version = 14 : i64} {
  func.func @_stitch_body(%arg0: i32, %arg1: memref<6x65536xf32, #tpu.memory_space<vmem>>, %arg2: memref<6x65536xf32, #tpu.memory_space<vmem>>, %arg3: memref<6x65536xf32, #tpu.memory_space<vmem>>) attributes {dimension_semantics = [#tpu.dimension_semantics<arbitrary>], iteration_bounds = array<i64: 6>, scalar_prefetch = 0 : i64, scratch_operands = 0 : i64, tpu.core_type = #tpu.core_type<tc>, window_params = [{transform_indices = @transform_0, window_bounds = array<i64: 6, 65536>}, {transform_indices = @transform_1, window_bounds = array<i64: 6, 65536>}, {transform_indices = @transform_2, window_bounds = array<i64: 6, 65536>}]} {
    %get3A = arith.constant 0 : index
    %get3A_0 = arith.constant 0 : index
    %get3A_1 = vector.load %arg2[%get3A, %get3A_0] : memref<6x65536xf32, #tpu.memory_space<vmem>>, vector<6x65536xf32>
    %swap3A = arith.constant 0 : index
    %swap3A_2 = arith.constant 0 : index
    %swap3A_3 = vector.load %arg3[%swap3A, %swap3A_2] : memref<6x65536xf32, #tpu.memory_space<vmem>>, vector<6x65536xf32>
    tpu.vector_store %arg3[%swap3A, %swap3A_2], %get3A_1 {strides = array<i32>} : memref<6x65536xf32, #tpu.memory_space<vmem>>, vector<6x65536xf32>,
    return
  }
  func.func @transform_0(%arg0: i32) -> (i32, i32) {
    %c0_i32 = arith.constant 0 : i32
    %c0_i32_0 = arith.constant 0 : i32
    return %c0_i32, %arg0 : i32, i32
  }
  func.func @transform_1(%arg0: i32) -> (i32, i32) {
    %c0_i32 = arith.constant 0 : i32
    %c0_i32_0 = arith.constant 0 : i32
    return %c0_i32, %arg0 : i32, i32
  }
  func.func @transform_2(%arg0: i32) -> (i32, i32) {
    %c0_i32 = arith.constant 0 : i32
    %c0_i32_0 = arith.constant 0 : i32
    return %c0_i32, %arg0 : i32, i32
  }
}

module attributes {stable_mosaic.version = 14 : i64} {
  func.func @_tc_body(%arg0: i32, %arg1: memref<26x65536xf32, #tpu.memory_space<vmem>>, %arg2: memref<6x65536xf32, #tpu.memory_space<vmem>>) attributes {dimension_semantics = [#tpu.dimension_semantics<arbitrary>], iteration_bounds = array<i64: 6>, scalar_prefetch = 0 : i64, scratch_operands = 0 : i64, tpu.core_type = #tpu.core_type<tc>, window_params = [{transform_indices = @transform_0, window_bounds = array<i64: 26, 65536>}, {transform_indices = @transform_1, window_bounds = array<i64: 6, 65536>}]} {
    %get3A = arith.constant 0 : index
    %get3A_0 = arith.constant 0 : index
    %get3A_1 = vector.load %arg1[%get3A, %get3A_0] : memref<26x65536xf32, #tpu.memory_space<vmem>>, vector<1x65536xf32>
    %get3A_2 = vector.shape_cast %get3A_1 : vector<1x65536xf32> to vector<65536xf32>
    %get3A_3 = arith.constant 1 : index
    %get3A_4 = arith.constant 0 : index
    %get3A_5 = vector.load %arg1[%get3A_3, %get3A_4] : memref<26x65536xf32, #tpu.memory_space<vmem>>, vector<1x65536xf32>
    %get3A_6 = vector.shape_cast %get3A_5 : vector<1x65536xf32> to vector<65536xf32>
    %max3A = arith.maximumf %get3A_2, %get3A_6 : vector<65536xf32>
    %get3A_7 = arith.constant 2 : index
    %get3A_8 = arith.constant 0 : index
    %get3A_9 = vector.load %arg1[%get3A_7, %get3A_8] : memref<26x65536xf32, #tpu.memory_space<vmem>>, vector<1x65536xf32>
    %get3A_10 = vector.shape_cast %get3A_9 : vector<1x65536xf32> to vector<65536xf32>
    %max3A_11 = arith.maximumf %max3A, %get3A_10 : vector<65536xf32>
    %get3A_12 = arith.constant 8 : index
    %get3A_13 = arith.constant 0 : index
    %get3A_14 = vector.load %arg1[%get3A_12, %get3A_13] : memref<26x65536xf32, #tpu.memory_space<vmem>>, vector<1x65536xf32>
    %get3A_15 = vector.shape_cast %get3A_14 : vector<1x65536xf32> to vector<65536xf32>
    %max3A_16 = arith.maximumf %max3A_11, %get3A_15 : vector<65536xf32>
    %get3A_17 = arith.constant 25 : index
    %get3A_18 = arith.constant 0 : index
    %get3A_19 = vector.load %arg1[%get3A_17, %get3A_18] : memref<26x65536xf32, #tpu.memory_space<vmem>>, vector<1x65536xf32>
    %get3A_20 = vector.shape_cast %get3A_19 : vector<1x65536xf32> to vector<65536xf32>
    %max3A_21 = arith.maximumf %max3A_16, %get3A_20 : vector<65536xf32>
    %swap3A = arith.constant 0 : index
    %swap3A_22 = arith.constant 0 : index
    %swap3A_23 = vector.load %arg2[%swap3A, %swap3A_22] : memref<6x65536xf32, #tpu.memory_space<vmem>>, vector<1x65536xf32>
    %swap3A_24 = vector.shape_cast %swap3A_23 : vector<1x65536xf32> to vector<65536xf32>
    %swap3A_25 = vector.shape_cast %max3A_21 : vector<65536xf32> to vector<1x65536xf32>
    tpu.vector_store %arg2[%swap3A, %swap3A_22], %swap3A_25 {strides = array<i32>} : memref<6x65536xf32, #tpu.memory_space<vmem>>, vector<1x65536xf32>,
    %get3A_26 = arith.constant 3 : index
    %get3A_27 = arith.constant 0 : index
    %get3A_28 = vector.load %arg1[%get3A_26, %get3A_27] : memref<26x65536xf32, #tpu.memory_space<vmem>>, vector<1x65536xf32>
    %get3A_29 = vector.shape_cast %get3A_28 : vector<1x65536xf32> to vector<65536xf32>
    %get3A_30 = arith.constant 24 : index
    %get3A_31 = arith.constant 0 : index
    %get3A_32 = vector.load %arg1[%get3A_30, %get3A_31] : memref<26x65536xf32, #tpu.memory_space<vmem>>, vector<1x65536xf32>
    %get3A_33 = vector.shape_cast %get3A_32 : vector<1x65536xf32> to vector<65536xf32>
    %max3A_34 = arith.maximumf %get3A_29, %get3A_33 : vector<65536xf32>
    %swap3A_35 = arith.constant 1 : index
    %swap3A_36 = arith.constant 0 : index
    %swap3A_37 = vector.load %arg2[%swap3A_35, %swap3A_36] : memref<6x65536xf32, #tpu.memory_space<vmem>>, vector<1x65536xf32>
    %swap3A_38 = vector.shape_cast %swap3A_37 : vector<1x65536xf32> to vector<65536xf32>
    %swap3A_39 = vector.shape_cast %max3A_34 : vector<65536xf32> to vector<1x65536xf32>
    tpu.vector_store %arg2[%swap3A_35, %swap3A_36], %swap3A_39 {strides = array<i32>} : memref<6x65536xf32, #tpu.memory_space<vmem>>, vector<1x65536xf32>,
    %get3A_40 = arith.constant 6 : index
    %get3A_41 = arith.constant 0 : index
    %get3A_42 = vector.load %arg1[%get3A_40, %get3A_41] : memref<26x65536xf32, #tpu.memory_space<vmem>>, vector<1x65536xf32>
    %get3A_43 = vector.shape_cast %get3A_42 : vector<1x65536xf32> to vector<65536xf32>
    %get3A_44 = arith.constant 7 : index
    %get3A_45 = arith.constant 0 : index
    %get3A_46 = vector.load %arg1[%get3A_44, %get3A_45] : memref<26x65536xf32, #tpu.memory_space<vmem>>, vector<1x65536xf32>
    %get3A_47 = vector.shape_cast %get3A_46 : vector<1x65536xf32> to vector<65536xf32>
    %max3A_48 = arith.maximumf %get3A_43, %get3A_47 : vector<65536xf32>
    %swap3A_49 = arith.constant 2 : index
    %swap3A_50 = arith.constant 0 : index
    %swap3A_51 = vector.load %arg2[%swap3A_49, %swap3A_50] : memref<6x65536xf32, #tpu.memory_space<vmem>>, vector<1x65536xf32>
    %swap3A_52 = vector.shape_cast %swap3A_51 : vector<1x65536xf32> to vector<65536xf32>
    %swap3A_53 = vector.shape_cast %max3A_48 : vector<65536xf32> to vector<1x65536xf32>
    tpu.vector_store %arg2[%swap3A_49, %swap3A_50], %swap3A_53 {strides = array<i32>} : memref<6x65536xf32, #tpu.memory_space<vmem>>, vector<1x65536xf32>,
    %get3A_54 = arith.constant 4 : index
    %get3A_55 = arith.constant 0 : index
    %get3A_56 = vector.load %arg1[%get3A_54, %get3A_55] : memref<26x65536xf32, #tpu.memory_space<vmem>>, vector<1x65536xf32>
    %get3A_57 = vector.shape_cast %get3A_56 : vector<1x65536xf32> to vector<65536xf32>
    %get3A_58 = arith.constant 9 : index
    %get3A_59 = arith.constant 0 : index
    %get3A_60 = vector.load %arg1[%get3A_58, %get3A_59] : memref<26x65536xf32, #tpu.memory_space<vmem>>, vector<1x65536xf32>
    %get3A_61 = vector.shape_cast %get3A_60 : vector<1x65536xf32> to vector<65536xf32>
    %max3A_62 = arith.maximumf %get3A_57, %get3A_61 : vector<65536xf32>
    %swap3A_63 = arith.constant 3 : index
    %swap3A_64 = arith.constant 0 : index
    %swap3A_65 = vector.load %arg2[%swap3A_63, %swap3A_64] : memref<6x65536xf32, #tpu.memory_space<vmem>>, vector<1x65536xf32>
    %swap3A_66 = vector.shape_cast %swap3A_65 : vector<1x65536xf32> to vector<65536xf32>
    %swap3A_67 = vector.shape_cast %max3A_62 : vector<65536xf32> to vector<1x65536xf32>
    tpu.vector_store %arg2[%swap3A_63, %swap3A_64], %swap3A_67 {strides = array<i32>} : memref<6x65536xf32, #tpu.memory_space<vmem>>, vector<1x65536xf32>,
    %get3A_68 = arith.constant 12 : index
    %get3A_69 = arith.constant 0 : index
    %get3A_70 = vector.load %arg1[%get3A_68, %get3A_69] : memref<26x65536xf32, #tpu.memory_space<vmem>>, vector<1x65536xf32>
    %get3A_71 = vector.shape_cast %get3A_70 : vector<1x65536xf32> to vector<65536xf32>
    %get3A_72 = arith.constant 13 : index
    %get3A_73 = arith.constant 0 : index
    %get3A_74 = vector.load %arg1[%get3A_72, %get3A_73] : memref<26x65536xf32, #tpu.memory_space<vmem>>, vector<1x65536xf32>
    %get3A_75 = vector.shape_cast %get3A_74 : vector<1x65536xf32> to vector<65536xf32>
    %max3A_76 = arith.maximumf %get3A_71, %get3A_75 : vector<65536xf32>
    %get3A_77 = arith.constant 14 : index
    %get3A_78 = arith.constant 0 : index
    %get3A_79 = vector.load %arg1[%get3A_77, %get3A_78] : memref<26x65536xf32, #tpu.memory_space<vmem>>, vector<1x65536xf32>
    %get3A_80 = vector.shape_cast %get3A_79 : vector<1x65536xf32> to vector<65536xf32>
    %max3A_81 = arith.maximumf %max3A_76, %get3A_80 : vector<65536xf32>
    %get3A_82 = arith.constant 15 : index
    %get3A_83 = arith.constant 0 : index
    %get3A_84 = vector.load %arg1[%get3A_82, %get3A_83] : memref<26x65536xf32, #tpu.memory_space<vmem>>, vector<1x65536xf32>
    %get3A_85 = vector.shape_cast %get3A_84 : vector<1x65536xf32> to vector<65536xf32>
    %max3A_86 = arith.maximumf %max3A_81, %get3A_85 : vector<65536xf32>
    %swap3A_87 = arith.constant 4 : index
    %swap3A_88 = arith.constant 0 : index
    %swap3A_89 = vector.load %arg2[%swap3A_87, %swap3A_88] : memref<6x65536xf32, #tpu.memory_space<vmem>>, vector<1x65536xf32>
    %swap3A_90 = vector.shape_cast %swap3A_89 : vector<1x65536xf32> to vector<65536xf32>
    %swap3A_91 = vector.shape_cast %max3A_86 : vector<65536xf32> to vector<1x65536xf32>
    tpu.vector_store %arg2[%swap3A_87, %swap3A_88], %swap3A_91 {strides = array<i32>} : memref<6x65536xf32, #tpu.memory_space<vmem>>, vector<1x65536xf32>,
    %get3A_92 = arith.constant 16 : index
    %get3A_93 = arith.constant 0 : index
    %get3A_94 = vector.load %arg1[%get3A_92, %get3A_93] : memref<26x65536xf32, #tpu.memory_space<vmem>>, vector<1x65536xf32>
    %get3A_95 = vector.shape_cast %get3A_94 : vector<1x65536xf32> to vector<65536xf32>
    %get3A_96 = arith.constant 17 : index
    %get3A_97 = arith.constant 0 : index
    %get3A_98 = vector.load %arg1[%get3A_96, %get3A_97] : memref<26x65536xf32, #tpu.memory_space<vmem>>, vector<1x65536xf32>
    %get3A_99 = vector.shape_cast %get3A_98 : vector<1x65536xf32> to vector<65536xf32>
    %max3A_100 = arith.maximumf %get3A_95, %get3A_99 : vector<65536xf32>
    %get3A_101 = arith.constant 18 : index
    %get3A_102 = arith.constant 0 : index
    %get3A_103 = vector.load %arg1[%get3A_101, %get3A_102] : memref<26x65536xf32, #tpu.memory_space<vmem>>, vector<1x65536xf32>
    %get3A_104 = vector.shape_cast %get3A_103 : vector<1x65536xf32> to vector<65536xf32>
    %max3A_105 = arith.maximumf %max3A_100, %get3A_104 : vector<65536xf32>
    %get3A_106 = arith.constant 19 : index
    %get3A_107 = arith.constant 0 : index
    %get3A_108 = vector.load %arg1[%get3A_106, %get3A_107] : memref<26x65536xf32, #tpu.memory_space<vmem>>, vector<1x65536xf32>
    %get3A_109 = vector.shape_cast %get3A_108 : vector<1x65536xf32> to vector<65536xf32>
    %max3A_110 = arith.maximumf %max3A_105, %get3A_109 : vector<65536xf32>
    %get3A_111 = arith.constant 20 : index
    %get3A_112 = arith.constant 0 : index
    %get3A_113 = vector.load %arg1[%get3A_111, %get3A_112] : memref<26x65536xf32, #tpu.memory_space<vmem>>, vector<1x65536xf32>
    %get3A_114 = vector.shape_cast %get3A_113 : vector<1x65536xf32> to vector<65536xf32>
    %max3A_115 = arith.maximumf %max3A_110, %get3A_114 : vector<65536xf32>
    %get3A_116 = arith.constant 21 : index
    %get3A_117 = arith.constant 0 : index
    %get3A_118 = vector.load %arg1[%get3A_116, %get3A_117] : memref<26x65536xf32, #tpu.memory_space<vmem>>, vector<1x65536xf32>
    %get3A_119 = vector.shape_cast %get3A_118 : vector<1x65536xf32> to vector<65536xf32>
    %max3A_120 = arith.maximumf %max3A_115, %get3A_119 : vector<65536xf32>
    %get3A_121 = arith.constant 22 : index
    %get3A_122 = arith.constant 0 : index
    %get3A_123 = vector.load %arg1[%get3A_121, %get3A_122] : memref<26x65536xf32, #tpu.memory_space<vmem>>, vector<1x65536xf32>
    %get3A_124 = vector.shape_cast %get3A_123 : vector<1x65536xf32> to vector<65536xf32>
    %max3A_125 = arith.maximumf %max3A_120, %get3A_124 : vector<65536xf32>
    %get3A_126 = arith.constant 23 : index
    %get3A_127 = arith.constant 0 : index
    %get3A_128 = vector.load %arg1[%get3A_126, %get3A_127] : memref<26x65536xf32, #tpu.memory_space<vmem>>, vector<1x65536xf32>
    %get3A_129 = vector.shape_cast %get3A_128 : vector<1x65536xf32> to vector<65536xf32>
    %max3A_130 = arith.maximumf %max3A_125, %get3A_129 : vector<65536xf32>
    %swap3A_131 = arith.constant 5 : index
    %swap3A_132 = arith.constant 0 : index
    %swap3A_133 = vector.load %arg2[%swap3A_131, %swap3A_132] : memref<6x65536xf32, #tpu.memory_space<vmem>>, vector<1x65536xf32>
    %swap3A_134 = vector.shape_cast %swap3A_133 : vector<1x65536xf32> to vector<65536xf32>
    %swap3A_135 = vector.shape_cast %max3A_130 : vector<65536xf32> to vector<1x65536xf32>
    tpu.vector_store %arg2[%swap3A_131, %swap3A_132], %swap3A_135 {strides = array<i32>} : memref<6x65536xf32, #tpu.memory_space<vmem>>, vector<1x65536xf32>,
    return
  }
  func.func @transform_0(%arg0: i32) -> (i32, i32) {
    %c0_i32 = arith.constant 0 : i32
    %c0_i32_0 = arith.constant 0 : i32
    return %c0_i32, %arg0 : i32, i32
  }
  func.func @transform_1(%arg0: i32) -> (i32, i32) {
    %c0_i32 = arith.constant 0 : i32
    %c0_i32_0 = arith.constant 0 : i32
    return %c0_i32, %arg0 : i32, i32
  }
}

</mosaic_0001>

<sc_bundles>
// kernel: kernel.5.cloned.1.call-start
scs
__scs_entry_jumppad:
0x0: {  	(pc) =	sbr.rel $0x88, $3  }
0x1: {  	(tag) =	ssettag $0x0;
	lr =	simm.s32 $0x1  }
0x2: {  	[smem:$0x3FA0] =	sst lr;
	_ =	strace $0xD0000000  }
0x3: {  	_ = 	snop  }
0x4: {  	_ = 	snop  }
0x5: {  	_ = 	snop  }
0x6: {  	_ = 	snop  }
0x7: {  	_ = 	snop  }
__scs_overlays_trampoline_lowered:
0x8: {  	[smem:$0x3FAF] =	sst s0  }
0x9: {  	[smem:$0x3FB0] =	sst s1  }
0xa: {  	[smem:$0x3FB1] =	sst s2  }
0xb: {  	[smem:$0x3FB2] =	sst s3  }
0xc: {  	[smem:$0x3FB3] =	sst s4  }
0xd: {  	[smem:$0x3FB4] =	sst s5  }
0xe: {  	[smem:$0x3FB5] =	sst s6  }
0xf: {  	[smem:$0x3FB6] =	sst s7  }
0x10: {  	[smem:$0x3FB7] =	sst s8  }
0x11: {  	[smem:$0x3FB8] =	sst s9;
	s0 =	simm.s32 @!p0 $0x0  }
0x12: {  	s1 =	sld [smem:$0x3F9E];
	s0 =	simm.s32 @p0 $0x1  }
0x13: {  	[smem:$0x3FB9] =	sst s0;
	s0 =	simm.s32 @!p1 $0x0  }
0x14: {  	s2 =	sld [smem:$0x3F9D];
	s0 =	simm.s32 @p1 $0x1  }
0x15: {  	[smem:$0x3FBA] =	sst s0;
	s0 =	simm.s32 @!p2 $0x0  }
0x16: {  	s3 =	sld [smem:$0x3FDB];
	s0 =	simm.s32 @p2 $0x1  }
0x17: {  	s4 =	simm.s32 $0x1BF5;
	[smem:$0x3FBC] =	sst s0  }
0x18: {  	s0 =	sld [smem:$0x3F9F];
	_ =	swait.ge [sflag:s4], $0x0  }
0x19: {  	s7 =	sld [smem:$0x3FA0]  }
0x1a: {  	s8 =	sadd.s32 $0xFFFFE003, lr  }
0x1b: {  	s9 =	sadd.s32 $0xFFFFFEF7, lr;
	s5 =	simm.s32 $0xFFFFFFFF;
	p2 =	slt.u32 s8, $0xFFFFF086  }
0x1c: {  	p1 =	slt.u32 s9, $0xF7A;
	s5 =	simm.s32 @!p2 $0x0  }
0x1d: {  	s5 =	simm.s32 @p1 $0x1;
	p0 =	seq.s32 s7, s2  }
0x1e: {  	s7 =	smul.u32 @!p0 $0xF7A, s2;
	p2 =	seq.s32 @!p0 s5, $0x0  }
0x1f: {  	s9 =	smul.u32 $0xF7A, s1;
	s8 =	simm.s32 @!p0 $0x1BF5;
	p2 =	por !p2, p0  }
0x20: {  	[sflag:s8] =	ssyncset.s32 @!p0 $0xFFFFF086;
	s6 =	sadd.s32 @!p0 s3, s7;
	s7 =	simm.s32 @!p0 $0x108  }
0x21: {  	s3 =	sadd.s32 s3, s9;
	s6 =	sadd.s32 @!p0 $0x88, s6;
	s7 =	simm.s32 @p2 $0x1082  }
0x22: {  	[simem:s7], [sflag:s8] =	dma.local @!p0 [hbm:s6], $0xF7A  }
0x23: {  	s9 =	sor.u32 $0xD0000000, s2;
	s6 =	simm.s32 $0x108;
	_ =	swait.ge @!p0 [sflag:s8], $0x0  }
0x24: {  	s3 =	sadd.s32 $0x88, s3;
	s6 =	simm.s32 @!p1 $0x1082;
	[sflag:s4] =	ssyncset.s32 $0xFFFFF086  }
0x25: {  	[simem:s6], [sflag:s4] =	dma.local [hbm:s3], $0xF7A  }
0x26: {  	[smem:$0x3FA0] =	sst s1;
	(tag) =	ssettag s2;
	_ =	strace s9  }
0x27: {  	s1 =	sld [smem:$0x3FB0]  }
0x28: {  	s2 =	sld [smem:$0x3FB1]  }
0x29: {  	s4 =	sld [smem:$0x3FB3]  }
0x2a: {  	p0 =	seq.s32 s5, $0x0;
	s5 =	sld [smem:$0x3FB4]  }
0x2b: {  	s6 =	sld [smem:$0x3FB5]  }
0x2c: {  	s7 =	sld [smem:$0x3FB6]  }
0x2d: {  	s3 =	simm.s32 $0x108;
	s8 =	sld [smem:$0x3FB7]  }
0x2e: {  	s3 =	simm.s32 @!p0 $0x1082;
	s9 =	sld [smem:$0x3FB8]  }
0x2f: {  	lr =	sadd.s32 s0, s3;
	s0 =	sld [smem:$0x3FAF]  }
0x30: {  	s3 =	sld [smem:$0x3FB2]  }
0x31: {  	[smem:$0x3FBB] =	sst s10  }
0x32: {  	s10 =	sld [smem:$0x3FB9];
	_ =	sdelay $0x3  }
0x33: {  	p0 =	seq.s32 s10, $0x1;
	s10 =	sld [smem:$0x3FBB];
	_ =	sdelay $0x3  }
0x34: {  	[smem:$0x3FBB] =	sst s10  }
0x35: {  	s10 =	sld [smem:$0x3FBA];
	_ =	sdelay $0x3  }
0x36: {  	p1 =	seq.s32 s10, $0x1;
	s10 =	sld [smem:$0x3FBB];
	_ =	sdelay $0x3  }
0x37: {  	[smem:$0x3FBB] =	sst s10  }
0x38: {  	s10 =	sld [smem:$0x3FBC]  }
0x39: {  	_ = 	snop;
	(pc) =	sbr.ind lr, $3  }
0x3a: {  	_ = 	snop  }
0x3b: {  	_ = 	snop  }
0x3c: {  	p2 =	seq.s32 s10, $0x1;
	s10 =	sld [smem:$0x3FBB]  }
0x3d: {  	_ =	shalt  }
0x3e: {  	_ =	shalt  }
0x3f: {  	_ =	shalt  }
0x40: {  	_ =	shalt  }
0x41: {  	_ =	shalt  }
0x42: {  	_ =	shalt  }
0x43: {  	_ =	shalt  }
0x44: {  	_ =	shalt  }
0x45: {  	_ =	shalt  }
0x46: {  	_ =	shalt  }
0x47: {  	_ =	shalt  }
0x48: {  	_ =	shalt  }
0x49: {  	_ =	shalt  }
0x4a: {  	_ =	shalt  }
0x4b: {  	_ =	shalt  }
0x4c: {  	_ =	shalt  }
0x4d: {  	_ =	shalt  }
0x4e: {  	_ =	shalt  }
0x4f: {  	_ =	shalt  }
0x50: {  	_ =	shalt  }
0x51: {  	_ =	shalt  }
0x52: {  	_ =	shalt  }
0x53: {  	_ =	shalt  }
0x54: {  	_ =	shalt  }
0x55: {  	_ =	shalt  }
0x56: {  	_ =	shalt  }
0x57: {  	_ =	shalt  }
0x58: {  	_ =	shalt  }
0x59: {  	_ =	shalt  }
0x5a: {  	_ =	shalt  }
0x5b: {  	_ =	shalt  }
0x5c: {  	_ =	shalt  }
0x5d: {  	_ =	shalt  }
0x5e: {  	_ =	shalt  }
0x5f: {  	_ =	shalt  }
0x60: {  	_ =	shalt  }
0x61: {  	_ =	shalt  }
0x62: {  	_ =	shalt  }
0x63: {  	_ =	shalt  }
0x64: {  	_ =	shalt  }
0x65: {  	_ =	shalt  }
0x66: {  	_ =	shalt  }
0x67: {  	_ =	shalt  }
0x68: {  	_ =	shalt  }
0x69: {  	_ =	shalt  }
0x6a: {  	_ =	shalt  }
0x6b: {  	_ =	shalt  }
0x6c: {  	_ =	shalt  }
0x6d: {  	_ =	shalt  }
0x6e: {  	_ =	shalt  }
0x6f: {  	_ =	shalt  }
0x70: {  	_ =	shalt  }
0x71: {  	_ =	shalt  }
0x72: {  	_ =	shalt  }
0x73: {  	_ =	shalt  }
0x74: {  	_ =	shalt  }
0x75: {  	_ =	shalt  }
0x76: {  	_ =	shalt  }
0x77: {  	_ =	shalt  }
0x78: {  	_ =	shalt  }
0x79: {  	_ =	shalt  }
0x7a: {  	_ =	shalt  }
0x7b: {  	_ =	shalt  }
0x7c: {  	_ =	shalt  }
0x7d: {  	_ =	shalt  }
0x7e: {  	_ =	shalt  }
0x7f: {  	_ =	shalt  }
0x80: {  	_ =	shalt  }
0x81: {  	_ =	shalt  }
0x82: {  	_ =	shalt  }
0x83: {  	_ =	shalt  }
0x84: {  	_ =	shalt  }
0x85: {  	_ =	shalt  }
0x86: {  	_ =	shalt  }
0x87: {  	_ =	shalt  }
.Lfunc_end0:
.L_simem_size_0:
called_computation_lowered:
.L_overlay_start_0:
0x88: {  	s2 =	sld [smem:$0x3FD9]  }
0x89: {  	s3 =	sld [smem:$0x3FFE];
	_ =	sdelay $0x1  }
0x8a: {  	s1 =	srdreg.scid  }
0x8b: {  	s0 =	sand.u32 $0x1, s1  }
0x8c: {  	s18 =	sshll.u32 s0, $0xA;
	s2 =	sadd.s32 s3, s2  }
0x8d: {  	s2 =	sadd.s32 s2, s18  }
0x8e: {  	[smem:$0x3FC7] =	sst s2  }
0x8f: {  	_ = 	snop  }
0x90: {  	s2 =	sld [smem:$0x3FC9]  }
0x91: {  	s19 =	sld [smem:$0x3FD0];
	(tm) =	ssettm $0x1  }
0x92: {  	s4 =	sld [smem:$0x3FFB];
	_ =	sdelay $0x3  }
0x93: {  	_ =	strace s4  }
0x94: {  	s4 =	sld [smem:$0x3FFC];
	_ =	sdelay $0x3  }
0x95: {  	_ =	strace s4  }
0x96: {  	s4 =	sld [smem:$0x3FFD];
	_ =	sdelay $0x3  }
0x97: {  	_ =	strace s4  }
0x98: {  	_ =	strace $0x8FFFFFFF  }
0x99: {  	s20 =	sld [smem:$0x3FDB];
	_ =	sdelay $0x1  }
0x9a: {  	s5 =	simm.s32 $_scs_section_size  }
0x9b: {  	s6 =	simm.s32 $_size__tile_overlayer_lowered;
	s7 =	simm.s32 $_tile_overlayer_lowered  }
0x9c: {  	s23 =	simm.s32 $0x1BFF;
	s22 =	sshll.u32 s7, $0x1;
	s4 =	sadd.s32 s5, s20  }
0x9d: {  	s8 =	simm.s32 $0x0;
	s21 =	sshll.u32 s6, $0x1;
	s6 =	sadd.s32 s22, s4  }
0x9e: {  	[timem:s8], [sflag:s23] =	dma.local [hbm:s6], s21  }
0x9f: {  	_ =	swait.ge [sflag:s23], s21  }
0xa0: {  	s5 =	ssub.s32 $0x0, s21;
	[sflag:s23] =	ssyncset.done $0x0  }
0xa1: {  	[sflag:s23] =	ssyncadd.s32 s5;
	_ =	sdelay $0x1  }
0xa2: {  	s24 =	simm.s32 $0x1B8B  }
0xa3: {  	_ =	swait.ge [sflag:s24], $0x1  }
0xa4: {  	[sflag:s24] =	ssyncset.done $0x0  }
0xa5: {  	s25 =	simm.s32 $0x1B8E;
	[sflag:s24] =	ssyncadd.s32 $0xFFFFFFFF  }
0xa6: {  	s26 =	simm.s32 $execute0_lowered;
	[smem:$0x3FD2] =	sst s25  }
0xa7: {  	s5 =	sshll.u32 s26, $0x1;
	_ =	strace $0x80000046;
	[dreg:$0x1] =	wrdreg $0xFFFFFFFF  }
0xa8: {  	s28 =	simm.s32 $_size_execute0_lowered;
	s4 =	sadd.s32 s4, s5;
	[dreg:$0x0] =	wrdreg $0x0  }
0xa9: {  	s5 =	sshll.u32 s28, $0x1;
	[dreg:$0x2] =	wrdreg s4  }
0xaa: {  	[dreg:$0x3] =	wrdreg s5  }
0xab: {  	[dreg:$0x4] =	wrdreg $0xC0  }
0xac: {  	_ =	task [dreg:s8], $0x5FFFF  }
0xad: {  	[dreg:$0x1] =	wrdreg $0xFFFFFFFF  }
0xae: {  	[dreg:$0x0] =	wrdreg $0x60  }
0xaf: {  	[dreg:$0x2] =	wrdreg s2  }
0xb0: {  	[dreg:$0x3] =	wrdreg s19  }
0xb1: {  	[dreg:$0x4] =	wrdreg $0x9  }
0xb2: {  	_ =	task.clear_ibuf [dreg:s8], $0x5FFFF;
	_ =	strace $0x90000046  }
0xb3: {  	s29 =	simm.s32 $0x9;
	_ =	strace $0x80000056  }
0xb4: {  	_ =	swait.ge [sflag:s29], $0x1  }
0xb5: {  	[sflag:s29] =	ssyncadd.s32 $0xFFFFFFFF  }
0xb6: {  	_ =	strace $0x90000056  }
0xb7: {  	_ =	sfence  }
0xb8: {  	s30 =	sld [smem:$0x0];
	_ =	sdelay $0x2  }
0xb9: {  	s31 =	sshll.u32 s1, $0xD;
	s1 =	sshrl.u32 s1, $0x2  }
0xba: {  	s3 =	sand.u32 $0x4000, s31;
	s1 =	sadd.s32 s1, s30  }
0xbb: {  	s0 =	sor.u32 s3, s0;
	s1 =	sshll.u32 s1, $0x11  }
0xbc: {  	s0 =	sor.u32 s1, s0  }
0xbd: {  	s0 =	sadd.s32 $0x8F2B, s0  }
0xbe: {  	[sflag:s0] =	ssyncadd.remote.s32 $0x1  }
0xbf: {  	_ =	sfence.sel $0xFFFF  }
0xc0: {  	[dreg:$0x0] =	wrdreg $0xFFFFFFFF;
	(pc) =	sbr.abs _section_cstart, $3  }
0xc1: {  	[dreg:$0x1] =	wrdreg $0xFFFFFFFF  }
0xc2: {  	_ =	task.clear_ibuf [dreg:s8], $0x2FFFF;
	_ =	strace $0x9FFFFFFF  }
0xc3: {  	(tm) =	ssettm $0x7FFFFFFF  }
tec
execute0_lowered:
.L_overlay_start_1:
0x0: {  	(tag) =	ssettag $0x1  }
0x1: {  	s0 =	srdreg.scid;
	s3 =	rddreg [dreg:$0x1];
	s5 =	simm.s32 $0x0  }
0x2: {  	s2 =	stileid.u32;
	s0 =	sand.u32 $0x1, s0;
	[smem:$0x7FF] =	sst s5  }
0x3: {  	s1 =	sshll.u32 s0, $0x4;
	p0 =	seq.s32 s0, $0x0;
	s7 =	ssub.s32 $0x2, s0  }
0x4: {  	s1 =	sor.u32 s2, s1;
	s2 =	rddreg [dreg:$0x0];
	s23 =	sshrl.u32 s7, $0x1  }
0x5: {  	_ =	strace $0x80000047;
	s4 =	smul.u32 $0x12, s1;
	s9 =	smin.u32 s1, $0x5  }
0x6: {  	s6 =	smul.u32 $0x13, s1;
	s13 =	ssub.s32 s7, s23;
	s25 =	sshll.u32 s9, $0x7  }
0x7: {  	s28 =	smax.u32 s13, $0x1;
	s4 =	sadd.s32 $0x10, s4;
	s11 =	sadd.s32 s25, s2  }
0x8: {  	[dreg:$0x6] =	wrdreg s28;
	s4 =	smov.u32 @p0 s6;
	s6 =	sxor.u32 $0x13, s0  }
0x9: {  	s26 =	sadd.s32 $0xF4000, s11;
	s8 =	sshll.u32 s4, $0xA;
	s10 =	sadd.s32 $0xFFFFFFFF, s4  }
0xa: {  	[dreg:$0x4] =	wrdreg s26;
	s24 =	sadd.s32 $0x60000, s8;
	s8 =	ssub.s32 $0x12, s0  }
0xb: {  	s0 =	sadd.s32 s25, s3;
	[dreg:$0x3] =	wrdreg s10;
	s7 =	sand.u32 $0x1FFFFC00, s24  }
.Ltmp0:
0xc: {  	s0 =	sadd.s32 $0xF4000, s0;
	s7 =	sadd.s32 s2, s7;
	(pc) =	sbr.rel .LBB2_1-.Ltmp0, $4  }
0xd: {  	[dreg:$0x5] =	wrdreg s0;
	s29 =	sadd.s32 $0xF4280, s7  }
0xe: {  	s30 =	sadd.s32 $0x1E8500, s7;
	[dreg:$0x7] =	wrdreg s29  }
0xf: {  	p0 =	sgt.u32 s1, $0x4;
	s31 =	sadd.s32 $0x2DC780, s7;
	[dreg:$0x8] =	wrdreg s30  }
0x10: {  	s9 =	sadd.s32 $0x180, s4;
	s26 =	simm.s32 $0x0;
	[dreg:$0x9] =	wrdreg s31  }
.LBB2_9:
0x11: {  	s26 =	sadd.s32 $0x1, s26;
	s0 =	rddreg [dreg:$0x6]  }
0x12: {  	p1 =	sne.s32 s26, s0  }
.Ltmp1:
0x13: {  	_ = 	snop;
	(pc) =	sbr.rel @!p1 .LBB2_10-.Ltmp1, $1  }
0x14: {  	_ =	sdelay $0x3  }
.LBB2_1:
0x15: {  	_ =	strace $0x80000048;
	s1 =	simm.s32 $0x2000  }
0x16: {  	[tilespmem:s5], [sflag:$0x1] =	stream.linear.gather [hbm4b:s7+s5], $0x2000, $0x200038;
	[tilespmem:$0x14000] =	vst v63  }
0x17: {  	s23 =	simm.s32 $0x4000;
	s25 =	simm.s32 $0x6000;
	s0 =	rddreg [dreg:$0x7]  }
0x18: {  	[tilespmem:s1], [sflag:$0x1] =	stream.linear.gather [hbm4b:s0+s5], $0x2000, $0x200038;
	[tilespmem:$0x14000] =	vst v63  }
0x19: {  	s31 =	simm.s32 $0x0;
	s28 =	simm.s32 $0x0;
	s22 =	rddreg [dreg:$0x8]  }
0x1a: {  	[tilespmem:s23], [sflag:$0x1] =	stream.linear.gather [hbm4b:s22+s5], $0x2000, $0x200038;
	[tilespmem:$0x14000] =	vst v63  }
0x1b: {  	s29 =	simm.s32 $0x0;
	s30 =	simm.s32 $0x0;
	s24 =	rddreg [dreg:$0x9]  }
0x1c: {  	[tilespmem:s25], [sflag:$0x1] =	stream.linear.gather [hbm4b:s24+s5], $0x2000, $0x200038;
	[tilespmem:$0x14000] =	vst v63  }
0x1d: {  	s1 =	simm.s32 $0x1;
	s0 =	simm.s32 $0x0;
	_ =	strace $0x90000048  }
.LBB2_2:
0x1e: {  	s23 =	sadd.s32 $0x1, s31  }
0x1f: {  	p1 =	seq.s32 s23, s6  }
0x20: {  	s23 =	simm.s32 @p1 $0x0  }
0x21: {  	p2 =	slt.u32 s0, s8;
	p1 =	sne.s32 s31, s23  }
0x22: {  	p2 =	por !p2, !p1  }
0x23: {  	p2 =	por !p2, !p2  }
0x24: {  	s16 =	sadd.s32 @p2 s23, s9  }
0x25: {  	_ =	strace @p2 $0x80000049;
	s17 =	sand.u32 @p2 $0x1, s1;
	s20 =	simm.s32 @p2 $0x1400  }
0x26: {  	s22 =	simm.s32 @p2 $0x0;
	p3 =	seq.s32 @p2 s16, $0x3D0;
	s16 =	sshll.u32 @p2 s16, $0xA  }
0x27: {  	s19 =	sadd.s32 @p2 $0x1, s17;
	s16 =	sand.u32 @p2 $0x1FFFFC00, s16;
	p3 =	por !p3, !p2  }
0x28: {  	s17 =	sshll.u32 @p2 s17, $0xF;
	s21 =	sadd.s32 @p2 s2, s16;
	s20 =	simm.s32 @p3 $0x2000  }
0x29: {  	[tilespmem:s17], [sflag:s19] =	stream.linear.gather @p2 [hbm4b:s21+s22], s20, $0x200038;
	[tilespmem:$0x14000] =	vst v63  }
0x2a: {  	s24 =	sor.u32 @p2 $0x2000, s17;
	s16 =	sadd.s32 @p2 $0xF4280, s21  }
0x2b: {  	[tilespmem:s24], [sflag:s19] =	stream.linear.gather @p2 [hbm4b:s16+s22], s20, $0x200038;
	[tilespmem:$0x14000] =	vst v63  }
0x2c: {  	p3 =	seq.s32 s31, $0x0;
	s16 =	sadd.s32 $0xFFFFFFFF, s31  }
0x2d: {  	s16 =	smov.u32 @p3 s8;
	p3 =	seq.s32 s0, $0x0  }
0x2e: {  	p4 =	seq.s32 @!p3 s31, s16  }
0x2f: {  	p3 =	por p3, !p4  }
.Ltmp2:
0x30: {  	s25 =	sor.u32 @p2 $0x4000, s17;
	s24 =	sadd.s32 @p2 $0x1E8500, s21;
	(pc) =	sbr.rel @!p3 .LBB2_4-.Ltmp2, $4  }
0x31: {  	[tilespmem:s25], [sflag:s19] =	stream.linear.gather @p2 [hbm4b:s24+s22], s20, $0x200038;
	[tilespmem:$0x14000] =	vst v63  }
0x32: {  	s17 =	sor.u32 @p2 $0x6000, s17;
	s21 =	sadd.s32 @p2 $0x2DC780, s21  }
0x33: {  	[tilespmem:s17], [sflag:s19] =	stream.linear.gather @p2 [hbm4b:s21+s22], s20, $0x200038;
	[tilespmem:$0x14000] =	vst v63  }
0x34: {  	s19 =	sadd.s32 s31, s9;
	_ =	strace @p2 $0x90000049  }
0x35: {  	s17 =	sand.u32 $0x1, s30;
	p3 =	seq.s32 s19, $0x3D0;
	s20 =	simm.s32 $0x5000  }
0x36: {  	_ =	strace $0x8000004A;
	s17 =	sadd.s32 $0x1, s17;
	s20 =	simm.s32 @!p3 $0x8000  }
0x37: {  	s21 =	simm.s32 $0xFFFFB000;
	_ =	swait.ge [sflag:s17], s20  }
0x38: {  	s21 =	simm.s32 @!p3 $0xFFFF8000;
	[sflag:s17] =	ssyncset.done $0x0  }
0x39: {  	[sflag:s17] =	ssyncadd.s32 s21  }
0x3a: {  	_ =	strace $0x9000004A  }
.LBB2_4:
0x3b: {  	s22 =	sshll.u32 s30, $0xF  }
0x3c: {  	s25 =	sand.u32 $0x8000, s22  }
0x3d: {  	s21 =	sand.u32 $0x1, s29;
	v0 =	vmov s25  }
0x3e: {  	s20 =	simm.s32 $0x1;
	s24 =	sshll.u32 s21, $0xD  }
0x3f: {  	s17 =	sadd.s32 s4, s16;
	s20 =	simm.s32 @!p2 $0x0;
	s22 =	sor.u32 $0x10000, s24  }
0x40: {  	_ =	strace $0x8000004B;
	s1 =	sadd.s32 s20, s1;
	s24 =	simm.s32 $0x0;
	v1 =	vmov s22  }
.LBB2_5:
0x41: {  	s20 =	sshll.u32 s24, $0x7  }
0x42: {  	v2 =	vld.idx.msk [tilespmem:v0+s20+$0x0 ss:$0x1], $0xffff;
	s25 =	sor.u32 $0x80, s20  }
0x43: {  	s10 =	sor.u32 $0x100, s20;
	v3 =	vld.idx.msk [tilespmem:v0+s25+$0x0 ss:$0x1], $0xffff  }
0x44: {  	v4 =	vld.idx.msk [tilespmem:v0+s10+$0x0 ss:$0x1], $0xffff  }
0x45: {  	v5 =	vld.idx.msk [tilespmem:v0+s20+$0x2000 ss:$0x1], $0xffff  }
0x46: {  	v6 =	vld.idx.msk [tilespmem:v0+s20+$0x6080 ss:$0x1], $0xffff;
	_ =	sdelay $0x1  }
0x47: {  	v2 =	vmax.f32 v2, v3  }
0x48: {  	v2 =	vmax.f32 v2, v4  }
0x49: {  	v2 =	vmax.f32 v2, v5  }
0x4a: {  	v2 =	vmax.f32 v2, v6  }
0x4b: {  	s11 =	sor.u32 $0x180, s20;
	[tilespmem:v1+s20+$0x0 ss:$0x1] =	vst.idx.msk $0xffff, v2  }
0x4c: {  	v2 =	vld.idx.msk [tilespmem:v0+s11+$0x0 ss:$0x1], $0xffff  }
0x4d: {  	v3 =	vld.idx.msk [tilespmem:v0+s20+$0x6000 ss:$0x1], $0xffff;
	_ =	sdelay $0x4  }
0x4e: {  	v2 =	vmax.f32 v2, v3  }
0x4f: {  	[tilespmem:v1+s25+$0x0 ss:$0x1] =	vst.idx.msk $0xffff, v2  }
0x50: {  	v2 =	vld.idx.msk [tilespmem:v0+s20+$0x300 ss:$0x1], $0xffff  }
0x51: {  	v3 =	vld.idx.msk [tilespmem:v0+s20+$0x380 ss:$0x1], $0xffff;
	_ =	sdelay $0x4  }
0x52: {  	s18 =	sor.u32 $0x10, s20;
	v2 =	vmax.f32 v2, v3  }
0x53: {  	s15 =	sor.u32 $0x200, s20;
	v59 =	vld.idx.msk [tilespmem:v0+s18+$0x0 ss:$0x1], $0xffff;
	[tilespmem:v1+s10+$0x0 ss:$0x1] =	vst.idx.msk $0xffff, v2  }
0x54: {  	v2 =	vld.idx.msk [tilespmem:v0+s15+$0x0 ss:$0x1], $0xffff  }
0x55: {  	s12 =	sor.u32 $0x90, s20;
	v3 =	vld.idx.msk [tilespmem:v0+s20+$0x2080 ss:$0x1], $0xffff  }
0x56: {  	s13 =	sor.u32 $0x110, s20;
	v60 =	vld.idx.msk [tilespmem:v0+s12+$0x0 ss:$0x1], $0xffff  }
0x57: {  	v61 =	vld.idx.msk [tilespmem:v0+s13+$0x0 ss:$0x1], $0xffff  }
0x58: {  	v7 =	vld.idx.msk [tilespmem:v0+s20+$0x2010 ss:$0x1], $0xffff  }
0x59: {  	v8 =	vld.idx.msk [tilespmem:v0+s20+$0x6090 ss:$0x1], $0xffff  }
0x5a: {  	v2 =	vmax.f32 v2, v3  }
0x5b: {  	v10 =	vld.idx.msk [tilespmem:v0+s20+$0x2020 ss:$0x1], $0xffff;
	[tilespmem:v1+s11+$0x0 ss:$0x1] =	vst.idx.msk $0xffff, v2;
	v2 =	vmax.f32 v59, v60  }
0x5c: {  	v11 =	vld.idx.msk [tilespmem:v0+s20+$0x60A0 ss:$0x1], $0xffff;
	v2 =	vmax.f32 v2, v61  }
0x5d: {  	v28 =	vld.idx.msk [tilespmem:v0+s20+$0x2030 ss:$0x1], $0xffff;
	v2 =	vmax.f32 v2, v7  }
0x5e: {  	v3 =	vld.idx.msk [tilespmem:v0+s20+$0x2200 ss:$0x1], $0xffff;
	v2 =	vmax.f32 v2, v8  }
0x5f: {  	s11 =	sor.u32 $0x190, s20;
	v62 =	vld.idx.msk [tilespmem:v0+s20+$0x2280 ss:$0x1], $0xffff;
	[tilespmem:v1+s18+$0x0 ss:$0x1] =	vst.idx.msk $0xffff, v2  }
0x60: {  	v13 =	vld.idx.msk [tilespmem:v0+s11+$0x0 ss:$0x1], $0xffff  }
0x61: {  	v14 =	vld.idx.msk [tilespmem:v0+s20+$0x6010 ss:$0x1], $0xffff  }
0x62: {  	v63 =	vld.idx.msk [tilespmem:v0+s20+$0x2300 ss:$0x1], $0xffff  }
0x63: {  	v12 =	vld.idx.msk [tilespmem:v0+s20+$0x2380 ss:$0x1], $0xffff  }
0x64: {  	v55 =	vld.idx.msk [tilespmem:v0+s20+$0x2070 ss:$0x1], $0xffff  }
0x65: {  	s14 =	sor.u32 $0x20, s20;
	v56 =	vld.idx.msk [tilespmem:v0+s20+$0x60F0 ss:$0x1], $0xffff  }
0x66: {  	v17 =	vld.idx.msk [tilespmem:v0+s14+$0x0 ss:$0x1], $0xffff;
	s25 =	sor.u32 $0x120, s20;
	v2 =	vmax.f32 v3, v62;
	v15 =	vmax.f32 v13, v14  }
0x67: {  	v9 =	vld.idx.msk [tilespmem:v0+s25+$0x0 ss:$0x1], $0xffff;
	v2 =	vmax.f32 v2, v63;
	[tilespmem:v1+s12+$0x0 ss:$0x1] =	vst.idx.msk $0xffff, v15  }
0x68: {  	v2 =	vmax.f32 v2, v12;
	v4 =	vld.idx.msk [tilespmem:v0+s20+$0x310 ss:$0x1], $0xffff  }
0x69: {  	[tilespmem:v1+s15+$0x0 ss:$0x1] =	vst.idx.msk $0xffff, v2;
	s15 =	sor.u32 $0xA0, s20;
	v16 =	vld.idx.msk [tilespmem:v0+s20+$0x390 ss:$0x1], $0xffff  }
0x6a: {  	v18 =	vld.idx.msk [tilespmem:v0+s15+$0x0 ss:$0x1], $0xffff  }
0x6b: {  	v2 =	vld.idx.msk [tilespmem:v0+s20+$0x4000 ss:$0x1], $0xffff  }
0x6c: {  	v3 =	vld.idx.msk [tilespmem:v0+s20+$0x4080 ss:$0x1], $0xffff  }
0x6d: {  	v5 =	vld.idx.msk [tilespmem:v0+s20+$0x4100 ss:$0x1], $0xffff  }
0x6e: {  	v7 =	vld.idx.msk [tilespmem:v0+s20+$0x4200 ss:$0x1], $0xffff;
	v6 =	vmax.f32 v4, v16  }
0x6f: {  	v8 =	vld.idx.msk [tilespmem:v0+s20+$0x4380 ss:$0x1], $0xffff;
	v19 =	vmax.f32 v17, v18;
	[tilespmem:v1+s13+$0x0 ss:$0x1] =	vst.idx.msk $0xffff, v6;
	s13 =	sor.u32 $0x210, s20  }
0x70: {  	v6 =	vmax.f32 v19, v9;
	v20 =	vld.idx.msk [tilespmem:v0+s13+$0x0 ss:$0x1], $0xffff  }
0x71: {  	s12 =	sor.u32 $0x30, s20;
	v12 =	vld.idx.msk [tilespmem:v0+s20+$0x2090 ss:$0x1], $0xffff;
	v6 =	vmax.f32 v6, v10  }
0x72: {  	v17 =	vld.idx.msk [tilespmem:v0+s12+$0x0 ss:$0x1], $0xffff;
	v21 =	vmax.f32 v6, v11  }
0x73: {  	s18 =	sor.u32 $0x1A0, s20;
	v18 =	vld.idx.msk [tilespmem:v0+s20+$0x60B0 ss:$0x1], $0xffff;
	[tilespmem:v1+s14+$0x0 ss:$0x1] =	vst.idx.msk $0xffff, v21  }
0x74: {  	v22 =	vld.idx.msk [tilespmem:v0+s18+$0x0 ss:$0x1], $0xffff  }
0x75: {  	v23 =	vld.idx.msk [tilespmem:v0+s20+$0x6020 ss:$0x1], $0xffff  }
0x76: {  	v4 =	vld.idx.msk [tilespmem:v0+s20+$0x4180 ss:$0x1], $0xffff;
	v12 =	vmax.f32 v20, v12  }
0x77: {  	v9 =	vld.idx.msk [tilespmem:v0+s20+$0x4300 ss:$0x1], $0xffff;
	[tilespmem:v1+s11+$0x0 ss:$0x1] =	vst.idx.msk $0xffff, v12  }
0x78: {  	v12 =	vld.idx.msk [tilespmem:v0+s20+$0x2210 ss:$0x1], $0xffff  }
0x79: {  	v13 =	vld.idx.msk [tilespmem:v0+s20+$0x2290 ss:$0x1], $0xffff  }
0x7a: {  	v14 =	vld.idx.msk [tilespmem:v0+s20+$0x2310 ss:$0x1], $0xffff;
	v10 =	vmax.f32 v22, v23  }
0x7b: {  	v24 =	vld.idx.msk [tilespmem:v0+s20+$0x2390 ss:$0x1], $0xffff;
	[tilespmem:v1+s15+$0x0 ss:$0x1] =	vst.idx.msk $0xffff, v10;
	s15 =	sor.u32 $0xB0, s20  }
0x7c: {  	v26 =	vld.idx.msk [tilespmem:v0+s15+$0x0 ss:$0x1], $0xffff  }
0x7d: {  	v6 =	vld.idx.msk [tilespmem:v0+s20+$0x4280 ss:$0x1], $0xffff  }
0x7e: {  	v15 =	vld.idx.msk [tilespmem:v0+s20+$0x320 ss:$0x1], $0xffff;
	v25 =	vmax.f32 v12, v13  }
0x7f: {  	s14 =	sor.u32 $0x130, s20;
	v16 =	vld.idx.msk [tilespmem:v0+s20+$0x3A0 ss:$0x1], $0xffff;
	v10 =	vmax.f32 v25, v14  }
0x80: {  	v27 =	vld.idx.msk [tilespmem:v0+s14+$0x0 ss:$0x1], $0xffff;
	v10 =	vmax.f32 v10, v24  }
0x81: {  	[tilespmem:v1+s13+$0x0 ss:$0x1] =	vst.idx.msk $0xffff, v10;
	v12 =	vmax.f32 v17, v26;
	v26 =	vld.idx.msk [tilespmem:v0+s20+$0x2040 ss:$0x1], $0xffff  }
0x82: {  	v10 =	vld.idx.msk [tilespmem:v0+s20+$0x4010 ss:$0x1], $0xffff  }
0x83: {  	v11 =	vld.idx.msk [tilespmem:v0+s20+$0x4090 ss:$0x1], $0xffff  }
0x84: {  	v15 =	vmax.f32 v15, v16;
	v13 =	vld.idx.msk [tilespmem:v0+s20+$0x4110 ss:$0x1], $0xffff  }
0x85: {  	s13 =	sor.u32 $0x220, s20;
	[tilespmem:v1+s25+$0x0 ss:$0x1] =	vst.idx.msk $0xffff, v15;
	v15 =	vld.idx.msk [tilespmem:v0+s20+$0x4210 ss:$0x1], $0xffff  }
0x86: {  	v12 =	vmax.f32 v12, v27;
	v29 =	vld.idx.msk [tilespmem:v0+s13+$0x0 ss:$0x1], $0xffff  }
0x87: {  	v30 =	vld.idx.msk [tilespmem:v0+s20+$0x20A0 ss:$0x1], $0xffff;
	v12 =	vmax.f32 v12, v28  }
0x88: {  	v27 =	vld.idx.msk [tilespmem:v0+s20+$0x60C0 ss:$0x1], $0xffff;
	v14 =	vmax.f32 v12, v18  }
0x89: {  	s11 =	sor.u32 $0x1B0, s20;
	v17 =	vld.idx.msk [tilespmem:v0+s20+$0x4310 ss:$0x1], $0xffff;
	[tilespmem:v1+s12+$0x0 ss:$0x1] =	vst.idx.msk $0xffff, v14  }
0x8a: {  	v31 =	vld.idx.msk [tilespmem:v0+s11+$0x0 ss:$0x1], $0xffff  }
0x8b: {  	s25 =	sor.u32 $0x140, s20;
	v19 =	vld.idx.msk [tilespmem:v0+s20+$0x6030 ss:$0x1], $0xffff  }
0x8c: {  	v25 =	vld.idx.msk [tilespmem:v0+s25+$0x0 ss:$0x1], $0xffff;
	v16 =	vmax.f32 v29, v30  }
0x8d: {  	v12 =	vld.idx.msk [tilespmem:v0+s20+$0x4190 ss:$0x1], $0xffff;
	[tilespmem:v1+s18+$0x0 ss:$0x1] =	vst.idx.msk $0xffff, v16  }
0x8e: {  	v16 =	vld.idx.msk [tilespmem:v0+s20+$0x2220 ss:$0x1], $0xffff  }
0x8f: {  	v20 =	vld.idx.msk [tilespmem:v0+s20+$0x22A0 ss:$0x1], $0xffff  }
0x90: {  	v21 =	vld.idx.msk [tilespmem:v0+s20+$0x2320 ss:$0x1], $0xffff;
	v32 =	vmax.f32 v31, v19  }
0x91: {  	v33 =	vld.idx.msk [tilespmem:v0+s20+$0x23A0 ss:$0x1], $0xffff;
	[tilespmem:v1+s15+$0x0 ss:$0x1] =	vst.idx.msk $0xffff, v32  }
0x92: {  	v34 =	vld.idx.msk [tilespmem:v0+s20+$0x330 ss:$0x1], $0xffff  }
0x93: {  	v22 =	vld.idx.msk [tilespmem:v0+s20+$0x3B0 ss:$0x1], $0xffff  }
0x94: {  	v14 =	vld.idx.msk [tilespmem:v0+s20+$0x4290 ss:$0x1], $0xffff;
	s12 =	sor.u32 $0xC0, s20  }
0x95: {  	v24 =	vld.idx.msk [tilespmem:v0+s12+$0x0 ss:$0x1], $0xffff;
	s18 =	sor.u32 $0x40, s20;
	v20 =	vmax.f32 v16, v20  }
0x96: {  	v23 =	vld.idx.msk [tilespmem:v0+s18+$0x0 ss:$0x1], $0xffff;
	v20 =	vmax.f32 v20, v21  }
0x97: {  	v16 =	vld.idx.msk [tilespmem:v0+s20+$0x4390 ss:$0x1], $0xffff;
	v18 =	vmax.f32 v20, v33  }
0x98: {  	v19 =	vmax.f32 v34, v22;
	[tilespmem:v1+s13+$0x0 ss:$0x1] =	vst.idx.msk $0xffff, v18;
	v34 =	vld.idx.msk [tilespmem:v0+s20+$0x2050 ss:$0x1], $0xffff  }
0x99: {  	v21 =	vld.idx.msk [tilespmem:v0+s20+$0x4020 ss:$0x1], $0xffff  }
0x9a: {  	v22 =	vld.idx.msk [tilespmem:v0+s20+$0x40A0 ss:$0x1], $0xffff  }
0x9b: {  	s15 =	sor.u32 $0x230, s20;
	v35 =	vmax.f32 v23, v24;
	[tilespmem:v1+s14+$0x0 ss:$0x1] =	vst.idx.msk $0xffff, v19;
	v24 =	vld.idx.msk [tilespmem:v0+s20+$0x4120 ss:$0x1], $0xffff  }
0x9c: {  	v19 =	vmax.f32 v35, v25;
	v36 =	vld.idx.msk [tilespmem:v0+s15+$0x0 ss:$0x1], $0xffff  }
0x9d: {  	v37 =	vld.idx.msk [tilespmem:v0+s20+$0x20B0 ss:$0x1], $0xffff;
	v19 =	vmax.f32 v19, v26  }
0x9e: {  	v23 =	vld.idx.msk [tilespmem:v0+s20+$0x41A0 ss:$0x1], $0xffff;
	v19 =	vmax.f32 v19, v27  }
0x9f: {  	v25 =	vld.idx.msk [tilespmem:v0+s20+$0x4220 ss:$0x1], $0xffff;
	[tilespmem:v1+s18+$0x0 ss:$0x1] =	vst.idx.msk $0xffff, v19;
	s18 =	sor.u32 $0x1C0, s20  }
0xa0: {  	v19 =	vld.idx.msk [tilespmem:v0+s18+$0x0 ss:$0x1], $0xffff  }
0xa1: {  	v38 =	vld.idx.msk [tilespmem:v0+s20+$0x6040 ss:$0x1], $0xffff  }
0xa2: {  	s13 =	sor.u32 $0x50, s20;
	v20 =	vld.idx.msk [tilespmem:v0+s20+$0x42A0 ss:$0x1], $0xffff;
	v18 =	vmax.f32 v36, v37  }
0xa3: {  	v31 =	vld.idx.msk [tilespmem:v0+s13+$0x0 ss:$0x1], $0xffff;
	[tilespmem:v1+s11+$0x0 ss:$0x1] =	vst.idx.msk $0xffff, v18  }
0xa4: {  	v18 =	vld.idx.msk [tilespmem:v0+s20+$0x2230 ss:$0x1], $0xffff  }
0xa5: {  	v39 =	vld.idx.msk [tilespmem:v0+s20+$0x22B0 ss:$0x1], $0xffff  }
0xa6: {  	v40 =	vld.idx.msk [tilespmem:v0+s20+$0x2330 ss:$0x1], $0xffff;
	v19 =	vmax.f32 v19, v38  }
0xa7: {  	v41 =	vld.idx.msk [tilespmem:v0+s20+$0x23B0 ss:$0x1], $0xffff;
	[tilespmem:v1+s12+$0x0 ss:$0x1] =	vst.idx.msk $0xffff, v19  }
0xa8: {  	v28 =	vld.idx.msk [tilespmem:v0+s20+$0x340 ss:$0x1], $0xffff  }
0xa9: {  	v29 =	vld.idx.msk [tilespmem:v0+s20+$0x3C0 ss:$0x1], $0xffff  }
0xaa: {  	s14 =	sor.u32 $0xD0, s20;
	v35 =	vld.idx.msk [tilespmem:v0+s20+$0x60D0 ss:$0x1], $0xffff  }
0xab: {  	v32 =	vld.idx.msk [tilespmem:v0+s14+$0x0 ss:$0x1], $0xffff  }
0xac: {  	v19 =	vld.idx.msk [tilespmem:v0+s20+$0x4320 ss:$0x1], $0xffff;
	s12 =	sor.u32 $0xE0, s20;
	v18 =	vmax.f32 v18, v39  }
0xad: {  	v39 =	vld.idx.msk [tilespmem:v0+s12+$0x0 ss:$0x1], $0xffff;
	v18 =	vmax.f32 v18, v40  }
0xae: {  	v26 =	vmax.f32 v18, v41;
	v18 =	vld.idx.msk [tilespmem:v0+s20+$0x43A0 ss:$0x1], $0xffff;
	v28 =	vmax.f32 v28, v29  }
0xaf: {  	v41 =	vld.idx.msk [tilespmem:v0+s20+$0x2060 ss:$0x1], $0xffff;
	[tilespmem:v1+s25+$0x0 ss:$0x1] =	vst.idx.msk $0xffff, v28;
	s25 =	sor.u32 $0x240, s20  }
0xb0: {  	v28 =	vld.idx.msk [tilespmem:v0+s25+$0x0 ss:$0x1], $0xffff  }
0xb1: {  	[tilespmem:v1+s15+$0x0 ss:$0x1] =	vst.idx.msk $0xffff, v26;
	s15 =	sor.u32 $0x150, s20;
	v30 =	vld.idx.msk [tilespmem:v0+s20+$0x20C0 ss:$0x1], $0xffff  }
0xb2: {  	v33 =	vld.idx.msk [tilespmem:v0+s15+$0x0 ss:$0x1], $0xffff  }
0xb3: {  	v26 =	vld.idx.msk [tilespmem:v0+s20+$0x4030 ss:$0x1], $0xffff  }
0xb4: {  	v27 =	vld.idx.msk [tilespmem:v0+s20+$0x40B0 ss:$0x1], $0xffff  }
0xb5: {  	v29 =	vld.idx.msk [tilespmem:v0+s20+$0x4130 ss:$0x1], $0xffff  }
0xb6: {  	v42 =	vmax.f32 v31, v32;
	v32 =	vld.idx.msk [tilespmem:v0+s20+$0x42B0 ss:$0x1], $0xffff;
	v30 =	vmax.f32 v28, v30  }
0xb7: {  	v31 =	vld.idx.msk [tilespmem:v0+s20+$0x4330 ss:$0x1], $0xffff;
	[tilespmem:v1+s18+$0x0 ss:$0x1] =	vst.idx.msk $0xffff, v30;
	v30 =	vmax.f32 v42, v33  }
0xb8: {  	v28 =	vld.idx.msk [tilespmem:v0+s20+$0x41B0 ss:$0x1], $0xffff;
	v30 =	vmax.f32 v30, v34  }
0xb9: {  	v33 =	vld.idx.msk [tilespmem:v0+s20+$0x4230 ss:$0x1], $0xffff;
	v30 =	vmax.f32 v30, v35  }
0xba: {  	s10 =	sor.u32 $0x1D0, s20;
	v43 =	vld.idx.msk [tilespmem:v0+s20+$0x2240 ss:$0x1], $0xffff;
	[tilespmem:v1+s13+$0x0 ss:$0x1] =	vst.idx.msk $0xffff, v30  }
0xbb: {  	v36 =	vld.idx.msk [tilespmem:v0+s10+$0x0 ss:$0x1], $0xffff  }
0xbc: {  	v37 =	vld.idx.msk [tilespmem:v0+s20+$0x6050 ss:$0x1], $0xffff  }
0xbd: {  	v44 =	vld.idx.msk [tilespmem:v0+s20+$0x22C0 ss:$0x1], $0xffff  }
0xbe: {  	v45 =	vld.idx.msk [tilespmem:v0+s20+$0x2340 ss:$0x1], $0xffff  }
0xbf: {  	v46 =	vld.idx.msk [tilespmem:v0+s20+$0x23C0 ss:$0x1], $0xffff  }
0xc0: {  	s18 =	sor.u32 $0x60, s20;
	v42 =	vld.idx.msk [tilespmem:v0+s20+$0x60E0 ss:$0x1], $0xffff  }
0xc1: {  	v38 =	vld.idx.msk [tilespmem:v0+s18+$0x0 ss:$0x1], $0xffff;
	s13 =	sor.u32 $0x160, s20;
	v36 =	vmax.f32 v36, v37  }
0xc2: {  	v40 =	vld.idx.msk [tilespmem:v0+s13+$0x0 ss:$0x1], $0xffff;
	v47 =	vmax.f32 v43, v44;
	[tilespmem:v1+s14+$0x0 ss:$0x1] =	vst.idx.msk $0xffff, v36  }
0xc3: {  	v30 =	vmax.f32 v47, v45;
	v36 =	vld.idx.msk [tilespmem:v0+s20+$0x350 ss:$0x1], $0xffff  }
0xc4: {  	v34 =	vmax.f32 v30, v46;
	v48 =	vld.idx.msk [tilespmem:v0+s20+$0x3D0 ss:$0x1], $0xffff  }
0xc5: {  	v30 =	vld.idx.msk [tilespmem:v0+s20+$0x43B0 ss:$0x1], $0xffff;
	[tilespmem:v1+s25+$0x0 ss:$0x1] =	vst.idx.msk $0xffff, v34  }
0xc6: {  	v34 =	vld.idx.msk [tilespmem:v0+s20+$0x4040 ss:$0x1], $0xffff  }
0xc7: {  	v35 =	vld.idx.msk [tilespmem:v0+s20+$0x40C0 ss:$0x1], $0xffff  }
0xc8: {  	v38 =	vmax.f32 v38, v39;
	v43 =	vld.idx.msk [tilespmem:v0+s20+$0x4140 ss:$0x1], $0xffff  }
0xc9: {  	v49 =	vmax.f32 v38, v40;
	s25 =	sor.u32 $0x70, s20;
	v44 =	vld.idx.msk [tilespmem:v0+s20+$0x41C0 ss:$0x1], $0xffff;
	v36 =	vmax.f32 v36, v48  }
0xca: {  	s14 =	sor.u32 $0x250, s20;
	v50 =	vmax.f32 v49, v41;
	v54 =	vld.idx.msk [tilespmem:v0+s25+$0x0 ss:$0x1], $0xffff;
	[tilespmem:v1+s15+$0x0 ss:$0x1] =	vst.idx.msk $0xffff, v36  }
0xcb: {  	v36 =	vmax.f32 v50, v42;
	v51 =	vld.idx.msk [tilespmem:v0+s14+$0x0 ss:$0x1], $0xffff  }
0xcc: {  	s11 =	sor.u32 $0x1E0, s20;
	v52 =	vld.idx.msk [tilespmem:v0+s20+$0x20D0 ss:$0x1], $0xffff;
	[tilespmem:v1+s18+$0x0 ss:$0x1] =	vst.idx.msk $0xffff, v36  }
0xcd: {  	v36 =	vld.idx.msk [tilespmem:v0+s11+$0x0 ss:$0x1], $0xffff  }
0xce: {  	s15 =	sor.u32 $0xF0, s20;
	v53 =	vld.idx.msk [tilespmem:v0+s20+$0x6060 ss:$0x1], $0xffff  }
0xcf: {  	v45 =	vld.idx.msk [tilespmem:v0+s15+$0x0 ss:$0x1], $0xffff;
	s18 =	sor.u32 $0x170, s20  }
0xd0: {  	v46 =	vld.idx.msk [tilespmem:v0+s18+$0x0 ss:$0x1], $0xffff  }
0xd1: {  	v39 =	vld.idx.msk [tilespmem:v0+s20+$0x4240 ss:$0x1], $0xffff;
	v37 =	vmax.f32 v51, v52  }
0xd2: {  	v38 =	vld.idx.msk [tilespmem:v0+s20+$0x42C0 ss:$0x1], $0xffff;
	[tilespmem:v1+s10+$0x0 ss:$0x1] =	vst.idx.msk $0xffff, v37  }
0xd3: {  	v36 =	vmax.f32 v36, v53;
	v47 =	vld.idx.msk [tilespmem:v0+s20+$0x2250 ss:$0x1], $0xffff  }
0xd4: {  	v58 =	vmax.f32 v54, v45;
	[tilespmem:v1+s12+$0x0 ss:$0x1] =	vst.idx.msk $0xffff, v36;
	v57 =	vld.idx.msk [tilespmem:v0+s20+$0x22D0 ss:$0x1], $0xffff  }
0xd5: {  	v41 =	vmax.f32 v58, v46;
	v59 =	vld.idx.msk [tilespmem:v0+s20+$0x360 ss:$0x1], $0xffff  }
0xd6: {  	v40 =	vmax.f32 v41, v55;
	v60 =	vld.idx.msk [tilespmem:v0+s20+$0x3E0 ss:$0x1], $0xffff  }
0xd7: {  	v61 =	vld.idx.msk [tilespmem:v0+s20+$0x2350 ss:$0x1], $0xffff;
	v37 =	vmax.f32 v40, v56  }
0xd8: {  	v62 =	vld.idx.msk [tilespmem:v0+s20+$0x23D0 ss:$0x1], $0xffff;
	[tilespmem:v1+s25+$0x0 ss:$0x1] =	vst.idx.msk $0xffff, v37;
	s25 =	sor.u32 $0x1F0, s20  }
0xd9: {  	v37 =	vld.idx.msk [tilespmem:v0+s25+$0x0 ss:$0x1], $0xffff  }
0xda: {  	v63 =	vld.idx.msk [tilespmem:v0+s20+$0x6070 ss:$0x1], $0xffff  }
0xdb: {  	v48 =	vld.idx.msk [tilespmem:v0+s20+$0x4340 ss:$0x1], $0xffff;
	v36 =	vmax.f32 v47, v57;
	v42 =	vmax.f32 v59, v60  }
0xdc: {  	v45 =	vld.idx.msk [tilespmem:v0+s20+$0x43C0 ss:$0x1], $0xffff;
	v36 =	vmax.f32 v36, v61;
	[tilespmem:v1+s13+$0x0 ss:$0x1] =	vst.idx.msk $0xffff, v42;
	s13 =	sor.u32 $0x260, s20  }
0xdd: {  	v36 =	vmax.f32 v36, v62;
	v50 =	vld.idx.msk [tilespmem:v0+s13+$0x0 ss:$0x1], $0xffff  }
0xde: {  	[tilespmem:v1+s14+$0x0 ss:$0x1] =	vst.idx.msk $0xffff, v36;
	v51 =	vld.idx.msk [tilespmem:v0+s20+$0x20E0 ss:$0x1], $0xffff  }
0xdf: {  	v37 =	vmax.f32 v37, v63;
	v41 =	vld.idx.msk [tilespmem:v0+s20+$0x4050 ss:$0x1], $0xffff  }
0xe0: {  	[tilespmem:v1+s15+$0x0 ss:$0x1] =	vst.idx.msk $0xffff, v37;
	v37 =	vld.idx.msk [tilespmem:v0+s20+$0x40D0 ss:$0x1], $0xffff  }
0xe1: {  	v52 =	vld.idx.msk [tilespmem:v0+s20+$0x370 ss:$0x1], $0xffff  }
0xe2: {  	v53 =	vld.idx.msk [tilespmem:v0+s20+$0x3F0 ss:$0x1], $0xffff  }
0xe3: {  	v47 =	vld.idx.msk [tilespmem:v0+s20+$0x4150 ss:$0x1], $0xffff;
	v36 =	vmax.f32 v50, v51  }
0xe4: {  	v46 =	vld.idx.msk [tilespmem:v0+s20+$0x4350 ss:$0x1], $0xffff;
	[tilespmem:v1+s11+$0x0 ss:$0x1] =	vst.idx.msk $0xffff, v36  }
0xe5: {  	v54 =	vld.idx.msk [tilespmem:v0+s20+$0x2260 ss:$0x1], $0xffff  }
0xe6: {  	v49 =	vld.idx.msk [tilespmem:v0+s20+$0x22E0 ss:$0x1], $0xffff  }
0xe7: {  	v50 =	vld.idx.msk [tilespmem:v0+s20+$0x2360 ss:$0x1], $0xffff;
	v42 =	vmax.f32 v52, v53  }
0xe8: {  	v55 =	vld.idx.msk [tilespmem:v0+s20+$0x23E0 ss:$0x1], $0xffff;
	[tilespmem:v1+s18+$0x0 ss:$0x1] =	vst.idx.msk $0xffff, v42;
	s18 =	sor.u32 $0x270, s20  }
0xe9: {  	v42 =	vld.idx.msk [tilespmem:v0+s18+$0x0 ss:$0x1], $0xffff  }
0xea: {  	v51 =	vld.idx.msk [tilespmem:v0+s20+$0x20F0 ss:$0x1], $0xffff  }
0xeb: {  	v36 =	vld.idx.msk [tilespmem:v0+s20+$0x41D0 ss:$0x1], $0xffff;
	v40 =	vmax.f32 v54, v49  }
0xec: {  	v49 =	vld.idx.msk [tilespmem:v0+s20+$0x4250 ss:$0x1], $0xffff;
	v40 =	vmax.f32 v40, v50  }
0xed: {  	v50 =	vld.idx.msk [tilespmem:v0+s20+$0x42D0 ss:$0x1], $0xffff;
	v40 =	vmax.f32 v40, v55  }
0xee: {  	v2 =	vmax.f32 v2, v3;
	[tilespmem:v1+s13+$0x0 ss:$0x1] =	vst.idx.msk $0xffff, v40;
	v40 =	vld.idx.msk [tilespmem:v0+s20+$0x43D0 ss:$0x1], $0xffff  }
0xef: {  	v2 =	vmax.f32 v2, v5;
	v3 =	vmax.f32 v42, v51;
	v42 =	vld.idx.msk [tilespmem:v0+s20+$0x4060 ss:$0x1], $0xffff  }
0xf0: {  	v2 =	vmax.f32 v2, v4;
	v56 =	vmax.f32 v10, v11;
	[tilespmem:v1+s25+$0x0 ss:$0x1] =	vst.idx.msk $0xffff, v3;
	v3 =	vld.idx.msk [tilespmem:v0+s20+$0x40E0 ss:$0x1], $0xffff  }
0xf1: {  	v2 =	vmax.f32 v2, v7;
	v57 =	vmax.f32 v56, v13;
	v58 =	vld.idx.msk [tilespmem:v0+s20+$0x2270 ss:$0x1], $0xffff  }
0xf2: {  	v2 =	vmax.f32 v2, v6;
	v4 =	vmax.f32 v57, v12;
	v59 =	vld.idx.msk [tilespmem:v0+s20+$0x22F0 ss:$0x1], $0xffff  }
0xf3: {  	v2 =	vmax.f32 v2, v9;
	v4 =	vmax.f32 v4, v15;
	v60 =	vld.idx.msk [tilespmem:v0+s20+$0x2370 ss:$0x1], $0xffff  }
0xf4: {  	v2 =	vmax.f32 v2, v8;
	v4 =	vmax.f32 v4, v14;
	v61 =	vld.idx.msk [tilespmem:v0+s20+$0x23F0 ss:$0x1], $0xffff  }
0xf5: {  	[tilespmem:v1+s20+$0x280 ss:$0x1] =	vst.idx.msk $0xffff, v2;
	v62 =	vmax.f32 v21, v22;
	v4 =	vmax.f32 v4, v17;
	v63 =	vld.idx.msk [tilespmem:v0+s20+$0x4160 ss:$0x1], $0xffff  }
0xf6: {  	v26 =	vmax.f32 v26, v27;
	v21 =	vmax.f32 v62, v24;
	v2 =	vmax.f32 v4, v16;
	v22 =	vld.idx.msk [tilespmem:v0+s20+$0x41E0 ss:$0x1], $0xffff  }
0xf7: {  	[tilespmem:v1+s20+$0x290 ss:$0x1] =	vst.idx.msk $0xffff, v2;
	v2 =	vmax.f32 v21, v23;
	v24 =	vld.idx.msk [tilespmem:v0+s20+$0x4260 ss:$0x1], $0xffff;
	v23 =	vmax.f32 v58, v59  }
0xf8: {  	v7 =	vmax.f32 v26, v29;
	v27 =	vld.idx.msk [tilespmem:v0+s20+$0x42E0 ss:$0x1], $0xffff;
	v4 =	vmax.f32 v23, v60  }
0xf9: {  	v7 =	vmax.f32 v7, v28;
	v34 =	vmax.f32 v34, v35;
	v35 =	vld.idx.msk [tilespmem:v0+s20+$0x4360 ss:$0x1], $0xffff;
	v4 =	vmax.f32 v4, v61  }
0xfa: {  	v11 =	vmax.f32 v34, v43;
	v2 =	vmax.f32 v2, v25;
	v43 =	vld.idx.msk [tilespmem:v0+s20+$0x43E0 ss:$0x1], $0xffff;
	[tilespmem:v1+s18+$0x0 ss:$0x1] =	vst.idx.msk $0xffff, v4  }
0xfb: {  	v7 =	vmax.f32 v7, v33;
	v11 =	vmax.f32 v11, v44;
	v2 =	vmax.f32 v2, v20;
	v51 =	vld.idx.msk [tilespmem:v0+s20+$0x4070 ss:$0x1], $0xffff  }
0xfc: {  	v7 =	vmax.f32 v7, v32;
	v11 =	vmax.f32 v11, v39;
	v2 =	vmax.f32 v2, v19;
	v52 =	vld.idx.msk [tilespmem:v0+s20+$0x40F0 ss:$0x1], $0xffff  }
0xfd: {  	v7 =	vmax.f32 v7, v31;
	v11 =	vmax.f32 v11, v38;
	v2 =	vmax.f32 v2, v18;
	v53 =	vld.idx.msk [tilespmem:v0+s20+$0x4170 ss:$0x1], $0xffff  }
0xfe: {  	[tilespmem:v1+s20+$0x2A0 ss:$0x1] =	vst.idx.msk $0xffff, v2;
	v2 =	vmax.f32 v7, v30;
	v54 =	vmax.f32 v11, v48;
	v55 =	vld.idx.msk [tilespmem:v0+s20+$0x41F0 ss:$0x1], $0xffff  }
0xff: {  	v56 =	vmax.f32 v41, v37;
	[tilespmem:v1+s20+$0x2B0 ss:$0x1] =	vst.idx.msk $0xffff, v2;
	v2 =	vmax.f32 v54, v45;
	v57 =	vld.idx.msk [tilespmem:v0+s20+$0x4270 ss:$0x1], $0xffff  }
0x100: {  	[tilespmem:v1+s20+$0x2C0 ss:$0x1] =	vst.idx.msk $0xffff, v2;
	v2 =	vmax.f32 v56, v47;
	v3 =	vmax.f32 v42, v3;
	v58 =	vld.idx.msk [tilespmem:v0+s20+$0x42F0 ss:$0x1], $0xffff  }
0x101: {  	v2 =	vmax.f32 v2, v36;
	v3 =	vmax.f32 v3, v63;
	v60 =	vld.idx.msk [tilespmem:v0+s20+$0x4370 ss:$0x1], $0xffff;
	v59 =	vmax.f32 v51, v52  }
0x102: {  	v2 =	vmax.f32 v2, v49;
	v3 =	vmax.f32 v3, v22;
	v62 =	vld.idx.msk [tilespmem:v0+s20+$0x43F0 ss:$0x1], $0xffff;
	v61 =	vmax.f32 v59, v53  }
0x103: {  	p2 =	slt.u32 s24, $0x38;
	v2 =	vmax.f32 v2, v50;
	v3 =	vmax.f32 v3, v24;
	v63 =	vmax.f32 v61, v55  }
.Ltmp3:
0x104: {  	v2 =	vmax.f32 v2, v46;
	v3 =	vmax.f32 v3, v27;
	v5 =	vmax.f32 v63, v57;
	(pc) =	sbr.rel @p2 .LBB2_5-.Ltmp3, $4  }
0x105: {  	v2 =	vmax.f32 v2, v40;
	v3 =	vmax.f32 v3, v35;
	v5 =	vmax.f32 v5, v58  }
0x106: {  	[tilespmem:v1+s20+$0x2D0 ss:$0x1] =	vst.idx.msk $0xffff, v2;
	v2 =	vmax.f32 v3, v43;
	v3 =	vmax.f32 v5, v60  }
0x107: {  	s25 =	sadd.s32 $0x8, s24;
	[tilespmem:v1+s20+$0x2E0 ss:$0x1] =	vst.idx.msk $0xffff, v2;
	v2 =	vmax.f32 v3, v62  }
0x108: {  	s24 =	smov.u32 s25;
	[tilespmem:v1+s20+$0x2F0 ss:$0x1] =	vst.idx.msk $0xffff, v2  }
0x109: {  	p2 =	seq.s32 s0, s8;
	_ =	strace $0x9000004B  }
0x10a: {  	p6 =	sne.s32 s31, s16;
	p3 =	sne.s32 s0, $0x0;
	p1 =	por p2, p1  }
0x10b: {  	s0 =	sadd.s32 $0x1, s0;
	p2 =	seq.s32 @p1 s19, $0x3D0;
	s10 =	sshll.u32 @p1 s19, $0xA  }
0x10c: {  	s11 =	simm.s32 @p1 $0x1400;
	_ =	strace @p1 $0x8000004C;
	s12 =	sadd.s32 @p1 $0x3, s21  }
0x10d: {  	s13 =	simm.s32 @p1 $0x0;
	p2 =	por !p2, !p1;
	s10 =	sand.u32 @p1 $0x1FFFFC00, s10  }
0x10e: {  	s11 =	simm.s32 @p2 $0x2000;
	p2 =	por !p3, !p6;
	s10 =	sadd.s32 @p1 s3, s10  }
0x10f: {  	[hbm4b:s10+s13] =	stream.linear.scatter @p1 [tilespmem:s22], [sflag:s12], s11, $0x200038;
	[tilespmem:$0x14000] =	vst v63  }
0x110: {  	s10 =	simm.s32 $0x1;
	p2 =	por !p2, !p2;
	_ =	strace @p1 $0x9000004C  }
0x111: {  	s10 =	simm.s32 @!p1 $0x0;
	p1 =	seq.s32 @p2 s17, $0x250;
	s11 =	sand.u32 @p2 $0x1, s28  }
0x112: {  	s12 =	simm.s32 @p2 $0x1400;
	s13 =	simm.s32 @p2 $0xFFFFEC00;
	p1 =	por !p1, !p2  }
0x113: {  	s12 =	simm.s32 @p1 $0x2000;
	s13 =	simm.s32 @p1 $0xFFFFE000;
	p1 =	sne.s32 s0, s6  }
.Ltmp4:
0x114: {  	_ =	strace @p2 $0x8000004D;
	s11 =	sadd.s32 @p2 $0x3, s11;
	(pc) =	sbr.rel @p1 .LBB2_2-.Ltmp4, $4  }
0x115: {  	_ =	swait.ge @p2 [sflag:s11], s12  }
0x116: {  	s31 =	smov.u32 s23;
	s12 =	simm.s32 $0x1;
	[sflag:s11] =	ssyncset.done @p2 $0x0  }
0x117: {  	s29 =	sadd.s32 s10, s29;
	s12 =	simm.s32 @!p2 $0x0;
	[sflag:s11] =	ssyncadd.s32 @p2 s13  }
0x118: {  	s30 =	sadd.s32 s10, s30;
	s28 =	sadd.s32 s12, s28;
	_ =	strace @p2 $0x9000004D  }
0x119: {  	p1 =	seq.s32 s23, $0x0  }
0x11a: {  	s0 =	rddreg [dreg:$0x3];
	s23 =	smov.u32 @p1 s6  }
0x11b: {  	s1 =	sand.u32 $0x1, s28;
	s0 =	sadd.s32 s23, s0  }
0x11c: {  	_ =	strace $0x8000004E;
	p1 =	seq.s32 s0, $0x250;
	s0 =	simm.s32 $0x1400  }
.Ltmp5:
0x11d: {  	s1 =	sadd.s32 $0x3, s1;
	s0 =	simm.s32 @!p1 $0x2000;
	(pc) =	sbr.rel @p0 .LBB2_9-.Ltmp5, $4  }
0x11e: {  	s10 =	simm.s32 $0xFFFFEC00;
	_ =	swait.ge [sflag:s1], s0  }
0x11f: {  	s10 =	simm.s32 @!p1 $0xFFFFE000;
	[sflag:s1] =	ssyncset.done $0x0  }
0x120: {  	[sflag:s1] =	ssyncadd.s32 s10  }
0x121: {  	_ =	strace $0x9000004E  }
0x122: {  	_ =	strace $0x8000004F  }
0x123: {  	s1 =	simm.s32 $0x400;
	s10 =	simm.s32 $0x7A1400;
	s0 =	rddreg [dreg:$0x4]  }
0x124: {  	[tilespmem:s5], [sflag:$0x1] =	stream.strided.gather [hbm4b:s0+s1], $0xC00, s10, s1, $0x200038;
	[tilespmem:$0x14000] =	vst v63  }
0x125: {  	s11 =	simm.s32 $0xC00;
	s0 =	sadd.s32 $0x2DC780, s0  }
0x126: {  	[tilespmem:s11], [sflag:$0x1] =	stream.linear.gather [hbm4b:s0+s5], $0x100, $0x200038;
	[tilespmem:$0x14000] =	vst v63  }
0x127: {  	_ =	strace $0x9000004F  }
0x128: {  	s28 =	simm.s32 $0x1;
	_ =	strace $0x80000051  }
0x129: {  	_ =	swait.ge [sflag:s28], $0xD00  }
0x12a: {  	[sflag:s28] =	ssyncset.done $0x0  }
0x12b: {  	[sflag:s28] =	ssyncadd.s32 $0xFFFFF300  }
0x12c: {  	_ =	strace $0x90000051  }
0x12d: {  	_ =	strace $0x80000052  }
0x12e: {  	v12 =	vld [tilespmem:$0x0]  }
0x12f: {  	v9 =	vld [tilespmem:$0x80]  }
0x130: {  	v13 =	vld [tilespmem:$0x100]  }
0x131: {  	v15 =	vld [tilespmem:$0x400]  }
0x132: {  	v18 =	vld [tilespmem:$0xC80]  }
0x133: {  	v28 =	vld [tilespmem:$0x180]  }
0x134: {  	v25 =	vld [tilespmem:$0xC00]  }
0x135: {  	v26 =	vld [tilespmem:$0x300]  }
0x136: {  	v21 =	vld [tilespmem:$0x380]  }
0x137: {  	v54 =	vld [tilespmem:$0x200]  }
0x138: {  	v29 =	vld [tilespmem:$0x480]  }
0x139: {  	v30 =	vld [tilespmem:$0x600]  }
0x13a: {  	v22 =	vld [tilespmem:$0x680]  }
0x13b: {  	v41 =	vld [tilespmem:$0x700]  }
0x13c: {  	v49 =	vld [tilespmem:$0x780]  }
0x13d: {  	v1 =	vld [tilespmem:$0x800]  }
0x13e: {  	v0 =	vld [tilespmem:$0x880]  }
0x13f: {  	v2 =	vld [tilespmem:$0x900]  }
0x140: {  	v4 =	vld [tilespmem:$0x980]  }
0x141: {  	v7 =	vld [tilespmem:$0xA00]  }
0x142: {  	v17 =	vld [tilespmem:$0xA80]  }
0x143: {  	v31 =	vld [tilespmem:$0xB00]  }
0x144: {  	v37 =	vld [tilespmem:$0xB80]  }
0x145: {  	v10 =	vld [tilespmem:$0x10]  }
0x146: {  	v8 =	vld [tilespmem:$0x90]  }
0x147: {  	v19 =	vld [tilespmem:$0x110]  }
0x148: {  	v32 =	vld [tilespmem:$0x410]  }
0x149: {  	v39 =	vld [tilespmem:$0xC90]  }
0x14a: {  	v50 =	vld [tilespmem:$0x190]  }
0x14b: {  	v47 =	vld [tilespmem:$0xC10]  }
0x14c: {  	v43 =	vld [tilespmem:$0x310]  }
0x14d: {  	v42 =	vld [tilespmem:$0x390]  }
0x14e: {  	v59 =	vld [tilespmem:$0x210]  }
0x14f: {  	v51 =	vld [tilespmem:$0x490]  }
0x150: {  	v52 =	vld [tilespmem:$0x610]  }
0x151: {  	v44 =	vld [tilespmem:$0x690]  }
0x152: {  	v61 =	vld [tilespmem:$0x710]  }
0x153: {  	v3 =	vld [tilespmem:$0x790]  }
0x154: {  	v5 =	vld [tilespmem:$0x810]  }
0x155: {  	v6 =	vld [tilespmem:$0x910]  }
0x156: {  	v16 =	vld [tilespmem:$0x990]  }
0x157: {  	v23 =	vld [tilespmem:$0xA10]  }
0x158: {  	v36 =	vld [tilespmem:$0xA90]  }
0x159: {  	v53 =	vld [tilespmem:$0xB10]  }
0x15a: {  	v11 =	vld [tilespmem:$0xB90]  }
0x15b: {  	v33 =	vld [tilespmem:$0x20]  }
0x15c: {  	v24 =	vld [tilespmem:$0xA0]  }
0x15d: {  	v40 =	vld [tilespmem:$0x120]  }
0x15e: {  	v55 =	vld [tilespmem:$0x420]  }
0x15f: {  	v63 =	vld [tilespmem:$0xCA0]  }
0x160: {  	v62 =	vld [tilespmem:$0x1A0]  }
0x161: {  	v14 =	vld [tilespmem:$0xC20]  }
0x162: {  	v20 =	vld [tilespmem:$0x320]  }
0x163: {  	v27 =	vld [tilespmem:$0x3A0]  }
0x164: {  	v34 =	vld [tilespmem:$0x220]  }
0x165: {  	v35 =	vld [tilespmem:$0x4A0]  }
0x166: {  	v38 =	vld [tilespmem:$0x620]  }
0x167: {  	v45 =	vld [tilespmem:$0x6A0]  }
0x168: {  	[tilespmem:$0x1FB20] =	vst v62;
	v62 =	vld [tilespmem:$0xCB0]  }
0x169: {  	v46 =	vld [tilespmem:$0x720]  }
0x16a: {  	v48 =	vld [tilespmem:$0x7A0]  }
0x16b: {  	v60 =	vld [tilespmem:$0xAA0]  }
0x16c: {  	v56 =	vld [tilespmem:$0xBA0]  }
0x16d: {  	[tilespmem:$0x1FC00] =	vst v62;
	v62 =	vld [tilespmem:$0x4B0]  }
0x16e: {  	v57 =	vld [tilespmem:$0x130]  }
0x16f: {  	v58 =	vld [tilespmem:$0x430]  }
0x170: {  	[tilespmem:$0x1FB00] =	vst v3;
	v3 =	vld [tilespmem:$0x890]  }
0x171: {  	[tilespmem:$0x1FB30] =	vst v14;
	v14 =	vld [tilespmem:$0x820]  }
0x172: {  	[tilespmem:$0x1FC60] =	vst v62;
	v62 =	vld [tilespmem:$0xB30]  }
0x173: {  	[tilespmem:$0x1FB10] =	vst v11;
	v11 =	vld [tilespmem:$0x8A0]  }
0x174: {  	[tilespmem:$0x1FB40] =	vst v20;
	v20 =	vld [tilespmem:$0x920]  }
0x175: {  	[tilespmem:$0x1FB60] =	vst v34;
	v34 =	vld [tilespmem:$0x9A0]  }
0x176: {  	[tilespmem:$0x1FB90] =	vst v45;
	v45 =	vld [tilespmem:$0xA20]  }
0x177: {  	[tilespmem:$0x1FCF0] =	vst v62;
	v62 =	vld [tilespmem:$0x40]  }
0x178: {  	[tilespmem:$0x1FB50] =	vst v27;
	v27 =	vld [tilespmem:$0xB20]  }
0x179: {  	[tilespmem:$0x1FBE0] =	vst v56;
	v56 =	vld [tilespmem:$0x30]  }
0x17a: {  	[tilespmem:$0x1FBA0] =	vst v46;
	v46 =	vld [tilespmem:$0xB0]  }
0x17b: {  	[tilespmem:$0x1FB70] =	vst v35;
	v35 =	vld [tilespmem:$0x1B0]  }
0x17c: {  	[tilespmem:$0x1FCC0] =	vst v62;
	v62 =	vld [tilespmem:$0x140]  }
0x17d: {  	[tilespmem:$0x1FB80] =	vst v38;
	v38 =	vld [tilespmem:$0xC30]  }
0x17e: {  	[tilespmem:$0x1FBB0] =	vst v48;
	v48 =	vld [tilespmem:$0x330]  }
0x17f: {  	[tilespmem:$0x1FBD0] =	vst v57;
	v57 =	vld [tilespmem:$0x3B0]  }
0x180: {  	[tilespmem:$0x1FBF0] =	vst v58;
	v58 =	vld [tilespmem:$0x230]  }
0x181: {  	[tilespmem:$0x1FD00] =	vst v62;
	v62 =	vld [tilespmem:$0xCC0]  }
0x182: {  	v9 =	vmax.f32 v12, v9;
	v12 =	vld [tilespmem:$0x60];
	v0 =	vmax.f32 v1, v0  }
0x183: {  	v9 =	vmax.f32 v9, v13;
	v13 =	vmax.f32 v26, v21;
	v21 =	vmax.f32 v30, v22;
	v22 =	vld [tilespmem:$0x1E0]  }
0x184: {  	v0 =	vmax.f32 v0, v2;
	v2 =	vld [tilespmem:$0x660]  }
0x185: {  	v26 =	vmax.f32 v10, v8;
	v8 =	vld [tilespmem:$0x860]  }
0x186: {  	[tilespmem:$0x1FD30] =	vst v62;
	v62 =	vld [tilespmem:$0xC40]  }
0x187: {  	v9 =	vmax.f32 v9, v15;
	v15 =	vld [tilespmem:$0x160]  }
0x188: {  	v0 =	vmax.f32 v0, v4;
	v4 =	vld [tilespmem:$0x6E0]  }
0x189: {  	[tilespmem:$0x1B00] =	vst v13;
	v13 =	vld [tilespmem:$0x1FB20]  }
0x18a: {  	v18 =	vmax.f32 v9, v18;
	v9 =	vld [tilespmem:$0x460]  }
0x18b: {  	[tilespmem:$0x1FD60] =	vst v62;
	v62 =	vld [tilespmem:$0x3C0]  }
0x18c: {  	v0 =	vmax.f32 v0, v7;
	[tilespmem:$0x1A00] =	vst v18;
	v18 =	vmax.f32 v54, v29;
	v54 =	vld [tilespmem:$0xC60]  }
0x18d: {  	v0 =	vmax.f32 v0, v17;
	v17 =	vld [tilespmem:$0x1FB60]  }
0x18e: {  	v29 =	vmax.f32 v26, v19;
	v19 =	vld [tilespmem:$0x1FB80]  }
0x18f: {  	v26 =	vld [tilespmem:$0x1FBE0]  }
0x190: {  	[tilespmem:$0x1FD80] =	vst v62;
	v62 =	vld [tilespmem:$0x4C0]  }
0x191: {  	[tilespmem:$0x1FC10] =	vst v35;
	v35 =	vld [tilespmem:$0x630]  }
0x192: {  	[tilespmem:$0x1FC20] =	vst v38;
	v38 =	vld [tilespmem:$0x6B0]  }
0x193: {  	[tilespmem:$0x1FC30] =	vst v48;
	v48 =	vld [tilespmem:$0x730]  }
0x194: {  	[tilespmem:$0x1FC40] =	vst v57;
	v57 =	vld [tilespmem:$0x7B0]  }
0x195: {  	[tilespmem:$0x1FDB0] =	vst v62;
	v62 =	vld [tilespmem:$0x6C0]  }
0x196: {  	[tilespmem:$0x1FBC0] =	vst v27;
	v27 =	vld [tilespmem:$0x8B0]  }
0x197: {  	[tilespmem:$0x1FC50] =	vst v58;
	v58 =	vld [tilespmem:$0xAB0]  }
0x198: {  	[tilespmem:$0x1FF80] =	vst v12;
	v12 =	vld [tilespmem:$0xE0]  }
0x199: {  	v0 =	vmax.f32 v0, v31;
	v31 =	vmax.f32 v5, v3;
	v5 =	vld [tilespmem:$0x760]  }
0x19a: {  	[tilespmem:$0x1FDD0] =	vst v62;
	v62 =	vld [tilespmem:$0x7C0]  }
0x19b: {  	[tilespmem:$0x1B80] =	vst v18;
	v18 =	vld [tilespmem:$0x1FB70]  }
0x19c: {  	v30 =	vmax.f32 v29, v32;
	v0 =	vmax.f32 v0, v37;
	v37 =	vmax.f32 v31, v6;
	v6 =	vld [tilespmem:$0x260]  }
0x19d: {  	v32 =	vmax.f32 v30, v39;
	v39 =	vmax.f32 v50, v47;
	v47 =	vmax.f32 v59, v51;
	v59 =	vld [tilespmem:$0x1FB10]  }
0x19e: {  	v51 =	vmax.f32 v33, v24;
	v24 =	vld [tilespmem:$0x1FBC0]  }
0x19f: {  	[tilespmem:$0x1FE30] =	vst v62;
	v62 =	vld [tilespmem:$0x940]  }
0x1a0: {  	v30 =	vld [tilespmem:$0x1FC00]  }
0x1a1: {  	v33 =	vld [tilespmem:$0x1FC20]  }
0x1a2: {  	[tilespmem:$0x1FFC0] =	vst v15;
	v15 =	vld [tilespmem:$0xCE0]  }
0x1a3: {  	[tilespmem:$0x1C80] =	vst v0;
	v0 =	vld [tilespmem:$0x4E0]  }
0x1a4: {  	[tilespmem:$0x1FD40] =	vst v62;
	v62 =	vld [tilespmem:$0x9C0]  }
0x1a5: {  	v1 =	vmax.f32 v37, v16;
	v16 =	vld [tilespmem:$0x1FB50]  }
0x1a6: {  	[tilespmem:$0x1A10] =	vst v32;
	v32 =	vld [tilespmem:$0x1FC10]  }
0x1a7: {  	[tilespmem:$0x1FFD0] =	vst v9;
	v9 =	vld [tilespmem:$0x3E0]  }
0x1a8: {  	v1 =	vmax.f32 v1, v23;
	v23 =	vld [tilespmem:$0x1FBB0]  }
0x1a9: {  	[tilespmem:$0x1FD90] =	vst v62;
	v62 =	vld [tilespmem:$0xA40]  }
0x1aa: {  	v1 =	vmax.f32 v1, v36;
	v36 =	vld [tilespmem:$0x1FC50]  }
0x1ab: {  	[tilespmem:$0x1FC70] =	vst v35;
	v35 =	vld [tilespmem:$0x830]  }
0x1ac: {  	[tilespmem:$0x1FC80] =	vst v38;
	v38 =	vld [tilespmem:$0x930]  }
0x1ad: {  	[tilespmem:$0x1FCE0] =	vst v57;
	v57 =	vld [tilespmem:$0x9B0]  }
0x1ae: {  	[tilespmem:$0x1FDE0] =	vst v62;
	v62 =	vld [tilespmem:$0xAC0]  }
0x1af: {  	[tilespmem:$0x1FCA0] =	vst v48;
	v48 =	vld [tilespmem:$0xA30]  }
0x1b0: {  	[tilespmem:$0x1FCB0] =	vst v58;
	v58 =	vld [tilespmem:$0xBB0]  }
0x1b1: {  	[tilespmem:$0x1FF90] =	vst v12;
	v12 =	vmax.f32 v28, v25;
	v25 =	vmax.f32 v21, v41;
	v41 =	vld [tilespmem:$0x360]  }
0x1b2: {  	v21 =	vld [tilespmem:$0x1FBA0]  }
0x1b3: {  	[tilespmem:$0x1FE00] =	vst v62;
	v62 =	vld [tilespmem:$0xB40]  }
0x1b4: {  	v28 =	vmax.f32 v25, v49;
	v49 =	vmax.f32 v52, v44;
	v52 =	vld [tilespmem:$0x1FB00]  }
0x1b5: {  	v25 =	vld [tilespmem:$0x1FBD0]  }
0x1b6: {  	v37 =	vld [tilespmem:$0x1FC60]  }
0x1b7: {  	[tilespmem:$0x1A90] =	vst v39;
	v39 =	vld [tilespmem:$0x1FC80]  }
0x1b8: {  	[tilespmem:$0x1FE40] =	vst v62;
	v62 =	vld [tilespmem:$0xBC0]  }
0x1b9: {  	v43 =	vmax.f32 v43, v42;
	v42 =	vld [tilespmem:$0x1FCA0]  }
0x1ba: {  	[tilespmem:$0x1B10] =	vst v43;
	v43 =	vld [tilespmem:$0x1FCB0]  }
0x1bb: {  	[tilespmem:$0x1FFF0] =	vst v22;
	v22 =	vmax.f32 v56, v46;
	v46 =	vld [tilespmem:$0x1FCE0]  }
0x1bc: {  	v50 =	vmax.f32 v49, v61;
	v61 =	vmax.f32 v14, v11;
	v14 =	vld [tilespmem:$0x1FB30]  }
0x1bd: {  	[tilespmem:$0x1FE60] =	vst v62;
	v62 =	vld [tilespmem:$0x50]  }
0x1be: {  	[tilespmem:$0x1FFE0] =	vst v15;
	v15 =	vld [tilespmem:$0x1FB40]  }
0x1bf: {  	v11 =	vld [tilespmem:$0x8E0]  }
0x1c0: {  	[tilespmem:$0x1C00] =	vst v28;
	v28 =	vld [tilespmem:$0x1FBF0]  }
0x1c1: {  	v7 =	vmax.f32 v51, v40;
	[tilespmem:$0x1A80] =	vst v12;
	v12 =	vmax.f32 v61, v20;
	v20 =	vld [tilespmem:$0x1FB90]  }
0x1c2: {  	v7 =	vmax.f32 v7, v55;
	[tilespmem:$0x1FE10] =	vst v62;
	v62 =	vld [tilespmem:$0xD0]  }
0x1c3: {  	v63 =	vmax.f32 v7, v63;
	v7 =	vmax.f32 v12, v34;
	v34 =	vld [tilespmem:$0x1FC30]  }
0x1c4: {  	[tilespmem:$0x1FD10] =	vst v58;
	v58 =	vld [tilespmem:$0xC0]  }
0x1c5: {  	[tilespmem:$0x1FC90] =	vst v48;
	v48 =	vld [tilespmem:$0x8C0]  }
0x1c6: {  	v29 =	vmax.f32 v35, v27;
	v35 =	vld [tilespmem:$0x1FC40]  }
0x1c7: {  	[tilespmem:$0x1FE20] =	vst v62;
	v62 =	vld [tilespmem:$0x150]  }
0x1c8: {  	v27 =	vld [tilespmem:$0x270]  }
0x1c9: {  	v9 =	vmax.f32 v41, v9;
	v41 =	vld [tilespmem:$0x970]  }
0x1ca: {  	v31 =	vmax.f32 v29, v38;
	v38 =	vld [tilespmem:$0x1FC70]  }
0x1cb: {  	v40 =	vld [tilespmem:$0x1FC90]  }
0x1cc: {  	[tilespmem:$0x1FE50] =	vst v62;
	v62 =	vld [tilespmem:$0x450]  }
0x1cd: {  	[tilespmem:$0x1B90] =	vst v47;
	v47 =	vld [tilespmem:$0x1FCF0]  }
0x1ce: {  	v1 =	vmax.f32 v1, v53;
	v3 =	vmax.f32 v50, v52;
	v50 =	vld [tilespmem:$0x1FD10]  }
0x1cf: {  	v1 =	vmax.f32 v1, v59;
	[tilespmem:$0x1C10] =	vst v3;
	v3 =	vld [tilespmem:$0x7E0]  }
0x1d0: {  	[tilespmem:$0x1C90] =	vst v1;
	v1 =	vmax.f32 v13, v14;
	v13 =	vld [tilespmem:$0x960]  }
0x1d1: {  	[tilespmem:$0x1FE70] =	vst v62;
	v62 =	vld [tilespmem:$0xCD0]  }
0x1d2: {  	v14 =	vld [tilespmem:$0x9E0]  }
0x1d3: {  	v10 =	vmax.f32 v15, v16;
	v15 =	vld [tilespmem:$0xAE0]  }
0x1d4: {  	[tilespmem:$0x1AA0] =	vst v1;
	v1 =	vmax.f32 v17, v18;
	v17 =	vld [tilespmem:$0xBE0]  }
0x1d5: {  	v12 =	vmax.f32 v19, v20;
	v19 =	vld [tilespmem:$0x70]  }
0x1d6: {  	[tilespmem:$0x1FEA0] =	vst v62;
	v62 =	vld [tilespmem:$0x1D0]  }
0x1d7: {  	v20 =	vld [tilespmem:$0xF0]  }
0x1d8: {  	[tilespmem:$0x1FCD0] =	vst v58;
	v58 =	vld [tilespmem:$0x440]  }
0x1d9: {  	[tilespmem:$0x1B20] =	vst v10;
	v10 =	vmax.f32 v12, v21;
	v12 =	vld [tilespmem:$0xA60]  }
0x1da: {  	v21 =	vld [tilespmem:$0x470]  }
0x1db: {  	[tilespmem:$0x1FEC0] =	vst v62;
	v62 =	vld [tilespmem:$0xC50]  }
0x1dc: {  	v7 =	vmax.f32 v7, v45;
	[tilespmem:$0x1BA0] =	vst v1;
	v1 =	vmax.f32 v10, v23;
	v23 =	vld [tilespmem:$0x1F0]  }
0x1dd: {  	v7 =	vmax.f32 v7, v60;
	[tilespmem:$0x1FD20] =	vst v58;
	v58 =	vld [tilespmem:$0x1C0]  }
0x1de: {  	v7 =	vmax.f32 v7, v24;
	v10 =	vmax.f32 v22, v25;
	v25 =	vld [tilespmem:$0xC70]  }
0x1df: {  	[tilespmem:$0x1C20] =	vst v1;
	v1 =	vmax.f32 v7, v26;
	v7 =	vmax.f32 v10, v28;
	v10 =	vld [tilespmem:$0xB60]  }
0x1e0: {  	[tilespmem:$0x1FED0] =	vst v62;
	v62 =	vld [tilespmem:$0x350]  }
0x1e1: {  	v44 =	vld [tilespmem:$0x1FCC0]  }
0x1e2: {  	v16 =	vmax.f32 v34, v35;
	[tilespmem:$0x1FD50] =	vst v58;
	v58 =	vld [tilespmem:$0x340]  }
0x1e3: {  	[tilespmem:$0x1B30] =	vst v16;
	v45 =	vld [tilespmem:$0x1FCD0]  }
0x1e4: {  	[tilespmem:$0x1CA0] =	vst v1;
	v49 =	vld [tilespmem:$0x1FD00]  }
0x1e5: {  	v1 =	vmax.f32 v7, v30;
	[tilespmem:$0x1FEE0] =	vst v62;
	v62 =	vld [tilespmem:$0x3D0]  }
0x1e6: {  	v26 =	vld [tilespmem:$0x370];
	[tilespmem:$0x1A30] =	vst v1  }
0x1e7: {  	v18 =	vmax.f32 v38, v39;
	v1 =	vmax.f32 v32, v33;
	[tilespmem:$0x1FD70] =	vst v58;
	v58 =	vld [tilespmem:$0x240]  }
0x1e8: {  	v16 =	vmax.f32 v18, v42;
	[tilespmem:$0x1AB0] =	vst v1;
	v1 =	vmax.f32 v36, v37;
	v18 =	vmax.f32 v44, v45;
	v51 =	vld [tilespmem:$0x1FD20]  }
0x1e9: {  	[tilespmem:$0x1BB0] =	vst v1;
	v1 =	vmax.f32 v16, v46;
	v16 =	vmax.f32 v18, v49;
	v18 =	vld [tilespmem:$0x170]  }
0x1ea: {  	v7 =	vmax.f32 v31, v57;
	[tilespmem:$0x1FEF0] =	vst v62;
	v62 =	vld [tilespmem:$0x250]  }
0x1eb: {  	v7 =	vmax.f32 v7, v40;
	v53 =	vld [tilespmem:$0x1FD30]  }
0x1ec: {  	v7 =	vmax.f32 v7, v43;
	[tilespmem:$0x1FDA0] =	vst v58;
	v58 =	vld [tilespmem:$0x640]  }
0x1ed: {  	v7 =	vmax.f32 v7, v47;
	v56 =	vld [tilespmem:$0x1FD50]  }
0x1ee: {  	[tilespmem:$0x1C30] =	vst v1;
	v1 =	vmax.f32 v7, v50;
	v7 =	vmax.f32 v16, v51;
	v16 =	vld [tilespmem:$0xCF0]  }
0x1ef: {  	[tilespmem:$0x1FF10] =	vst v62;
	v62 =	vld [tilespmem:$0x4D0]  }
0x1f0: {  	v57 =	vld [tilespmem:$0x1FD60]  }
0x1f1: {  	[tilespmem:$0x1FDC0] =	vst v58;
	v58 =	vld [tilespmem:$0x740]  }
0x1f2: {  	v59 =	vld [tilespmem:$0x1FD80]  }
0x1f3: {  	v61 =	vld [tilespmem:$0x1FDA0]  }
0x1f4: {  	[tilespmem:$0x1FF20] =	vst v62;
	v62 =	vld [tilespmem:$0x650]  }
0x1f5: {  	[tilespmem:$0x1A20] =	vst v63;
	v63 =	vld [tilespmem:$0x1FDB0]  }
0x1f6: {  	[tilespmem:$0x1FDF0] =	vst v58;
	v58 =	vld [tilespmem:$0x840]  }
0x1f7: {  	v28 =	vld [tilespmem:$0x1FDC0]  }
0x1f8: {  	v29 =	vld [tilespmem:$0x1FDD0]  }
0x1f9: {  	[tilespmem:$0x1FF30] =	vst v62;
	v62 =	vld [tilespmem:$0x6D0]  }
0x1fa: {  	[tilespmem:$0x1CB0] =	vst v1;
	v1 =	vmax.f32 v7, v53;
	v31 =	vld [tilespmem:$0x1FDF0]  }
0x1fb: {  	[tilespmem:$0x1A40] =	vst v1;
	v1 =	vmax.f32 v56, v57;
	v52 =	vmax.f32 v58, v48;
	v58 =	vld [tilespmem:$0x1FD70]  }
0x1fc: {  	[tilespmem:$0x1AC0] =	vst v1;
	v1 =	vmax.f32 v61, v63;
	v63 =	vld [tilespmem:$0x1FFC0]  }
0x1fd: {  	v35 =	vld [tilespmem:$0x1FE30]  }
0x1fe: {  	[tilespmem:$0x1FF40] =	vst v62;
	v62 =	vld [tilespmem:$0x750]  }
0x1ff: {  	v24 =	vmax.f32 v28, v29;
	v29 =	vld [tilespmem:$0x670]  }
0x200: {  	v22 =	vmax.f32 v58, v59;
	v58 =	vld [tilespmem:$0x1FF80]  }
0x201: {  	v59 =	vld [tilespmem:$0x1FF90]  }
0x202: {  	v55 =	vld [tilespmem:$0x1FD40]  }
0x203: {  	[tilespmem:$0x1FF60] =	vst v62;
	v62 =	vld [tilespmem:$0x7D0]  }
0x204: {  	v60 =	vld [tilespmem:$0x1FD90]  }
0x205: {  	v30 =	vld [tilespmem:$0x1FDE0]  }
0x206: {  	v32 =	vld [tilespmem:$0x1FE00]  }
0x207: {  	[tilespmem:$0x1B40] =	vst v22;
	v22 =	vmax.f32 v24, v31;
	v31 =	vld [tilespmem:$0x6F0]  }
0x208: {  	v7 =	vmax.f32 v52, v55;
	[tilespmem:$0x1FFA0] =	vst v62;
	v62 =	vld [tilespmem:$0x850]  }
0x209: {  	[tilespmem:$0x1BC0] =	vst v1;
	v1 =	vmax.f32 v22, v35;
	v35 =	vld [tilespmem:$0x1FFD0];
	v7 =	vmax.f32 v7, v60  }
0x20a: {  	v7 =	vmax.f32 v7, v30;
	v36 =	vld [tilespmem:$0x1FE40]  }
0x20b: {  	v7 =	vmax.f32 v7, v32;
	v32 =	vld [tilespmem:$0x770]  }
0x20c: {  	v38 =	vld [tilespmem:$0x1FE60]  }
0x20d: {  	[tilespmem:$0x1FE80] =	vst v62;
	v62 =	vld [tilespmem:$0x8D0]  }
0x20e: {  	v33 =	vld [tilespmem:$0x1FE10]  }
0x20f: {  	v34 =	vld [tilespmem:$0x1FE20]  }
0x210: {  	v37 =	vld [tilespmem:$0x1FE50]  }
0x211: {  	v7 =	vmax.f32 v7, v36;
	v36 =	vld [tilespmem:$0x870]  }
0x212: {  	[tilespmem:$0x1FE90] =	vst v62;
	v62 =	vld [tilespmem:$0x950]  }
0x213: {  	v39 =	vld [tilespmem:$0x1FE70]  }
0x214: {  	v24 =	vmax.f32 v33, v34;
	v33 =	vld [tilespmem:$0x7F0]  }
0x215: {  	v22 =	vmax.f32 v24, v37;
	v24 =	vld [tilespmem:$0x3F0]  }
0x216: {  	v43 =	vld [tilespmem:$0x1FEA0]  }
0x217: {  	[tilespmem:$0x1FEB0] =	vst v62;
	v62 =	vld [tilespmem:$0x9D0]  }
0x218: {  	[tilespmem:$0x1C40] =	vst v1;
	v1 =	vmax.f32 v7, v38;
	v7 =	vmax.f32 v22, v39;
	v39 =	vld [tilespmem:$0x8F0]  }
0x219: {  	v45 =	vld [tilespmem:$0x1FEC0]  }
0x21a: {  	v46 =	vld [tilespmem:$0x1FED0]  }
0x21b: {  	v47 =	vld [tilespmem:$0x1FEE0]  }
0x21c: {  	[tilespmem:$0x1FF00] =	vst v62;
	v62 =	vld [tilespmem:$0xA50]  }
0x21d: {  	v48 =	vld [tilespmem:$0x1FEF0]  }
0x21e: {  	v50 =	vld [tilespmem:$0x1FF10]  }
0x21f: {  	v51 =	vld [tilespmem:$0x1FF20]  }
0x220: {  	v52 =	vld [tilespmem:$0x1FF30]  }
0x221: {  	[tilespmem:$0x1FF50] =	vst v62;
	v62 =	vld [tilespmem:$0xAD0]  }
0x222: {  	v53 =	vld [tilespmem:$0x1FF40]  }
0x223: {  	v56 =	vld [tilespmem:$0x1FF60]  }
0x224: {  	v60 =	vld [tilespmem:$0x1FFA0]  }
0x225: {  	v40 =	vld [tilespmem:$0x1FE80]  }
0x226: {  	[tilespmem:$0x1FF70] =	vst v62;
	v62 =	vld [tilespmem:$0xB50]  }
0x227: {  	v0 =	vmax.f32 v6, v0;
	v42 =	vld [tilespmem:$0x1FE90]  }
0x228: {  	[tilespmem:$0x1BE0] =	vst v0;
	v44 =	vld [tilespmem:$0x1FEB0]  }
0x229: {  	[tilespmem:$0x1CC0] =	vst v1;
	v1 =	vmax.f32 v7, v43;
	v49 =	vld [tilespmem:$0x1FF00]  }
0x22a: {  	v8 =	vmax.f32 v8, v11;
	[tilespmem:$0x1A50] =	vst v1;
	v55 =	vld [tilespmem:$0x1FF50]  }
0x22b: {  	v38 =	vmax.f32 v8, v13;
	v1 =	vmax.f32 v45, v46;
	v45 =	vmax.f32 v19, v20;
	v57 =	vld [tilespmem:$0x1FF70];
	[tilespmem:$0x1FFB0] =	vst v62  }
0x22c: {  	[tilespmem:$0x1AD0] =	vst v1;
	v28 =	vmax.f32 v47, v48;
	v1 =	vmax.f32 v50, v51;
	v22 =	vmax.f32 v40, v42;
	v61 =	vld [tilespmem:$0x1FFB0]  }
0x22d: {  	[tilespmem:$0x1B60] =	vst v9;
	v30 =	vmax.f32 v52, v53;
	v53 =	vmax.f32 v36, v39;
	v7 =	vmax.f32 v22, v44;
	v62 =	vld [tilespmem:$0xBD0]  }
0x22e: {  	v37 =	vld [tilespmem:$0x1FFE0];
	[tilespmem:$0x1B50] =	vst v28;
	v28 =	vmax.f32 v30, v56;
	v30 =	vmax.f32 v58, v59;
	v7 =	vmax.f32 v7, v49  }
0x22f: {  	[tilespmem:$0x1BD0] =	vst v1;
	v58 =	vmax.f32 v23, v25;
	v59 =	vmax.f32 v26, v24;
	v40 =	vld [tilespmem:$0x1FFF0];
	v7 =	vmax.f32 v7, v55  }
0x230: {  	[tilespmem:$0x1AF0] =	vst v58;
	v1 =	vmax.f32 v28, v60;
	v22 =	vld [tilespmem:$0x4F0];
	v49 =	vmax.f32 v45, v18;
	v7 =	vmax.f32 v7, v57  }
0x231: {  	[tilespmem:$0x1B70] =	vst v59;
	v28 =	vmax.f32 v30, v63;
	v44 =	vld [tilespmem:$0x9F0];
	v52 =	vmax.f32 v49, v21;
	v7 =	vmax.f32 v7, v61  }
0x232: {  	v46 =	vld [tilespmem:$0xA70];
	[tilespmem:$0x1C50] =	vst v1;
	v55 =	vmax.f32 v52, v16;
	v34 =	vmax.f32 v7, v62;
	v7 =	vmax.f32 v28, v35  }
0x233: {  	v50 =	vld [tilespmem:$0xAF0];
	v56 =	vmax.f32 v53, v41;
	v60 =	vmax.f32 v29, v31;
	[tilespmem:$0x1A70] =	vst v55;
	v1 =	vmax.f32 v7, v37  }
0x234: {  	v42 =	vmax.f32 v2, v4;
	v4 =	vmax.f32 v60, v32;
	[tilespmem:$0x1A60] =	vst v1;
	v1 =	vmax.f32 v40, v54;
	v54 =	vld [tilespmem:$0xB70]  }
0x235: {  	v57 =	vld [tilespmem:$0xBF0];
	v61 =	vmax.f32 v27, v22;
	v7 =	vmax.f32 v38, v14;
	[tilespmem:$0x1AE0] =	vst v1;
	v1 =	vmax.f32 v42, v5  }
0x236: {  	[tilespmem:$0x1BF0] =	vst v61;
	v43 =	vmax.f32 v7, v12;
	v47 =	vmax.f32 v1, v3;
	v1 =	vmax.f32 v56, v44  }
0x237: {  	v62 =	vmax.f32 v4, v33;
	[tilespmem:$0x1CD0] =	vst v34;
	v2 =	vmax.f32 v43, v15;
	v1 =	vmax.f32 v1, v46  }
0x238: {  	[tilespmem:$0x1C70] =	vst v62;
	v48 =	vmax.f32 v2, v10;
	v1 =	vmax.f32 v1, v50  }
0x239: {  	[tilespmem:$0x1C60] =	vst v47;
	v51 =	vmax.f32 v48, v17;
	v1 =	vmax.f32 v1, v54  }
0x23a: {  	[tilespmem:$0x1CE0] =	vst v51;
	v63 =	vmax.f32 v1, v57  }
0x23b: {  	[tilespmem:$0x1CF0] =	vst v63  }
0x23c: {  	_ =	strace $0x90000052  }
0x23d: {  	_ =	strace $0x80000053  }
0x23e: {  	s30 =	simm.s32 $0x1A00;
	s29 =	rddreg [dreg:$0x5]  }
0x23f: {  	[hbm4b:s29+s1] =	stream.strided.scatter [tilespmem:s30], [sflag:$0x3], $0x0, s10, s1, $0x200038;
	[tilespmem:$0x14000] =	vst v63  }
0x240: {  	_ = 	snop  }
0x241: {  	[hbm4b:s29+s5] =	stream.linear.scatter [tilespmem:s30], [sflag:$0x3], $0x300, $0x200038;
	[tilespmem:$0x14000] =	vst v63  }
0x242: {  	_ =	strace $0x90000053  }
.Ltmp6:
0x243: {  	s31 =	simm.s32 $0x3;
	_ =	strace $0x80000055;
	(pc) =	sbr.rel .LBB2_9-.Ltmp6, $4  }
0x244: {  	_ =	swait.ge [sflag:s31], $0x300  }
0x245: {  	[sflag:s31] =	ssyncset.done $0x0  }
0x246: {  	[sflag:s31] =	ssyncadd.s32 $0xFFFFFD00  }
0x247: {  	_ =	strace $0x90000055  }
.LBB2_10:
0x248: {  	_ =	sfence.sel $0x180000  }
0x249: {  	[bflag:$0x0] =	sbarrier.arrive $0xFFFF  }
0x24a: {  	_ =	strace $0x90000047  }
0x24b: {  	s0 =	stileid.u32;
	[bflag:$0x2] =	sbarrier.arrive $0xFFFF  }
0x24c: {  	p0 =	sne.s32 s0, $0x0;
	s0 =	rddreg [dreg:$0x2]  }
0x24d: {  	s0 =	sadd.s32 @!p0 $0x100000, s0  }
0x24e: {  	[sflag:s0] =	ssyncadd.tile.s32 @!p0 $0x1;
	_ =	shalt  }
.Lfunc_end2:
_tile_overlayer_lowered:
.L_overlay_start_2:
0x24f: {  	(tag) =	ssettag $0x2  }
0x250: {  	s0 =	rddreg [dreg:$0x0];
	s2 =	stileid.u32  }
0x251: {  	s1 =	rddreg [dreg:$0x1];
	p0 =	sne.s32 s2, $0x0  }
0x252: {  	s3 =	rddreg [dreg:$0x2];
	[bflag:$0x3] =	sbarrier.arrive $0xFFFF;
	s2 =	simm.s32 @!p0 $0x1C01  }
0x253: {  	[timem:s3], [sflag:s2] =	dma.local @!p0 [hbm:s0], s1  }
0x254: {  	s0 =	simm.s32 @!p0 $0x1  }
0x255: {  	_ =	swait.ge @!p0 [sflag:s0], s1  }
0x256: {  	s1 =	ssub.s32 @!p0 $0x0, s1;
	[sflag:s0] =	ssyncset.done @!p0 $0x0  }
0x257: {  	[sflag:s0] =	ssyncadd.s32 @!p0 s1  }
0x258: {  	[bflag:$0x3] =	sbarrier.arrive $0xFFFF  }
0x259: {  	_ =	shalt  }

</sc_bundles>
